<compile_context>
chip_gen: v7x
topology: tpu7x:2x2x1
jax: 0.10.2.dev20260603
libtpu: 0.0.44.dev20260713+nightly
codegen_flags: <defaults>
</compile_context>

<pallas_src>
import functools

import jax
import jax.numpy as jnp
from jax import lax
from jax.experimental import pallas as pl
from jax.experimental.pallas import tpu as pltpu
from jax.experimental.pallas import tpu_sc as plsc

PCTS = (0.5, 0.75, 1.0)
PAD = 0


def _stats_body(t_ref, l0_ref, l1_ref, l2_ref,
                conf_ref, mx_ref, corr_ref):
    tgt = t_ref[0, 0, :]
    tb, d = l0_ref.shape
    lane = jax.lax.broadcasted_iota(jnp.int32, (tb, d), 1)
    for lvl, ref in enumerate((l0_ref, l1_ref, l2_ref)):
        x = ref[...]
        m = jnp.max(x, axis=1, keepdims=True)
        pred = jnp.min(jnp.where(x == m, lane, d), axis=1)
        ls = jnp.log(jnp.sum(jnp.exp(x - m), axis=1))
        conf_ref[lvl, 0, 0, :] = -ls
        mx_ref[lvl, 0, 0, :] = m[:, 0]
        corr_ref[lvl, 0, 0, :] = (pred == tgt).astype(jnp.int32)


def _select_body(t_ref, conf_ref, mx_ref, xt_ref, corr_ref, out_ref,
                 *, n_levels):
    B, T = t_ref.shape
    MIN32 = jnp.int32(-2**31)
    n_idx_bits = max(1, (T - 1).bit_length())
    idx_row = jax.lax.broadcasted_iota(jnp.int32, (B, T), 1)
    tgt = t_ref[...]
    valid = tgt != PAD
    num_valid = jnp.sum(valid.astype(jnp.float32), axis=1, keepdims=True)
    sel = jnp.zeros((B, T), dtype=jnp.bool_)
    total_loss = jnp.float32(0.0)
    total_tokens = jnp.float32(0.0)
    for lvl in range(n_levels):
        conf = conf_ref[lvl, :, :]
        ce = (0.0 - conf) + mx_ref[lvl, :, :] - xt_ref[lvl, :, :]
        corr = corr_ref[lvl, :, :] != 0
        correct_mask = corr & valid & (~sel)
        sel = sel | correct_mask
        n_lvl = jnp.ceil(num_valid * PCTS[lvl])
        num_sel = jnp.sum((sel & valid).astype(jnp.float32),
                          axis=1, keepdims=True)
        need = jnp.maximum(n_lvl - num_sel, 0.0)
        rem = valid & (~sel)
        num_rem = jnp.sum(rem.astype(jnp.float32), axis=1, keepdims=True)
        k_sel = jnp.minimum(need, num_rem)
        confz = jnp.where(conf == 0.0, 0.0, conf)
        confm = jnp.where(rem, confz, -jnp.inf)
        fb = jax.lax.bitcast_convert_type(confm, jnp.int32)
        skey = jnp.where(fb >= 0, fb, ~(fb ^ MIN32))
        c_u = jnp.zeros((B, 1), dtype=jnp.int32)
        for bit in range(31, -1, -1):
            cand = c_u | (jnp.int32(1) << bit)
            scand = cand ^ MIN32
            cnt = jnp.sum((skey >= scand).astype(jnp.float32),
                          axis=1, keepdims=True)
            c_u = jnp.where(cnt >= k_sel, cand, c_u)
        s_star = c_u ^ MIN32
        gt = skey > s_star
        cnt_gt = jnp.sum(gt.astype(jnp.float32), axis=1, keepdims=True)
        eq = skey == s_star
        r = k_sel - cnt_gt
        m_cut = jnp.zeros((B, 1), dtype=jnp.int32)
        for bit in range(n_idx_bits - 1, -1, -1):
            cand = m_cut | (jnp.int32(1) << bit)
            f_cnt = jnp.sum((eq & (idx_row < cand)).astype(jnp.float32),
                            axis=1, keepdims=True)
            m_cut = jnp.where(f_cnt < r, cand, m_cut)
        add = gt | (eq & (idx_row <= m_cut))
        sel = sel | add
        new_sel = correct_mask | add
        nsf = new_sel.astype(jnp.float32)
        total_loss = total_loss + jnp.sum(nsf * ce)
        total_tokens = total_tokens + jnp.sum(nsf)
    final = jnp.where(
        total_tokens == 0.0, 0.0,
        total_loss / jnp.maximum(total_tokens, 1.0))
    out_ref[...] = jnp.broadcast_to(final, (1, 1))


def _make_sc_gather(BT, D):
    info = plsc.get_sparse_core_info()
    nw = info.num_cores * info.num_subcores
    L = info.num_lanes
    per = BT // nw
    mesh = plsc.VectorSubcoreMesh(core_axis_name="c", subcore_axis_name="s")

    @functools.partial(
        pl.kernel, mesh=mesh,
        out_type=[jax.ShapeDtypeStruct((BT,), jnp.float32)
                  for _ in range(3)],
        scratch_types=[
            pltpu.VMEM((per,), jnp.int32),
            pltpu.VMEM((per,), jnp.int32),
            pltpu.VMEM((per,), jnp.float32),
            pltpu.SemaphoreType.DMA,
        ],
    )
    def sc_gather(f0, f1, f2, tgt_h, o0, o1, o2, tgt_v, idx_v, row_v, sem):
        wid = lax.axis_index("s") * info.num_cores + lax.axis_index("c")
        base = wid * per
        pltpu.sync_copy(tgt_h.at[pl.ds(base, per)], tgt_v)
        for c in range(per // L):
            tv = tgt_v[pl.ds(c * L, L)]
            pos = jax.lax.broadcasted_iota(jnp.int32, (L,), 0) + (base + c * L)
            idx_v[pl.ds(c * L, L)] = pos * D + tv
        for out_h, f in zip((o0, o1, o2), (f0, f1, f2)):
            pltpu.async_copy(f.at[idx_v], row_v, sem).wait()
            pltpu.sync_copy(row_v, out_h.at[pl.ds(base, per)])

    return sc_gather


@jax.jit
def kernel(logits_0, logits_1, logits_2, targets):
    B, T, D = logits_0.shape
    BT = B * T
    TB = 256
    n_blk = BT // TB
    tgt32 = targets.astype(jnp.int32)
    tgt_blk = tgt32.reshape(n_blk, 1, TB)
    flat = [x.reshape(BT, D) for x in (logits_0, logits_1, logits_2)]
    flat1d = [x.reshape(BT * D) for x in (logits_0, logits_1, logits_2)]

    xt0, xt1, xt2 = _make_sc_gather(BT, D)(*flat1d, tgt32.reshape(BT))
    xt = jnp.stack([xt0, xt1, xt2])

    stats_out = [
        jax.ShapeDtypeStruct((3, n_blk, 1, TB), jnp.float32),
        jax.ShapeDtypeStruct((3, n_blk, 1, TB), jnp.float32),
        jax.ShapeDtypeStruct((3, n_blk, 1, TB), jnp.int32),
    ]

    conf, mx, corr = pl.pallas_call(
        _stats_body,
        grid=(n_blk,),
        in_specs=[
            pl.BlockSpec((1, 1, TB), lambda i: (i, 0, 0)),
            pl.BlockSpec((TB, D), lambda i: (i, 0)),
            pl.BlockSpec((TB, D), lambda i: (i, 0)),
            pl.BlockSpec((TB, D), lambda i: (i, 0)),
        ],
        out_specs=[
            pl.BlockSpec((3, 1, 1, TB), lambda i: (0, i, 0, 0)),
            pl.BlockSpec((3, 1, 1, TB), lambda i: (0, i, 0, 0)),
            pl.BlockSpec((3, 1, 1, TB), lambda i: (0, i, 0, 0)),
        ],
        out_shape=stats_out,
    )(tgt_blk, *flat)

    conf = conf.reshape(3, B, T)
    mx = mx.reshape(3, B, T)
    corr = corr.reshape(3, B, T)
    xt = xt.reshape(3, B, T)

    loss = pl.pallas_call(
        functools.partial(_select_body, n_levels=3),
        out_shape=jax.ShapeDtypeStruct((1, 1), jnp.float32),
    )(tgt32, conf, mx, xt, corr)
    return loss[0, 0]

# --- scband reference (transcript-rebuilt; emitter-appended) ---
"""Pipeline reference for scband-multi-level-loss-58574763983114 (READ-ONLY COPY).

The authoritative reference and input builder live on the scoring server;
editing this copy changes nothing except your own understanding.
"""

import jax, jax.numpy as jnp
import numpy as np

PAD_IDX = 0
PCTS = (0.5, 0.75, 1.0)


def setup_inputs(seed: int = 0) -> dict:
    key = jax.random.key(seed)
    k0, k1, k2, k3 = jax.random.split(key, 4)
    B, T, D = 2, 2048, 4096
    return {
        "logits_0": jax.random.normal(k0, (B, T, D), dtype=jnp.float32),
        "logits_1": jax.random.normal(k1, (B, T, D), dtype=jnp.float32),
        "logits_2": jax.random.normal(k2, (B, T, D), dtype=jnp.float32),
        "targets": jax.random.randint(k3, (B, T), 0, D).astype(jnp.int64),
    }


def _multi_level_loss(logits_list, targets):
    B, T = targets.shape
    valid_mask = targets != PAD_IDX
    num_valid = valid_mask.sum(axis=1)
    selected_mask = jnp.zeros((B, T), dtype=bool)
    total_loss = jnp.float32(0.0)
    total_tokens = jnp.int32(0)
    idxs = jnp.arange(T)[None, :]
    batch_idx = jnp.broadcast_to(jnp.arange(B)[:, None], (B, T))
    for level_i in range(len(logits_list)):
        logits_i = logits_list[level_i]
        pct_i = PCTS[level_i]
        N_i_per_seq = jnp.ceil(num_valid.astype(jnp.float32) * pct_i).astype(jnp.int32)
        preds = jnp.argmax(logits_i, axis=2)
        log_probs = jax.nn.log_softmax(logits_i, axis=2)
        confidences = jnp.take_along_axis(log_probs, preds[:, :, None], axis=2)[:, :, 0]
        correct_mask = (preds == targets) & valid_mask & (~selected_mask)
        previous_selected_mask = selected_mask
        selected_mask = selected_mask | correct_mask
        # select additional positions by highest confidence among remaining
        num_selected_per_seq = (selected_mask & valid_mask).sum(axis=1)
        need_more = jnp.clip(N_i_per_seq - num_selected_per_seq, 0)
        remaining_mask = valid_mask & (~selected_mask)
        num_remaining_per_seq = remaining_mask.sum(axis=1)
        select_lengths = jnp.minimum(need_more, num_remaining_per_seq)
        conf_rem = jnp.where(remaining_mask, confidences, -jnp.inf)
        sorted_indices = jnp.argsort(-conf_rem, axis=1)  # descending
        sel_in_sorted = idxs < select_lengths[:, None]
        add_mask = jnp.zeros((B, T), dtype=bool).at[batch_idx, sorted_indices].set(sel_in_sorted)
        selected_mask = selected_mask | add_mask
        new_selected_mask = selected_mask ^ previous_selected_mask
        sel_pos = new_selected_mask & valid_mask
        ce = -jnp.take_along_axis(log_probs, targets[:, :, None].astype(jnp.int32), axis=2)[:, :, 0]
        total_loss = total_loss + jnp.sum(jnp.where(sel_pos, ce, 0.0))
        total_tokens = total_tokens + sel_pos.sum()
    final_loss = jnp.where(
        total_tokens == 0,
        jnp.float32(0.0),
        total_loss / jnp.maximum(total_tokens, 1).astype(jnp.float32),
    )
    return final_loss


def reference(logits_0, logits_1, logits_2, targets):
    return _multi_level_loss([logits_0, logits_1, logits_2], targets)

if __name__ == "__main__":
    import jax
    _d = setup_inputs()
    print(jax.jit(kernel)(*tuple(_d.values())))

</pallas_src>

<mosaic_0001>
#map = affine_map<(d0, d1) -> (0)>
module attributes {stable_mosaic.version = 14 : i64} {
  func.func @sc_gather(%arg0: i32, %arg1: i32, %arg2: memref<16777216xf32, #tpu.memory_space<hbm>>, %arg3: memref<16777216xf32, #tpu.memory_space<hbm>>, %arg4: memref<16777216xf32, #tpu.memory_space<hbm>>, %arg5: memref<4096xi32, #tpu.memory_space<hbm>>, %arg6: memref<4096xf32, #tpu.memory_space<hbm>>, %arg7: memref<4096xf32, #tpu.memory_space<hbm>>, %arg8: memref<4096xf32, #tpu.memory_space<hbm>>, %arg9: memref<128xi32, #tpu.memory_space<vmem>>, %arg10: memref<128xi32, #tpu.memory_space<vmem>>, %arg11: memref<128xf32, #tpu.memory_space<vmem>>, %arg12: memref<!tpu.dma_semaphore, #tpu.memory_space<semaphore_mem>>) attributes {dimension_semantics = [#tpu.dimension_semantics<core_parallel>, #tpu.dimension_semantics<subcore_parallel>], iteration_bounds = array<i64: 2, 16>, scalar_prefetch = 0 : i64, scratch_operands = 4 : i64, tpu.core_type = #tpu.core_type<sc_vector_subcore>, window_params = [{transform_indices = #map}, {transform_indices = #map}, {transform_indices = #map}, {transform_indices = #map}, {transform_indices = #map}, {transform_indices = #map}, {transform_indices = #map}]} {
    %mul3A = arith.constant 2 : i32
    %mul3A_0 = arith.muli %arg1, %mul3A : i32
    %add3A = arith.addi %mul3A_0, %arg0 : i32
    %mul3A_1 = arith.constant 128 : i32
    %mul3A_2 = arith.muli %add3A, %mul3A_1 : i32
    "tpu.region"() ({
      %run_scoped3A = tpu.sem_alloc : memref<!tpu.dma_semaphore, #tpu.memory_space<semaphore_mem>>
      %dma_start3A_138 = tpu.memref_slice %arg5[%mul3A_2] : memref<4096xi32, #tpu.memory_space<hbm>> -> memref<128xi32, #tpu.memory_space<hbm>>
      %dma_start3A_139 = tpu.memref_slice %arg5[%mul3A_2] : memref<4096xi32, #tpu.memory_space<hbm>> -> memref<128xi32, #tpu.memory_space<hbm>>
      tpu.enqueue_dma source(%dma_start3A_139 : memref<128xi32, #tpu.memory_space<hbm>>) target(%arg9 : memref<128xi32, #tpu.memory_space<vmem>>) target_semaphore(%run_scoped3A : memref<!tpu.dma_semaphore, #tpu.memory_space<semaphore_mem>>)
      %dma_wait3A_140 = tpu.memref_slice %arg5[%mul3A_2] : memref<4096xi32, #tpu.memory_space<hbm>> -> memref<128xi32, #tpu.memory_space<hbm>>
      %dma_wait3A_141 = tpu.memref_slice %arg5[%mul3A_2] : memref<4096xi32, #tpu.memory_space<hbm>> -> memref<128xi32, #tpu.memory_space<hbm>>
      tpu.wait_dma2 semaphore(%run_scoped3A : memref<!tpu.dma_semaphore, #tpu.memory_space<semaphore_mem>>) src(%dma_wait3A_141 : memref<128xi32, #tpu.memory_space<hbm>>) dst(%arg9 : memref<128xi32, #tpu.memory_space<vmem>>)
      tpu.yield
    }) : () -> ()
    %get3A = arith.constant 0 : index
    %get3A_3 = tpu.vector_load %arg9[%get3A] {strides = array<i32>} : memref<128xi32, #tpu.memory_space<vmem>>, vector<16xi32>,
    %get3A_4 = vector.shape_cast %get3A_3 : vector<16xi32> to vector<16xi32>
    %iota3A = tpu.iota {dimensions = array<i32: 0>} : vector<16xi32>
    %add3A_5 = arith.constant 0 : i32
    %add3A_6 = arith.addi %mul3A_2, %add3A_5 : i32
    %add3A_7 = vector.broadcast %add3A_6 : i32 to vector<16xi32>
    %add3A_8 = arith.addi %iota3A, %add3A_7 : vector<16xi32>
    %mul3A_9 = arith.constant 4096 : i32
    %mul3A_10 = vector.broadcast %mul3A_9 : i32 to vector<16xi32>
    %mul3A_11 = arith.muli %add3A_8, %mul3A_10 : vector<16xi32>
    %add3A_12 = arith.addi %mul3A_11, %get3A_4 : vector<16xi32>
    %swap3A = arith.constant 0 : index
    %swap3A_13 = tpu.vector_load %arg10[%swap3A] {strides = array<i32>} : memref<128xi32, #tpu.memory_space<vmem>>, vector<16xi32>,
    %swap3A_14 = vector.shape_cast %swap3A_13 : vector<16xi32> to vector<16xi32>
    %swap3A_15 = vector.shape_cast %add3A_12 : vector<16xi32> to vector<16xi32>
    tpu.vector_store %arg10[%swap3A], %swap3A_15 {strides = array<i32>} : memref<128xi32, #tpu.memory_space<vmem>>, vector<16xi32>,
    %get3A_16 = arith.constant 16 : index
    %get3A_17 = tpu.vector_load %arg9[%get3A_16] {strides = array<i32>} : memref<128xi32, #tpu.memory_space<vmem>>, vector<16xi32>,
    %get3A_18 = vector.shape_cast %get3A_17 : vector<16xi32> to vector<16xi32>
    %iota3A_19 = tpu.iota {dimensions = array<i32: 0>} : vector<16xi32>
    %add3A_20 = arith.constant 16 : i32
    %add3A_21 = arith.addi %mul3A_2, %add3A_20 : i32
    %add3A_22 = vector.broadcast %add3A_21 : i32 to vector<16xi32>
    %add3A_23 = arith.addi %iota3A_19, %add3A_22 : vector<16xi32>
    %mul3A_24 = arith.constant 4096 : i32
    %mul3A_25 = vector.broadcast %mul3A_24 : i32 to vector<16xi32>
    %mul3A_26 = arith.muli %add3A_23, %mul3A_25 : vector<16xi32>
    %add3A_27 = arith.addi %mul3A_26, %get3A_18 : vector<16xi32>
    %swap3A_28 = arith.constant 16 : index
    %swap3A_29 = tpu.vector_load %arg10[%swap3A_28] {strides = array<i32>} : memref<128xi32, #tpu.memory_space<vmem>>, vector<16xi32>,
    %swap3A_30 = vector.shape_cast %swap3A_29 : vector<16xi32> to vector<16xi32>
    %swap3A_31 = vector.shape_cast %add3A_27 : vector<16xi32> to vector<16xi32>
    tpu.vector_store %arg10[%swap3A_28], %swap3A_31 {strides = array<i32>} : memref<128xi32, #tpu.memory_space<vmem>>, vector<16xi32>,
    %get3A_32 = arith.constant 32 : index
    %get3A_33 = tpu.vector_load %arg9[%get3A_32] {strides = array<i32>} : memref<128xi32, #tpu.memory_space<vmem>>, vector<16xi32>,
    %get3A_34 = vector.shape_cast %get3A_33 : vector<16xi32> to vector<16xi32>
    %iota3A_35 = tpu.iota {dimensions = array<i32: 0>} : vector<16xi32>
    %add3A_36 = arith.constant 32 : i32
    %add3A_37 = arith.addi %mul3A_2, %add3A_36 : i32
    %add3A_38 = vector.broadcast %add3A_37 : i32 to vector<16xi32>
    %add3A_39 = arith.addi %iota3A_35, %add3A_38 : vector<16xi32>
    %mul3A_40 = arith.constant 4096 : i32
    %mul3A_41 = vector.broadcast %mul3A_40 : i32 to vector<16xi32>
    %mul3A_42 = arith.muli %add3A_39, %mul3A_41 : vector<16xi32>
    %add3A_43 = arith.addi %mul3A_42, %get3A_34 : vector<16xi32>
    %swap3A_44 = arith.constant 32 : index
    %swap3A_45 = tpu.vector_load %arg10[%swap3A_44] {strides = array<i32>} : memref<128xi32, #tpu.memory_space<vmem>>, vector<16xi32>,
    %swap3A_46 = vector.shape_cast %swap3A_45 : vector<16xi32> to vector<16xi32>
    %swap3A_47 = vector.shape_cast %add3A_43 : vector<16xi32> to vector<16xi32>
    tpu.vector_store %arg10[%swap3A_44], %swap3A_47 {strides = array<i32>} : memref<128xi32, #tpu.memory_space<vmem>>, vector<16xi32>,
    %get3A_48 = arith.constant 48 : index
    %get3A_49 = tpu.vector_load %arg9[%get3A_48] {strides = array<i32>} : memref<128xi32, #tpu.memory_space<vmem>>, vector<16xi32>,
    %get3A_50 = vector.shape_cast %get3A_49 : vector<16xi32> to vector<16xi32>
    %iota3A_51 = tpu.iota {dimensions = array<i32: 0>} : vector<16xi32>
    %add3A_52 = arith.constant 48 : i32
    %add3A_53 = arith.addi %mul3A_2, %add3A_52 : i32
    %add3A_54 = vector.broadcast %add3A_53 : i32 to vector<16xi32>
    %add3A_55 = arith.addi %iota3A_51, %add3A_54 : vector<16xi32>
    %mul3A_56 = arith.constant 4096 : i32
    %mul3A_57 = vector.broadcast %mul3A_56 : i32 to vector<16xi32>
    %mul3A_58 = arith.muli %add3A_55, %mul3A_57 : vector<16xi32>
    %add3A_59 = arith.addi %mul3A_58, %get3A_50 : vector<16xi32>
    %swap3A_60 = arith.constant 48 : index
    %swap3A_61 = tpu.vector_load %arg10[%swap3A_60] {strides = array<i32>} : memref<128xi32, #tpu.memory_space<vmem>>, vector<16xi32>,
    %swap3A_62 = vector.shape_cast %swap3A_61 : vector<16xi32> to vector<16xi32>
    %swap3A_63 = vector.shape_cast %add3A_59 : vector<16xi32> to vector<16xi32>
    tpu.vector_store %arg10[%swap3A_60], %swap3A_63 {strides = array<i32>} : memref<128xi32, #tpu.memory_space<vmem>>, vector<16xi32>,
    %get3A_64 = arith.constant 64 : index
    %get3A_65 = tpu.vector_load %arg9[%get3A_64] {strides = array<i32>} : memref<128xi32, #tpu.memory_space<vmem>>, vector<16xi32>,
    %get3A_66 = vector.shape_cast %get3A_65 : vector<16xi32> to vector<16xi32>
    %iota3A_67 = tpu.iota {dimensions = array<i32: 0>} : vector<16xi32>
    %add3A_68 = arith.constant 64 : i32
    %add3A_69 = arith.addi %mul3A_2, %add3A_68 : i32
    %add3A_70 = vector.broadcast %add3A_69 : i32 to vector<16xi32>
    %add3A_71 = arith.addi %iota3A_67, %add3A_70 : vector<16xi32>
    %mul3A_72 = arith.constant 4096 : i32
    %mul3A_73 = vector.broadcast %mul3A_72 : i32 to vector<16xi32>
    %mul3A_74 = arith.muli %add3A_71, %mul3A_73 : vector<16xi32>
    %add3A_75 = arith.addi %mul3A_74, %get3A_66 : vector<16xi32>
    %swap3A_76 = arith.constant 64 : index
    %swap3A_77 = tpu.vector_load %arg10[%swap3A_76] {strides = array<i32>} : memref<128xi32, #tpu.memory_space<vmem>>, vector<16xi32>,
    %swap3A_78 = vector.shape_cast %swap3A_77 : vector<16xi32> to vector<16xi32>
    %swap3A_79 = vector.shape_cast %add3A_75 : vector<16xi32> to vector<16xi32>
    tpu.vector_store %arg10[%swap3A_76], %swap3A_79 {strides = array<i32>} : memref<128xi32, #tpu.memory_space<vmem>>, vector<16xi32>,
    %get3A_80 = arith.constant 80 : index
    %get3A_81 = tpu.vector_load %arg9[%get3A_80] {strides = array<i32>} : memref<128xi32, #tpu.memory_space<vmem>>, vector<16xi32>,
    %get3A_82 = vector.shape_cast %get3A_81 : vector<16xi32> to vector<16xi32>
    %iota3A_83 = tpu.iota {dimensions = array<i32: 0>} : vector<16xi32>
    %add3A_84 = arith.constant 80 : i32
    %add3A_85 = arith.addi %mul3A_2, %add3A_84 : i32
    %add3A_86 = vector.broadcast %add3A_85 : i32 to vector<16xi32>
    %add3A_87 = arith.addi %iota3A_83, %add3A_86 : vector<16xi32>
    %mul3A_88 = arith.constant 4096 : i32
    %mul3A_89 = vector.broadcast %mul3A_88 : i32 to vector<16xi32>
    %mul3A_90 = arith.muli %add3A_87, %mul3A_89 : vector<16xi32>
    %add3A_91 = arith.addi %mul3A_90, %get3A_82 : vector<16xi32>
    %swap3A_92 = arith.constant 80 : index
    %swap3A_93 = tpu.vector_load %arg10[%swap3A_92] {strides = array<i32>} : memref<128xi32, #tpu.memory_space<vmem>>, vector<16xi32>,
    %swap3A_94 = vector.shape_cast %swap3A_93 : vector<16xi32> to vector<16xi32>
    %swap3A_95 = vector.shape_cast %add3A_91 : vector<16xi32> to vector<16xi32>
    tpu.vector_store %arg10[%swap3A_92], %swap3A_95 {strides = array<i32>} : memref<128xi32, #tpu.memory_space<vmem>>, vector<16xi32>,
    %get3A_96 = arith.constant 96 : index
    %get3A_97 = tpu.vector_load %arg9[%get3A_96] {strides = array<i32>} : memref<128xi32, #tpu.memory_space<vmem>>, vector<16xi32>,
    %get3A_98 = vector.shape_cast %get3A_97 : vector<16xi32> to vector<16xi32>
    %iota3A_99 = tpu.iota {dimensions = array<i32: 0>} : vector<16xi32>
    %add3A_100 = arith.constant 96 : i32
    %add3A_101 = arith.addi %mul3A_2, %add3A_100 : i32
    %add3A_102 = vector.broadcast %add3A_101 : i32 to vector<16xi32>
    %add3A_103 = arith.addi %iota3A_99, %add3A_102 : vector<16xi32>
    %mul3A_104 = arith.constant 4096 : i32
    %mul3A_105 = vector.broadcast %mul3A_104 : i32 to vector<16xi32>
    %mul3A_106 = arith.muli %add3A_103, %mul3A_105 : vector<16xi32>
    %add3A_107 = arith.addi %mul3A_106, %get3A_98 : vector<16xi32>
    %swap3A_108 = arith.constant 96 : index
    %swap3A_109 = tpu.vector_load %arg10[%swap3A_108] {strides = array<i32>} : memref<128xi32, #tpu.memory_space<vmem>>, vector<16xi32>,
    %swap3A_110 = vector.shape_cast %swap3A_109 : vector<16xi32> to vector<16xi32>
    %swap3A_111 = vector.shape_cast %add3A_107 : vector<16xi32> to vector<16xi32>
    tpu.vector_store %arg10[%swap3A_108], %swap3A_111 {strides = array<i32>} : memref<128xi32, #tpu.memory_space<vmem>>, vector<16xi32>,
    %get3A_112 = arith.constant 112 : index
    %get3A_113 = tpu.vector_load %arg9[%get3A_112] {strides = array<i32>} : memref<128xi32, #tpu.memory_space<vmem>>, vector<16xi32>,
    %get3A_114 = vector.shape_cast %get3A_113 : vector<16xi32> to vector<16xi32>
    %iota3A_115 = tpu.iota {dimensions = array<i32: 0>} : vector<16xi32>
    %add3A_116 = arith.constant 112 : i32
    %add3A_117 = arith.addi %mul3A_2, %add3A_116 : i32
    %add3A_118 = vector.broadcast %add3A_117 : i32 to vector<16xi32>
    %add3A_119 = arith.addi %iota3A_115, %add3A_118 : vector<16xi32>
    %mul3A_120 = arith.constant 4096 : i32
    %mul3A_121 = vector.broadcast %mul3A_120 : i32 to vector<16xi32>
    %mul3A_122 = arith.muli %add3A_119, %mul3A_121 : vector<16xi32>
    %add3A_123 = arith.addi %mul3A_122, %get3A_114 : vector<16xi32>
    %swap3A_124 = arith.constant 112 : index
    %swap3A_125 = tpu.vector_load %arg10[%swap3A_124] {strides = array<i32>} : memref<128xi32, #tpu.memory_space<vmem>>, vector<16xi32>,
    %swap3A_126 = vector.shape_cast %swap3A_125 : vector<16xi32> to vector<16xi32>
    %swap3A_127 = vector.shape_cast %add3A_123 : vector<16xi32> to vector<16xi32>
    tpu.vector_store %arg10[%swap3A_124], %swap3A_127 {strides = array<i32>} : memref<128xi32, #tpu.memory_space<vmem>>, vector<16xi32>,
    %dma_start3A = arith.constant 0 : i32
    %dma_start3A_128 = tpu.memref_slice %arg2[%dma_start3A] : memref<16777216xf32, #tpu.memory_space<hbm>> -> memref<16777216xf32, #tpu.memory_space<hbm>>
    tpu.enqueue_indirect_dma source(%dma_start3A_128 : memref<16777216xf32, #tpu.memory_space<hbm>>) target(%arg11 : memref<128xf32, #tpu.memory_space<vmem>>) offsets(%arg10 : memref<128xi32, #tpu.memory_space<vmem>>) semaphore(%arg12 : memref<!tpu.dma_semaphore, #tpu.memory_space<semaphore_mem>>)
    %dma_wait3A = arith.constant 0 : i32
    %dma_wait3A_129 = tpu.memref_slice %arg2[%dma_wait3A] : memref<16777216xf32, #tpu.memory_space<hbm>> -> memref<16777216xf32, #tpu.memory_space<hbm>>
    tpu.wait_indirect_dma semaphore(%arg12 : memref<!tpu.dma_semaphore, #tpu.memory_space<semaphore_mem>>) src(%dma_wait3A_129 : memref<16777216xf32, #tpu.memory_space<hbm>>) dst(%arg11 : memref<128xf32, #tpu.memory_space<vmem>>)
    "tpu.region"() ({
      %run_scoped3A = tpu.sem_alloc : memref<!tpu.dma_semaphore, #tpu.memory_space<semaphore_mem>>
      %dma_start3A_138 = tpu.memref_slice %arg6[%mul3A_2] : memref<4096xf32, #tpu.memory_space<hbm>> -> memref<128xf32, #tpu.memory_space<hbm>>
      %dma_start3A_139 = tpu.memref_slice %arg6[%mul3A_2] : memref<4096xf32, #tpu.memory_space<hbm>> -> memref<128xf32, #tpu.memory_space<hbm>>
      tpu.enqueue_dma source(%arg11 : memref<128xf32, #tpu.memory_space<vmem>>) target(%dma_start3A_139 : memref<128xf32, #tpu.memory_space<hbm>>) target_semaphore(%run_scoped3A : memref<!tpu.dma_semaphore, #tpu.memory_space<semaphore_mem>>)
      %dma_wait3A_140 = tpu.memref_slice %arg6[%mul3A_2] : memref<4096xf32, #tpu.memory_space<hbm>> -> memref<128xf32, #tpu.memory_space<hbm>>
      %dma_wait3A_141 = tpu.memref_slice %arg6[%mul3A_2] : memref<4096xf32, #tpu.memory_space<hbm>> -> memref<128xf32, #tpu.memory_space<hbm>>
      tpu.wait_dma2 semaphore(%run_scoped3A : memref<!tpu.dma_semaphore, #tpu.memory_space<semaphore_mem>>) src(%arg11 : memref<128xf32, #tpu.memory_space<vmem>>) dst(%dma_wait3A_141 : memref<128xf32, #tpu.memory_space<hbm>>)
      tpu.yield
    }) : () -> ()
    %dma_start3A_130 = arith.constant 0 : i32
    %dma_start3A_131 = tpu.memref_slice %arg3[%dma_start3A_130] : memref<16777216xf32, #tpu.memory_space<hbm>> -> memref<16777216xf32, #tpu.memory_space<hbm>>
    tpu.enqueue_indirect_dma source(%dma_start3A_131 : memref<16777216xf32, #tpu.memory_space<hbm>>) target(%arg11 : memref<128xf32, #tpu.memory_space<vmem>>) offsets(%arg10 : memref<128xi32, #tpu.memory_space<vmem>>) semaphore(%arg12 : memref<!tpu.dma_semaphore, #tpu.memory_space<semaphore_mem>>)
    %dma_wait3A_132 = arith.constant 0 : i32
    %dma_wait3A_133 = tpu.memref_slice %arg3[%dma_wait3A_132] : memref<16777216xf32, #tpu.memory_space<hbm>> -> memref<16777216xf32, #tpu.memory_space<hbm>>
    tpu.wait_indirect_dma semaphore(%arg12 : memref<!tpu.dma_semaphore, #tpu.memory_space<semaphore_mem>>) src(%dma_wait3A_133 : memref<16777216xf32, #tpu.memory_space<hbm>>) dst(%arg11 : memref<128xf32, #tpu.memory_space<vmem>>)
    "tpu.region"() ({
      %run_scoped3A = tpu.sem_alloc : memref<!tpu.dma_semaphore, #tpu.memory_space<semaphore_mem>>
      %dma_start3A_138 = tpu.memref_slice %arg7[%mul3A_2] : memref<4096xf32, #tpu.memory_space<hbm>> -> memref<128xf32, #tpu.memory_space<hbm>>
      %dma_start3A_139 = tpu.memref_slice %arg7[%mul3A_2] : memref<4096xf32, #tpu.memory_space<hbm>> -> memref<128xf32, #tpu.memory_space<hbm>>
      tpu.enqueue_dma source(%arg11 : memref<128xf32, #tpu.memory_space<vmem>>) target(%dma_start3A_139 : memref<128xf32, #tpu.memory_space<hbm>>) target_semaphore(%run_scoped3A : memref<!tpu.dma_semaphore, #tpu.memory_space<semaphore_mem>>)
      %dma_wait3A_140 = tpu.memref_slice %arg7[%mul3A_2] : memref<4096xf32, #tpu.memory_space<hbm>> -> memref<128xf32, #tpu.memory_space<hbm>>
      %dma_wait3A_141 = tpu.memref_slice %arg7[%mul3A_2] : memref<4096xf32, #tpu.memory_space<hbm>> -> memref<128xf32, #tpu.memory_space<hbm>>
      tpu.wait_dma2 semaphore(%run_scoped3A : memref<!tpu.dma_semaphore, #tpu.memory_space<semaphore_mem>>) src(%arg11 : memref<128xf32, #tpu.memory_space<vmem>>) dst(%dma_wait3A_141 : memref<128xf32, #tpu.memory_space<hbm>>)
      tpu.yield
    }) : () -> ()
    %dma_start3A_134 = arith.constant 0 : i32
    %dma_start3A_135 = tpu.memref_slice %arg4[%dma_start3A_134] : memref<16777216xf32, #tpu.memory_space<hbm>> -> memref<16777216xf32, #tpu.memory_space<hbm>>
    tpu.enqueue_indirect_dma source(%dma_start3A_135 : memref<16777216xf32, #tpu.memory_space<hbm>>) target(%arg11 : memref<128xf32, #tpu.memory_space<vmem>>) offsets(%arg10 : memref<128xi32, #tpu.memory_space<vmem>>) semaphore(%arg12 : memref<!tpu.dma_semaphore, #tpu.memory_space<semaphore_mem>>)
    %dma_wait3A_136 = arith.constant 0 : i32
    %dma_wait3A_137 = tpu.memref_slice %arg4[%dma_wait3A_136] : memref<16777216xf32, #tpu.memory_space<hbm>> -> memref<16777216xf32, #tpu.memory_space<hbm>>
    tpu.wait_indirect_dma semaphore(%arg12 : memref<!tpu.dma_semaphore, #tpu.memory_space<semaphore_mem>>) src(%dma_wait3A_137 : memref<16777216xf32, #tpu.memory_space<hbm>>) dst(%arg11 : memref<128xf32, #tpu.memory_space<vmem>>)
    "tpu.region"() ({
      %run_scoped3A = tpu.sem_alloc : memref<!tpu.dma_semaphore, #tpu.memory_space<semaphore_mem>>
      %dma_start3A_138 = tpu.memref_slice %arg8[%mul3A_2] : memref<4096xf32, #tpu.memory_space<hbm>> -> memref<128xf32, #tpu.memory_space<hbm>>
      %dma_start3A_139 = tpu.memref_slice %arg8[%mul3A_2] : memref<4096xf32, #tpu.memory_space<hbm>> -> memref<128xf32, #tpu.memory_space<hbm>>
      tpu.enqueue_dma source(%arg11 : memref<128xf32, #tpu.memory_space<vmem>>) target(%dma_start3A_139 : memref<128xf32, #tpu.memory_space<hbm>>) target_semaphore(%run_scoped3A : memref<!tpu.dma_semaphore, #tpu.memory_space<semaphore_mem>>)
      %dma_wait3A_140 = tpu.memref_slice %arg8[%mul3A_2] : memref<4096xf32, #tpu.memory_space<hbm>> -> memref<128xf32, #tpu.memory_space<hbm>>
      %dma_wait3A_141 = tpu.memref_slice %arg8[%mul3A_2] : memref<4096xf32, #tpu.memory_space<hbm>> -> memref<128xf32, #tpu.memory_space<hbm>>
      tpu.wait_dma2 semaphore(%run_scoped3A : memref<!tpu.dma_semaphore, #tpu.memory_space<semaphore_mem>>) src(%arg11 : memref<128xf32, #tpu.memory_space<vmem>>) dst(%dma_wait3A_141 : memref<128xf32, #tpu.memory_space<hbm>>)
      tpu.yield
    }) : () -> ()
    return
  }
}

module attributes {stable_mosaic.version = 14 : i64} {
  func.func @_stats_body(%arg0: i32, %arg1: memref<1x1x256xi32, #tpu.memory_space<vmem>>, %arg2: memref<256x4096xf32, #tpu.memory_space<vmem>>, %arg3: memref<256x4096xf32, #tpu.memory_space<vmem>>, %arg4: memref<256x4096xf32, #tpu.memory_space<vmem>>, %arg5: memref<3x1x1x256xf32, #tpu.memory_space<vmem>>, %arg6: memref<3x1x1x256xf32, #tpu.memory_space<vmem>>, %arg7: memref<3x1x1x256xi32, #tpu.memory_space<vmem>>) attributes {dimension_semantics = [#tpu.dimension_semantics<arbitrary>], iteration_bounds = array<i64: 16>, scalar_prefetch = 0 : i64, scratch_operands = 0 : i64, tpu.core_type = #tpu.core_type<tc>, window_params = [{transform_indices = @transform_0, window_bounds = array<i64: 1, 1, 256>}, {transform_indices = @transform_1, window_bounds = array<i64: 256, 4096>}, {transform_indices = @transform_2, window_bounds = array<i64: 256, 4096>}, {transform_indices = @transform_3, window_bounds = array<i64: 256, 4096>}, {transform_indices = @transform_4, window_bounds = array<i64: 3, 1, 1, 256>}, {transform_indices = @transform_5, window_bounds = array<i64: 3, 1, 1, 256>}, {transform_indices = @transform_6, window_bounds = array<i64: 3, 1, 1, 256>}]} {
    %get3A = arith.constant 0 : index
    %get3A_0 = arith.constant 0 : index
    %get3A_1 = arith.constant 0 : index
    %get3A_2 = vector.load %arg1[%get3A, %get3A_0, %get3A_1] : memref<1x1x256xi32, #tpu.memory_space<vmem>>, vector<1x1x256xi32>
    %get3A_3 = vector.shape_cast %get3A_2 : vector<1x1x256xi32> to vector<256xi32>
    %iota3A = tpu.iota {dimensions = array<i32: 1>} : vector<256x4096xi32>
    %get3A_4 = arith.constant 0 : index
    %get3A_5 = arith.constant 0 : index
    %get3A_6 = vector.load %arg2[%get3A_4, %get3A_5] : memref<256x4096xf32, #tpu.memory_space<vmem>>, vector<256x4096xf32>
    %reduce_max3A = arith.constant dense<0xFF800000> : vector<256xf32>
    %reduce_max3A_7 = vector.multi_reduction <maximumf>, %get3A_6, %reduce_max3A [1] : vector<256x4096xf32> to vector<256xf32>
    %broadcast_in_dim3A = vector.shape_cast %reduce_max3A_7 : vector<256xf32> to vector<256x1xf32>
    %eq3A = vector.broadcast %broadcast_in_dim3A : vector<256x1xf32> to vector<256x4096xf32>
    %eq3A_8 = arith.cmpf oeq, %get3A_6, %eq3A : vector<256x4096xf32>
    %jit3A = arith.constant 4096 : i32
    %broadcast_in_dim3A_9 = vector.broadcast %jit3A : i32 to vector<256x4096xi32>
    %select_n3A = arith.select %eq3A_8, %iota3A, %broadcast_in_dim3A_9 : vector<256x4096xi1>, vector<256x4096xi32>
    %reduce_min3A = arith.constant dense<2147483647> : vector<256xi32>
    %reduce_min3A_10 = vector.multi_reduction <minsi>, %select_n3A, %reduce_min3A [1] : vector<256x4096xi32> to vector<256xi32>
    %sub3A = vector.broadcast %broadcast_in_dim3A : vector<256x1xf32> to vector<256x4096xf32>
    %sub3A_11 = arith.subf %get3A_6, %sub3A : vector<256x4096xf32>
    %exp3A = math.exp %sub3A_11 : vector<256x4096xf32>
    %reduce_sum3A = arith.constant dense<0.000000e+00> : vector<256xf32>
    %reduce_sum3A_12 = vector.multi_reduction <add>, %exp3A, %reduce_sum3A [1] : vector<256x4096xf32> to vector<256xf32>
    %log3A = math.log %reduce_sum3A_12 : vector<256xf32>
    %neg3A = arith.constant 0.000000e+00 : f32
    %neg3A_13 = vector.broadcast %neg3A : f32 to vector<256xf32>
    %neg3A_14 = arith.subf %neg3A_13, %log3A : vector<256xf32>
    %swap3A = arith.constant 0 : index
    %swap3A_15 = arith.constant 0 : index
    %swap3A_16 = arith.constant 0 : index
    %swap3A_17 = arith.constant 0 : index
    %swap3A_18 = vector.load %arg5[%swap3A, %swap3A_15, %swap3A_16, %swap3A_17] : memref<3x1x1x256xf32, #tpu.memory_space<vmem>>, vector<1x1x1x256xf32>
    %swap3A_19 = vector.shape_cast %swap3A_18 : vector<1x1x1x256xf32> to vector<256xf32>
    %swap3A_20 = vector.shape_cast %neg3A_14 : vector<256xf32> to vector<1x1x1x256xf32>
    tpu.vector_store %arg5[%swap3A, %swap3A_15, %swap3A_16, %swap3A_17], %swap3A_20 {strides = array<i32>} : memref<3x1x1x256xf32, #tpu.memory_space<vmem>>, vector<1x1x1x256xf32>,
    %squeeze3A = vector.shape_cast %broadcast_in_dim3A : vector<256x1xf32> to vector<256xf32>
    %swap3A_21 = arith.constant 0 : index
    %swap3A_22 = arith.constant 0 : index
    %swap3A_23 = arith.constant 0 : index
    %swap3A_24 = arith.constant 0 : index
    %swap3A_25 = vector.load %arg6[%swap3A_21, %swap3A_22, %swap3A_23, %swap3A_24] : memref<3x1x1x256xf32, #tpu.memory_space<vmem>>, vector<1x1x1x256xf32>
    %swap3A_26 = vector.shape_cast %swap3A_25 : vector<1x1x1x256xf32> to vector<256xf32>
    %swap3A_27 = vector.shape_cast %squeeze3A : vector<256xf32> to vector<1x1x1x256xf32>
    tpu.vector_store %arg6[%swap3A_21, %swap3A_22, %swap3A_23, %swap3A_24], %swap3A_27 {strides = array<i32>} : memref<3x1x1x256xf32, #tpu.memory_space<vmem>>, vector<1x1x1x256xf32>,
    %eq3A_28 = arith.cmpi eq, %reduce_min3A_10, %get3A_3 : vector<256xi32>
    %convert_element_type3A = arith.extui %eq3A_28 : vector<256xi1> to vector<256xi32>
    %swap3A_29 = arith.constant 0 : index
    %swap3A_30 = arith.constant 0 : index
    %swap3A_31 = arith.constant 0 : index
    %swap3A_32 = arith.constant 0 : index
    %swap3A_33 = vector.load %arg7[%swap3A_29, %swap3A_30, %swap3A_31, %swap3A_32] : memref<3x1x1x256xi32, #tpu.memory_space<vmem>>, vector<1x1x1x256xi32>
    %swap3A_34 = vector.shape_cast %swap3A_33 : vector<1x1x1x256xi32> to vector<256xi32>
    %swap3A_35 = vector.shape_cast %convert_element_type3A : vector<256xi32> to vector<1x1x1x256xi32>
    tpu.vector_store %arg7[%swap3A_29, %swap3A_30, %swap3A_31, %swap3A_32], %swap3A_35 {strides = array<i32>} : memref<3x1x1x256xi32, #tpu.memory_space<vmem>>, vector<1x1x1x256xi32>,
    %get3A_36 = arith.constant 0 : index
    %get3A_37 = arith.constant 0 : index
    %get3A_38 = vector.load %arg3[%get3A_36, %get3A_37] : memref<256x4096xf32, #tpu.memory_space<vmem>>, vector<256x4096xf32>
    %reduce_max3A_39 = arith.constant dense<0xFF800000> : vector<256xf32>
    %reduce_max3A_40 = vector.multi_reduction <maximumf>, %get3A_38, %reduce_max3A_39 [1] : vector<256x4096xf32> to vector<256xf32>
    %broadcast_in_dim3A_41 = vector.shape_cast %reduce_max3A_40 : vector<256xf32> to vector<256x1xf32>
    %eq3A_42 = vector.broadcast %broadcast_in_dim3A_41 : vector<256x1xf32> to vector<256x4096xf32>
    %eq3A_43 = arith.cmpf oeq, %get3A_38, %eq3A_42 : vector<256x4096xf32>
    %jit3A_44 = arith.constant 4096 : i32
    %broadcast_in_dim3A_45 = vector.broadcast %jit3A_44 : i32 to vector<256x4096xi32>
    %select_n3A_46 = arith.select %eq3A_43, %iota3A, %broadcast_in_dim3A_45 : vector<256x4096xi1>, vector<256x4096xi32>
    %reduce_min3A_47 = arith.constant dense<2147483647> : vector<256xi32>
    %reduce_min3A_48 = vector.multi_reduction <minsi>, %select_n3A_46, %reduce_min3A_47 [1] : vector<256x4096xi32> to vector<256xi32>
    %sub3A_49 = vector.broadcast %broadcast_in_dim3A_41 : vector<256x1xf32> to vector<256x4096xf32>
    %sub3A_50 = arith.subf %get3A_38, %sub3A_49 : vector<256x4096xf32>
    %exp3A_51 = math.exp %sub3A_50 : vector<256x4096xf32>
    %reduce_sum3A_52 = arith.constant dense<0.000000e+00> : vector<256xf32>
    %reduce_sum3A_53 = vector.multi_reduction <add>, %exp3A_51, %reduce_sum3A_52 [1] : vector<256x4096xf32> to vector<256xf32>
    %log3A_54 = math.log %reduce_sum3A_53 : vector<256xf32>
    %neg3A_55 = arith.constant 0.000000e+00 : f32
    %neg3A_56 = vector.broadcast %neg3A_55 : f32 to vector<256xf32>
    %neg3A_57 = arith.subf %neg3A_56, %log3A_54 : vector<256xf32>
    %swap3A_58 = arith.constant 1 : index
    %swap3A_59 = arith.constant 0 : index
    %swap3A_60 = arith.constant 0 : index
    %swap3A_61 = arith.constant 0 : index
    %swap3A_62 = vector.load %arg5[%swap3A_58, %swap3A_59, %swap3A_60, %swap3A_61] : memref<3x1x1x256xf32, #tpu.memory_space<vmem>>, vector<1x1x1x256xf32>
    %swap3A_63 = vector.shape_cast %swap3A_62 : vector<1x1x1x256xf32> to vector<256xf32>
    %swap3A_64 = vector.shape_cast %neg3A_57 : vector<256xf32> to vector<1x1x1x256xf32>
    tpu.vector_store %arg5[%swap3A_58, %swap3A_59, %swap3A_60, %swap3A_61], %swap3A_64 {strides = array<i32>} : memref<3x1x1x256xf32, #tpu.memory_space<vmem>>, vector<1x1x1x256xf32>,
    %squeeze3A_65 = vector.shape_cast %broadcast_in_dim3A_41 : vector<256x1xf32> to vector<256xf32>
    %swap3A_66 = arith.constant 1 : index
    %swap3A_67 = arith.constant 0 : index
    %swap3A_68 = arith.constant 0 : index
    %swap3A_69 = arith.constant 0 : index
    %swap3A_70 = vector.load %arg6[%swap3A_66, %swap3A_67, %swap3A_68, %swap3A_69] : memref<3x1x1x256xf32, #tpu.memory_space<vmem>>, vector<1x1x1x256xf32>
    %swap3A_71 = vector.shape_cast %swap3A_70 : vector<1x1x1x256xf32> to vector<256xf32>
    %swap3A_72 = vector.shape_cast %squeeze3A_65 : vector<256xf32> to vector<1x1x1x256xf32>
    tpu.vector_store %arg6[%swap3A_66, %swap3A_67, %swap3A_68, %swap3A_69], %swap3A_72 {strides = array<i32>} : memref<3x1x1x256xf32, #tpu.memory_space<vmem>>, vector<1x1x1x256xf32>,
    %eq3A_73 = arith.cmpi eq, %reduce_min3A_48, %get3A_3 : vector<256xi32>
    %convert_element_type3A_74 = arith.extui %eq3A_73 : vector<256xi1> to vector<256xi32>
    %swap3A_75 = arith.constant 1 : index
    %swap3A_76 = arith.constant 0 : index
    %swap3A_77 = arith.constant 0 : index
    %swap3A_78 = arith.constant 0 : index
    %swap3A_79 = vector.load %arg7[%swap3A_75, %swap3A_76, %swap3A_77, %swap3A_78] : memref<3x1x1x256xi32, #tpu.memory_space<vmem>>, vector<1x1x1x256xi32>
    %swap3A_80 = vector.shape_cast %swap3A_79 : vector<1x1x1x256xi32> to vector<256xi32>
    %swap3A_81 = vector.shape_cast %convert_element_type3A_74 : vector<256xi32> to vector<1x1x1x256xi32>
    tpu.vector_store %arg7[%swap3A_75, %swap3A_76, %swap3A_77, %swap3A_78], %swap3A_81 {strides = array<i32>} : memref<3x1x1x256xi32, #tpu.memory_space<vmem>>, vector<1x1x1x256xi32>,
    %get3A_82 = arith.constant 0 : index
    %get3A_83 = arith.constant 0 : index
    %get3A_84 = vector.load %arg4[%get3A_82, %get3A_83] : memref<256x4096xf32, #tpu.memory_space<vmem>>, vector<256x4096xf32>
    %reduce_max3A_85 = arith.constant dense<0xFF800000> : vector<256xf32>
    %reduce_max3A_86 = vector.multi_reduction <maximumf>, %get3A_84, %reduce_max3A_85 [1] : vector<256x4096xf32> to vector<256xf32>
    %broadcast_in_dim3A_87 = vector.shape_cast %reduce_max3A_86 : vector<256xf32> to vector<256x1xf32>
    %eq3A_88 = vector.broadcast %broadcast_in_dim3A_87 : vector<256x1xf32> to vector<256x4096xf32>
    %eq3A_89 = arith.cmpf oeq, %get3A_84, %eq3A_88 : vector<256x4096xf32>
    %jit3A_90 = arith.constant 4096 : i32
    %broadcast_in_dim3A_91 = vector.broadcast %jit3A_90 : i32 to vector<256x4096xi32>
    %select_n3A_92 = arith.select %eq3A_89, %iota3A, %broadcast_in_dim3A_91 : vector<256x4096xi1>, vector<256x4096xi32>
    %reduce_min3A_93 = arith.constant dense<2147483647> : vector<256xi32>
    %reduce_min3A_94 = vector.multi_reduction <minsi>, %select_n3A_92, %reduce_min3A_93 [1] : vector<256x4096xi32> to vector<256xi32>
    %sub3A_95 = vector.broadcast %broadcast_in_dim3A_87 : vector<256x1xf32> to vector<256x4096xf32>
    %sub3A_96 = arith.subf %get3A_84, %sub3A_95 : vector<256x4096xf32>
    %exp3A_97 = math.exp %sub3A_96 : vector<256x4096xf32>
    %reduce_sum3A_98 = arith.constant dense<0.000000e+00> : vector<256xf32>
    %reduce_sum3A_99 = vector.multi_reduction <add>, %exp3A_97, %reduce_sum3A_98 [1] : vector<256x4096xf32> to vector<256xf32>
    %log3A_100 = math.log %reduce_sum3A_99 : vector<256xf32>
    %neg3A_101 = arith.constant 0.000000e+00 : f32
    %neg3A_102 = vector.broadcast %neg3A_101 : f32 to vector<256xf32>
    %neg3A_103 = arith.subf %neg3A_102, %log3A_100 : vector<256xf32>
    %swap3A_104 = arith.constant 2 : index
    %swap3A_105 = arith.constant 0 : index
    %swap3A_106 = arith.constant 0 : index
    %swap3A_107 = arith.constant 0 : index
    %swap3A_108 = vector.load %arg5[%swap3A_104, %swap3A_105, %swap3A_106, %swap3A_107] : memref<3x1x1x256xf32, #tpu.memory_space<vmem>>, vector<1x1x1x256xf32>
    %swap3A_109 = vector.shape_cast %swap3A_108 : vector<1x1x1x256xf32> to vector<256xf32>
    %swap3A_110 = vector.shape_cast %neg3A_103 : vector<256xf32> to vector<1x1x1x256xf32>
    tpu.vector_store %arg5[%swap3A_104, %swap3A_105, %swap3A_106, %swap3A_107], %swap3A_110 {strides = array<i32>} : memref<3x1x1x256xf32, #tpu.memory_space<vmem>>, vector<1x1x1x256xf32>,
    %squeeze3A_111 = vector.shape_cast %broadcast_in_dim3A_87 : vector<256x1xf32> to vector<256xf32>
    %swap3A_112 = arith.constant 2 : index
    %swap3A_113 = arith.constant 0 : index
    %swap3A_114 = arith.constant 0 : index
    %swap3A_115 = arith.constant 0 : index
    %swap3A_116 = vector.load %arg6[%swap3A_112, %swap3A_113, %swap3A_114, %swap3A_115] : memref<3x1x1x256xf32, #tpu.memory_space<vmem>>, vector<1x1x1x256xf32>
    %swap3A_117 = vector.shape_cast %swap3A_116 : vector<1x1x1x256xf32> to vector<256xf32>
    %swap3A_118 = vector.shape_cast %squeeze3A_111 : vector<256xf32> to vector<1x1x1x256xf32>
    tpu.vector_store %arg6[%swap3A_112, %swap3A_113, %swap3A_114, %swap3A_115], %swap3A_118 {strides = array<i32>} : memref<3x1x1x256xf32, #tpu.memory_space<vmem>>, vector<1x1x1x256xf32>,
    %eq3A_119 = arith.cmpi eq, %reduce_min3A_94, %get3A_3 : vector<256xi32>
    %convert_element_type3A_120 = arith.extui %eq3A_119 : vector<256xi1> to vector<256xi32>
    %swap3A_121 = arith.constant 2 : index
    %swap3A_122 = arith.constant 0 : index
    %swap3A_123 = arith.constant 0 : index
    %swap3A_124 = arith.constant 0 : index
    %swap3A_125 = vector.load %arg7[%swap3A_121, %swap3A_122, %swap3A_123, %swap3A_124] : memref<3x1x1x256xi32, #tpu.memory_space<vmem>>, vector<1x1x1x256xi32>
    %swap3A_126 = vector.shape_cast %swap3A_125 : vector<1x1x1x256xi32> to vector<256xi32>
    %swap3A_127 = vector.shape_cast %convert_element_type3A_120 : vector<256xi32> to vector<1x1x1x256xi32>
    tpu.vector_store %arg7[%swap3A_121, %swap3A_122, %swap3A_123, %swap3A_124], %swap3A_127 {strides = array<i32>} : memref<3x1x1x256xi32, #tpu.memory_space<vmem>>, vector<1x1x1x256xi32>,
    return
  }
  func.func @transform_0(%arg0: i32) -> (i32, i32, i32) {
    %c0_i32 = arith.constant 0 : i32
    %c0_i32_0 = arith.constant 0 : i32
    %c0_i32_1 = arith.constant 0 : i32
    return %arg0, %c0_i32, %c0_i32_0 : i32, i32, i32
  }
  func.func @transform_1(%arg0: i32) -> (i32, i32) {
    %c0_i32 = arith.constant 0 : i32
    %c0_i32_0 = arith.constant 0 : i32
    return %arg0, %c0_i32 : i32, i32
  }
  func.func @transform_2(%arg0: i32) -> (i32, i32) {
    %c0_i32 = arith.constant 0 : i32
    %c0_i32_0 = arith.constant 0 : i32
    return %arg0, %c0_i32 : i32, i32
  }
  func.func @transform_3(%arg0: i32) -> (i32, i32) {
    %c0_i32 = arith.constant 0 : i32
    %c0_i32_0 = arith.constant 0 : i32
    return %arg0, %c0_i32 : i32, i32
  }
  func.func @transform_4(%arg0: i32) -> (i32, i32, i32, i32) {
    %c0_i32 = arith.constant 0 : i32
    %c0_i32_0 = arith.constant 0 : i32
    %c0_i32_1 = arith.constant 0 : i32
    %c0_i32_2 = arith.constant 0 : i32
    return %c0_i32, %arg0, %c0_i32_0, %c0_i32_1 : i32, i32, i32, i32
  }
  func.func @transform_5(%arg0: i32) -> (i32, i32, i32, i32) {
    %c0_i32 = arith.constant 0 : i32
    %c0_i32_0 = arith.constant 0 : i32
    %c0_i32_1 = arith.constant 0 : i32
    %c0_i32_2 = arith.constant 0 : i32
    return %c0_i32, %arg0, %c0_i32_0, %c0_i32_1 : i32, i32, i32, i32
  }
  func.func @transform_6(%arg0: i32) -> (i32, i32, i32, i32) {
    %c0_i32 = arith.constant 0 : i32
    %c0_i32_0 = arith.constant 0 : i32
    %c0_i32_1 = arith.constant 0 : i32
    %c0_i32_2 = arith.constant 0 : i32
    return %c0_i32, %arg0, %c0_i32_0, %c0_i32_1 : i32, i32, i32, i32
  }
}

module attributes {stable_mosaic.version = 14 : i64} {
  func.func @_select_body(%arg0: memref<2x2048xi32, #tpu.memory_space<vmem>>, %arg1: memref<3x2x2048xf32, #tpu.memory_space<vmem>>, %arg2: memref<3x2x2048xf32, #tpu.memory_space<vmem>>, %arg3: memref<3x2x2048xf32, #tpu.memory_space<vmem>>, %arg4: memref<3x2x2048xi32, #tpu.memory_space<vmem>>, %arg5: memref<1x1xf32, #tpu.memory_space<vmem>>) attributes {dimension_semantics = [], scalar_prefetch = 0 : i64, scratch_operands = 0 : i64, tpu.core_type = #tpu.core_type<tc>} {
    %iota3A = tpu.iota {dimensions = array<i32: 1>} : vector<2x2048xi32>
    %get3A = arith.constant 0 : index
    %get3A_0 = arith.constant 0 : index
    %get3A_1 = vector.load %arg0[%get3A, %get3A_0] : memref<2x2048xi32, #tpu.memory_space<vmem>>, vector<2x2048xi32>
    %ne3A = arith.constant 0 : i32
    %ne3A_2 = vector.broadcast %ne3A : i32 to vector<2x2048xi32>
    %ne3A_3 = arith.cmpi ne, %get3A_1, %ne3A_2 : vector<2x2048xi32>
    %convert_element_type3A = arith.extui %ne3A_3 : vector<2x2048xi1> to vector<2x2048xi32>
    %convert_element_type3A_4 = arith.sitofp %convert_element_type3A : vector<2x2048xi32> to vector<2x2048xf32>
    %reduce_sum3A = arith.constant dense<0.000000e+00> : vector<2xf32>
    %reduce_sum3A_5 = vector.multi_reduction <add>, %convert_element_type3A_4, %reduce_sum3A [1] : vector<2x2048xf32> to vector<2xf32>
    %broadcast_in_dim3A = vector.shape_cast %reduce_sum3A_5 : vector<2xf32> to vector<2x1xf32>
    %broadcast_in_dim3A_6 = arith.constant false
    %broadcast_in_dim3A_7 = vector.broadcast %broadcast_in_dim3A_6 : i1 to vector<2x2048xi1>
    %get3A_8 = arith.constant 0 : index
    %get3A_9 = arith.constant 0 : index
    %get3A_10 = arith.constant 0 : index
    %get3A_11 = vector.load %arg1[%get3A_8, %get3A_9, %get3A_10] : memref<3x2x2048xf32, #tpu.memory_space<vmem>>, vector<1x2x2048xf32>
    %get3A_12 = vector.shape_cast %get3A_11 : vector<1x2x2048xf32> to vector<2x2048xf32>
    %sub3A = arith.constant 0.000000e+00 : f32
    %sub3A_13 = vector.broadcast %sub3A : f32 to vector<2x2048xf32>
    %sub3A_14 = arith.subf %sub3A_13, %get3A_12 : vector<2x2048xf32>
    %get3A_15 = arith.constant 0 : index
    %get3A_16 = arith.constant 0 : index
    %get3A_17 = arith.constant 0 : index
    %get3A_18 = vector.load %arg2[%get3A_15, %get3A_16, %get3A_17] : memref<3x2x2048xf32, #tpu.memory_space<vmem>>, vector<1x2x2048xf32>
    %get3A_19 = vector.shape_cast %get3A_18 : vector<1x2x2048xf32> to vector<2x2048xf32>
    %add3A = arith.addf %sub3A_14, %get3A_19 : vector<2x2048xf32>
    %get3A_20 = arith.constant 0 : index
    %get3A_21 = arith.constant 0 : index
    %get3A_22 = arith.constant 0 : index
    %get3A_23 = vector.load %arg3[%get3A_20, %get3A_21, %get3A_22] : memref<3x2x2048xf32, #tpu.memory_space<vmem>>, vector<1x2x2048xf32>
    %get3A_24 = vector.shape_cast %get3A_23 : vector<1x2x2048xf32> to vector<2x2048xf32>
    %sub3A_25 = arith.subf %add3A, %get3A_24 : vector<2x2048xf32>
    %get3A_26 = arith.constant 0 : index
    %get3A_27 = arith.constant 0 : index
    %get3A_28 = arith.constant 0 : index
    %get3A_29 = vector.load %arg4[%get3A_26, %get3A_27, %get3A_28] : memref<3x2x2048xi32, #tpu.memory_space<vmem>>, vector<1x2x2048xi32>
    %get3A_30 = vector.shape_cast %get3A_29 : vector<1x2x2048xi32> to vector<2x2048xi32>
    %ne3A_31 = arith.constant 0 : i32
    %ne3A_32 = vector.broadcast %ne3A_31 : i32 to vector<2x2048xi32>
    %ne3A_33 = arith.cmpi ne, %get3A_30, %ne3A_32 : vector<2x2048xi32>
    %and3A = arith.andi %ne3A_33, %ne3A_3 : vector<2x2048xi1>
    %not3A = arith.constant dense<true> : vector<2x2048xi1>
    %not3A_34 = arith.xori %broadcast_in_dim3A_7, %not3A : vector<2x2048xi1>
    %and3A_35 = arith.andi %and3A, %not3A_34 : vector<2x2048xi1>
    %or3A = arith.ori %broadcast_in_dim3A_7, %and3A_35 : vector<2x2048xi1>
    %mul3A = arith.constant 5.000000e-01 : f32
    %mul3A_36 = vector.broadcast %mul3A : f32 to vector<2x1xf32>
    %mul3A_37 = arith.mulf %broadcast_in_dim3A, %mul3A_36 : vector<2x1xf32>
    %ceil3A = math.ceil %mul3A_37 : vector<2x1xf32>
    %and3A_38 = arith.andi %or3A, %ne3A_3 : vector<2x2048xi1>
    %convert_element_type3A_39 = arith.extui %and3A_38 : vector<2x2048xi1> to vector<2x2048xi32>
    %convert_element_type3A_40 = arith.sitofp %convert_element_type3A_39 : vector<2x2048xi32> to vector<2x2048xf32>
    %reduce_sum3A_41 = arith.constant dense<0.000000e+00> : vector<2xf32>
    %reduce_sum3A_42 = vector.multi_reduction <add>, %convert_element_type3A_40, %reduce_sum3A_41 [1] : vector<2x2048xf32> to vector<2xf32>
    %broadcast_in_dim3A_43 = vector.shape_cast %reduce_sum3A_42 : vector<2xf32> to vector<2x1xf32>
    %sub3A_44 = arith.subf %ceil3A, %broadcast_in_dim3A_43 : vector<2x1xf32>
    %max3A = arith.constant 0.000000e+00 : f32
    %max3A_45 = vector.broadcast %max3A : f32 to vector<2x1xf32>
    %max3A_46 = arith.maximumf %sub3A_44, %max3A_45 : vector<2x1xf32>
    %not3A_47 = arith.constant dense<true> : vector<2x2048xi1>
    %not3A_48 = arith.xori %or3A, %not3A_47 : vector<2x2048xi1>
    %and3A_49 = arith.andi %ne3A_3, %not3A_48 : vector<2x2048xi1>
    %convert_element_type3A_50 = arith.extui %and3A_49 : vector<2x2048xi1> to vector<2x2048xi32>
    %convert_element_type3A_51 = arith.sitofp %convert_element_type3A_50 : vector<2x2048xi32> to vector<2x2048xf32>
    %reduce_sum3A_52 = arith.constant dense<0.000000e+00> : vector<2xf32>
    %reduce_sum3A_53 = vector.multi_reduction <add>, %convert_element_type3A_51, %reduce_sum3A_52 [1] : vector<2x2048xf32> to vector<2xf32>
    %broadcast_in_dim3A_54 = vector.shape_cast %reduce_sum3A_53 : vector<2xf32> to vector<2x1xf32>
    %min3A = arith.minimumf %max3A_46, %broadcast_in_dim3A_54 : vector<2x1xf32>
    %eq3A = arith.constant 0.000000e+00 : f32
    %eq3A_55 = vector.broadcast %eq3A : f32 to vector<2x2048xf32>
    %eq3A_56 = arith.cmpf oeq, %get3A_12, %eq3A_55 : vector<2x2048xf32>
    %jit3A = arith.constant 0.000000e+00 : f32
    %broadcast_in_dim3A_57 = vector.broadcast %jit3A : f32 to vector<2x2048xf32>
    %select_n3A = arith.select %eq3A_56, %broadcast_in_dim3A_57, %get3A_12 : vector<2x2048xi1>, vector<2x2048xf32>
    %jit3A_58 = arith.constant 0xFF800000 : f32
    %broadcast_in_dim3A_59 = vector.broadcast %jit3A_58 : f32 to vector<2x2048xf32>
    %select_n3A_60 = arith.select %and3A_49, %select_n3A, %broadcast_in_dim3A_59 : vector<2x2048xi1>, vector<2x2048xf32>
    %bitcast_convert_type3A = tpu.bitcast %select_n3A_60 : vector<2x2048xf32> -> vector<2x2048xi32>
    %ge3A = arith.constant 0 : i32
    %ge3A_61 = vector.broadcast %ge3A : i32 to vector<2x2048xi32>
    %ge3A_62 = arith.cmpi sge, %bitcast_convert_type3A, %ge3A_61 : vector<2x2048xi32>
    %xor3A = arith.constant -2147483648 : i32
    %xor3A_63 = vector.broadcast %xor3A : i32 to vector<2x2048xi32>
    %xor3A_64 = arith.xori %bitcast_convert_type3A, %xor3A_63 : vector<2x2048xi32>
    %not3A_65 = arith.constant dense<-1> : vector<2x2048xi32>
    %not3A_66 = arith.xori %xor3A_64, %not3A_65 : vector<2x2048xi32>
    %select_n3A_67 = arith.select %ge3A_62, %bitcast_convert_type3A, %not3A_66 : vector<2x2048xi1>, vector<2x2048xi32>
    %broadcast_in_dim3A_68 = arith.constant 0 : i32
    %broadcast_in_dim3A_69 = vector.broadcast %broadcast_in_dim3A_68 : i32 to vector<2x1xi32>
    %shift_left3A = arith.constant 1 : i32
    %shift_left3A_70 = arith.constant 31 : i32
    %shift_left3A_71 = arith.shli %shift_left3A, %shift_left3A_70 : i32
    %or3A_72 = vector.broadcast %shift_left3A_71 : i32 to vector<2x1xi32>
    %or3A_73 = arith.ori %broadcast_in_dim3A_69, %or3A_72 : vector<2x1xi32>
    %xor3A_74 = arith.constant -2147483648 : i32
    %xor3A_75 = vector.broadcast %xor3A_74 : i32 to vector<2x1xi32>
    %xor3A_76 = arith.xori %or3A_73, %xor3A_75 : vector<2x1xi32>
    %ge3A_77 = vector.broadcast %xor3A_76 : vector<2x1xi32> to vector<2x2048xi32>
    %ge3A_78 = arith.cmpi sge, %select_n3A_67, %ge3A_77 : vector<2x2048xi32>
    %convert_element_type3A_79 = arith.extui %ge3A_78 : vector<2x2048xi1> to vector<2x2048xi32>
    %convert_element_type3A_80 = arith.sitofp %convert_element_type3A_79 : vector<2x2048xi32> to vector<2x2048xf32>
    %reduce_sum3A_81 = arith.constant dense<0.000000e+00> : vector<2xf32>
    %reduce_sum3A_82 = vector.multi_reduction <add>, %convert_element_type3A_80, %reduce_sum3A_81 [1] : vector<2x2048xf32> to vector<2xf32>
    %broadcast_in_dim3A_83 = vector.shape_cast %reduce_sum3A_82 : vector<2xf32> to vector<2x1xf32>
    %ge3A_84 = arith.cmpf oge, %broadcast_in_dim3A_83, %min3A : vector<2x1xf32>
    %select_n3A_85 = arith.select %ge3A_84, %or3A_73, %broadcast_in_dim3A_69 : vector<2x1xi1>, vector<2x1xi32>
    %shift_left3A_86 = arith.constant 1 : i32
    %shift_left3A_87 = arith.constant 30 : i32
    %shift_left3A_88 = arith.shli %shift_left3A_86, %shift_left3A_87 : i32
    %or3A_89 = vector.broadcast %shift_left3A_88 : i32 to vector<2x1xi32>
    %or3A_90 = arith.ori %select_n3A_85, %or3A_89 : vector<2x1xi32>
    %xor3A_91 = arith.constant -2147483648 : i32
    %xor3A_92 = vector.broadcast %xor3A_91 : i32 to vector<2x1xi32>
    %xor3A_93 = arith.xori %or3A_90, %xor3A_92 : vector<2x1xi32>
    %ge3A_94 = vector.broadcast %xor3A_93 : vector<2x1xi32> to vector<2x2048xi32>
    %ge3A_95 = arith.cmpi sge, %select_n3A_67, %ge3A_94 : vector<2x2048xi32>
    %convert_element_type3A_96 = arith.extui %ge3A_95 : vector<2x2048xi1> to vector<2x2048xi32>
    %convert_element_type3A_97 = arith.sitofp %convert_element_type3A_96 : vector<2x2048xi32> to vector<2x2048xf32>
    %reduce_sum3A_98 = arith.constant dense<0.000000e+00> : vector<2xf32>
    %reduce_sum3A_99 = vector.multi_reduction <add>, %convert_element_type3A_97, %reduce_sum3A_98 [1] : vector<2x2048xf32> to vector<2xf32>
    %broadcast_in_dim3A_100 = vector.shape_cast %reduce_sum3A_99 : vector<2xf32> to vector<2x1xf32>
    %ge3A_101 = arith.cmpf oge, %broadcast_in_dim3A_100, %min3A : vector<2x1xf32>
    %select_n3A_102 = arith.select %ge3A_101, %or3A_90, %select_n3A_85 : vector<2x1xi1>, vector<2x1xi32>
    %shift_left3A_103 = arith.constant 1 : i32
    %shift_left3A_104 = arith.constant 29 : i32
    %shift_left3A_105 = arith.shli %shift_left3A_103, %shift_left3A_104 : i32
    %or3A_106 = vector.broadcast %shift_left3A_105 : i32 to vector<2x1xi32>
    %or3A_107 = arith.ori %select_n3A_102, %or3A_106 : vector<2x1xi32>
    %xor3A_108 = arith.constant -2147483648 : i32
    %xor3A_109 = vector.broadcast %xor3A_108 : i32 to vector<2x1xi32>
    %xor3A_110 = arith.xori %or3A_107, %xor3A_109 : vector<2x1xi32>
    %ge3A_111 = vector.broadcast %xor3A_110 : vector<2x1xi32> to vector<2x2048xi32>
    %ge3A_112 = arith.cmpi sge, %select_n3A_67, %ge3A_111 : vector<2x2048xi32>
    %convert_element_type3A_113 = arith.extui %ge3A_112 : vector<2x2048xi1> to vector<2x2048xi32>
    %convert_element_type3A_114 = arith.sitofp %convert_element_type3A_113 : vector<2x2048xi32> to vector<2x2048xf32>
    %reduce_sum3A_115 = arith.constant dense<0.000000e+00> : vector<2xf32>
    %reduce_sum3A_116 = vector.multi_reduction <add>, %convert_element_type3A_114, %reduce_sum3A_115 [1] : vector<2x2048xf32> to vector<2xf32>
    %broadcast_in_dim3A_117 = vector.shape_cast %reduce_sum3A_116 : vector<2xf32> to vector<2x1xf32>
    %ge3A_118 = arith.cmpf oge, %broadcast_in_dim3A_117, %min3A : vector<2x1xf32>
    %select_n3A_119 = arith.select %ge3A_118, %or3A_107, %select_n3A_102 : vector<2x1xi1>, vector<2x1xi32>
    %shift_left3A_120 = arith.constant 1 : i32
    %shift_left3A_121 = arith.constant 28 : i32
    %shift_left3A_122 = arith.shli %shift_left3A_120, %shift_left3A_121 : i32
    %or3A_123 = vector.broadcast %shift_left3A_122 : i32 to vector<2x1xi32>
    %or3A_124 = arith.ori %select_n3A_119, %or3A_123 : vector<2x1xi32>
    %xor3A_125 = arith.constant -2147483648 : i32
    %xor3A_126 = vector.broadcast %xor3A_125 : i32 to vector<2x1xi32>
    %xor3A_127 = arith.xori %or3A_124, %xor3A_126 : vector<2x1xi32>
    %ge3A_128 = vector.broadcast %xor3A_127 : vector<2x1xi32> to vector<2x2048xi32>
    %ge3A_129 = arith.cmpi sge, %select_n3A_67, %ge3A_128 : vector<2x2048xi32>
    %convert_element_type3A_130 = arith.extui %ge3A_129 : vector<2x2048xi1> to vector<2x2048xi32>
    %convert_element_type3A_131 = arith.sitofp %convert_element_type3A_130 : vector<2x2048xi32> to vector<2x2048xf32>
    %reduce_sum3A_132 = arith.constant dense<0.000000e+00> : vector<2xf32>
    %reduce_sum3A_133 = vector.multi_reduction <add>, %convert_element_type3A_131, %reduce_sum3A_132 [1] : vector<2x2048xf32> to vector<2xf32>
    %broadcast_in_dim3A_134 = vector.shape_cast %reduce_sum3A_133 : vector<2xf32> to vector<2x1xf32>
    %ge3A_135 = arith.cmpf oge, %broadcast_in_dim3A_134, %min3A : vector<2x1xf32>
    %select_n3A_136 = arith.select %ge3A_135, %or3A_124, %select_n3A_119 : vector<2x1xi1>, vector<2x1xi32>
    %shift_left3A_137 = arith.constant 1 : i32
    %shift_left3A_138 = arith.constant 27 : i32
    %shift_left3A_139 = arith.shli %shift_left3A_137, %shift_left3A_138 : i32
    %or3A_140 = vector.broadcast %shift_left3A_139 : i32 to vector<2x1xi32>
    %or3A_141 = arith.ori %select_n3A_136, %or3A_140 : vector<2x1xi32>
    %xor3A_142 = arith.constant -2147483648 : i32
    %xor3A_143 = vector.broadcast %xor3A_142 : i32 to vector<2x1xi32>
    %xor3A_144 = arith.xori %or3A_141, %xor3A_143 : vector<2x1xi32>
    %ge3A_145 = vector.broadcast %xor3A_144 : vector<2x1xi32> to vector<2x2048xi32>
    %ge3A_146 = arith.cmpi sge, %select_n3A_67, %ge3A_145 : vector<2x2048xi32>
    %convert_element_type3A_147 = arith.extui %ge3A_146 : vector<2x2048xi1> to vector<2x2048xi32>
    %convert_element_type3A_148 = arith.sitofp %convert_element_type3A_147 : vector<2x2048xi32> to vector<2x2048xf32>
    %reduce_sum3A_149 = arith.constant dense<0.000000e+00> : vector<2xf32>
    %reduce_sum3A_150 = vector.multi_reduction <add>, %convert_element_type3A_148, %reduce_sum3A_149 [1] : vector<2x2048xf32> to vector<2xf32>
    %broadcast_in_dim3A_151 = vector.shape_cast %reduce_sum3A_150 : vector<2xf32> to vector<2x1xf32>
    %ge3A_152 = arith.cmpf oge, %broadcast_in_dim3A_151, %min3A : vector<2x1xf32>
    %select_n3A_153 = arith.select %ge3A_152, %or3A_141, %select_n3A_136 : vector<2x1xi1>, vector<2x1xi32>
    %shift_left3A_154 = arith.constant 1 : i32
    %shift_left3A_155 = arith.constant 26 : i32
    %shift_left3A_156 = arith.shli %shift_left3A_154, %shift_left3A_155 : i32
    %or3A_157 = vector.broadcast %shift_left3A_156 : i32 to vector<2x1xi32>
    %or3A_158 = arith.ori %select_n3A_153, %or3A_157 : vector<2x1xi32>
    %xor3A_159 = arith.constant -2147483648 : i32
    %xor3A_160 = vector.broadcast %xor3A_159 : i32 to vector<2x1xi32>
    %xor3A_161 = arith.xori %or3A_158, %xor3A_160 : vector<2x1xi32>
    %ge3A_162 = vector.broadcast %xor3A_161 : vector<2x1xi32> to vector<2x2048xi32>
    %ge3A_163 = arith.cmpi sge, %select_n3A_67, %ge3A_162 : vector<2x2048xi32>
    %convert_element_type3A_164 = arith.extui %ge3A_163 : vector<2x2048xi1> to vector<2x2048xi32>
    %convert_element_type3A_165 = arith.sitofp %convert_element_type3A_164 : vector<2x2048xi32> to vector<2x2048xf32>
    %reduce_sum3A_166 = arith.constant dense<0.000000e+00> : vector<2xf32>
    %reduce_sum3A_167 = vector.multi_reduction <add>, %convert_element_type3A_165, %reduce_sum3A_166 [1] : vector<2x2048xf32> to vector<2xf32>
    %broadcast_in_dim3A_168 = vector.shape_cast %reduce_sum3A_167 : vector<2xf32> to vector<2x1xf32>
    %ge3A_169 = arith.cmpf oge, %broadcast_in_dim3A_168, %min3A : vector<2x1xf32>
    %select_n3A_170 = arith.select %ge3A_169, %or3A_158, %select_n3A_153 : vector<2x1xi1>, vector<2x1xi32>
    %shift_left3A_171 = arith.constant 1 : i32
    %shift_left3A_172 = arith.constant 25 : i32
    %shift_left3A_173 = arith.shli %shift_left3A_171, %shift_left3A_172 : i32
    %or3A_174 = vector.broadcast %shift_left3A_173 : i32 to vector<2x1xi32>
    %or3A_175 = arith.ori %select_n3A_170, %or3A_174 : vector<2x1xi32>
    %xor3A_176 = arith.constant -2147483648 : i32
    %xor3A_177 = vector.broadcast %xor3A_176 : i32 to vector<2x1xi32>
    %xor3A_178 = arith.xori %or3A_175, %xor3A_177 : vector<2x1xi32>
    %ge3A_179 = vector.broadcast %xor3A_178 : vector<2x1xi32> to vector<2x2048xi32>
    %ge3A_180 = arith.cmpi sge, %select_n3A_67, %ge3A_179 : vector<2x2048xi32>
    %convert_element_type3A_181 = arith.extui %ge3A_180 : vector<2x2048xi1> to vector<2x2048xi32>
    %convert_element_type3A_182 = arith.sitofp %convert_element_type3A_181 : vector<2x2048xi32> to vector<2x2048xf32>
    %reduce_sum3A_183 = arith.constant dense<0.000000e+00> : vector<2xf32>
    %reduce_sum3A_184 = vector.multi_reduction <add>, %convert_element_type3A_182, %reduce_sum3A_183 [1] : vector<2x2048xf32> to vector<2xf32>
    %broadcast_in_dim3A_185 = vector.shape_cast %reduce_sum3A_184 : vector<2xf32> to vector<2x1xf32>
    %ge3A_186 = arith.cmpf oge, %broadcast_in_dim3A_185, %min3A : vector<2x1xf32>
    %select_n3A_187 = arith.select %ge3A_186, %or3A_175, %select_n3A_170 : vector<2x1xi1>, vector<2x1xi32>
    %shift_left3A_188 = arith.constant 1 : i32
    %shift_left3A_189 = arith.constant 24 : i32
    %shift_left3A_190 = arith.shli %shift_left3A_188, %shift_left3A_189 : i32
    %or3A_191 = vector.broadcast %shift_left3A_190 : i32 to vector<2x1xi32>
    %or3A_192 = arith.ori %select_n3A_187, %or3A_191 : vector<2x1xi32>
    %xor3A_193 = arith.constant -2147483648 : i32
    %xor3A_194 = vector.broadcast %xor3A_193 : i32 to vector<2x1xi32>
    %xor3A_195 = arith.xori %or3A_192, %xor3A_194 : vector<2x1xi32>
    %ge3A_196 = vector.broadcast %xor3A_195 : vector<2x1xi32> to vector<2x2048xi32>
    %ge3A_197 = arith.cmpi sge, %select_n3A_67, %ge3A_196 : vector<2x2048xi32>
    %convert_element_type3A_198 = arith.extui %ge3A_197 : vector<2x2048xi1> to vector<2x2048xi32>
    %convert_element_type3A_199 = arith.sitofp %convert_element_type3A_198 : vector<2x2048xi32> to vector<2x2048xf32>
    %reduce_sum3A_200 = arith.constant dense<0.000000e+00> : vector<2xf32>
    %reduce_sum3A_201 = vector.multi_reduction <add>, %convert_element_type3A_199, %reduce_sum3A_200 [1] : vector<2x2048xf32> to vector<2xf32>
    %broadcast_in_dim3A_202 = vector.shape_cast %reduce_sum3A_201 : vector<2xf32> to vector<2x1xf32>
    %ge3A_203 = arith.cmpf oge, %broadcast_in_dim3A_202, %min3A : vector<2x1xf32>
    %select_n3A_204 = arith.select %ge3A_203, %or3A_192, %select_n3A_187 : vector<2x1xi1>, vector<2x1xi32>
    %shift_left3A_205 = arith.constant 1 : i32
    %shift_left3A_206 = arith.constant 23 : i32
    %shift_left3A_207 = arith.shli %shift_left3A_205, %shift_left3A_206 : i32
    %or3A_208 = vector.broadcast %shift_left3A_207 : i32 to vector<2x1xi32>
    %or3A_209 = arith.ori %select_n3A_204, %or3A_208 : vector<2x1xi32>
    %xor3A_210 = arith.constant -2147483648 : i32
    %xor3A_211 = vector.broadcast %xor3A_210 : i32 to vector<2x1xi32>
    %xor3A_212 = arith.xori %or3A_209, %xor3A_211 : vector<2x1xi32>
    %ge3A_213 = vector.broadcast %xor3A_212 : vector<2x1xi32> to vector<2x2048xi32>
    %ge3A_214 = arith.cmpi sge, %select_n3A_67, %ge3A_213 : vector<2x2048xi32>
    %convert_element_type3A_215 = arith.extui %ge3A_214 : vector<2x2048xi1> to vector<2x2048xi32>
    %convert_element_type3A_216 = arith.sitofp %convert_element_type3A_215 : vector<2x2048xi32> to vector<2x2048xf32>
    %reduce_sum3A_217 = arith.constant dense<0.000000e+00> : vector<2xf32>
    %reduce_sum3A_218 = vector.multi_reduction <add>, %convert_element_type3A_216, %reduce_sum3A_217 [1] : vector<2x2048xf32> to vector<2xf32>
    %broadcast_in_dim3A_219 = vector.shape_cast %reduce_sum3A_218 : vector<2xf32> to vector<2x1xf32>
    %ge3A_220 = arith.cmpf oge, %broadcast_in_dim3A_219, %min3A : vector<2x1xf32>
    %select_n3A_221 = arith.select %ge3A_220, %or3A_209, %select_n3A_204 : vector<2x1xi1>, vector<2x1xi32>
    %shift_left3A_222 = arith.constant 1 : i32
    %shift_left3A_223 = arith.constant 22 : i32
    %shift_left3A_224 = arith.shli %shift_left3A_222, %shift_left3A_223 : i32
    %or3A_225 = vector.broadcast %shift_left3A_224 : i32 to vector<2x1xi32>
    %or3A_226 = arith.ori %select_n3A_221, %or3A_225 : vector<2x1xi32>
    %xor3A_227 = arith.constant -2147483648 : i32
    %xor3A_228 = vector.broadcast %xor3A_227 : i32 to vector<2x1xi32>
    %xor3A_229 = arith.xori %or3A_226, %xor3A_228 : vector<2x1xi32>
    %ge3A_230 = vector.broadcast %xor3A_229 : vector<2x1xi32> to vector<2x2048xi32>
    %ge3A_231 = arith.cmpi sge, %select_n3A_67, %ge3A_230 : vector<2x2048xi32>
    %convert_element_type3A_232 = arith.extui %ge3A_231 : vector<2x2048xi1> to vector<2x2048xi32>
    %convert_element_type3A_233 = arith.sitofp %convert_element_type3A_232 : vector<2x2048xi32> to vector<2x2048xf32>
    %reduce_sum3A_234 = arith.constant dense<0.000000e+00> : vector<2xf32>
    %reduce_sum3A_235 = vector.multi_reduction <add>, %convert_element_type3A_233, %reduce_sum3A_234 [1] : vector<2x2048xf32> to vector<2xf32>
    %broadcast_in_dim3A_236 = vector.shape_cast %reduce_sum3A_235 : vector<2xf32> to vector<2x1xf32>
    %ge3A_237 = arith.cmpf oge, %broadcast_in_dim3A_236, %min3A : vector<2x1xf32>
    %select_n3A_238 = arith.select %ge3A_237, %or3A_226, %select_n3A_221 : vector<2x1xi1>, vector<2x1xi32>
    %shift_left3A_239 = arith.constant 1 : i32
    %shift_left3A_240 = arith.constant 21 : i32
    %shift_left3A_241 = arith.shli %shift_left3A_239, %shift_left3A_240 : i32
    %or3A_242 = vector.broadcast %shift_left3A_241 : i32 to vector<2x1xi32>
    %or3A_243 = arith.ori %select_n3A_238, %or3A_242 : vector<2x1xi32>
    %xor3A_244 = arith.constant -2147483648 : i32
    %xor3A_245 = vector.broadcast %xor3A_244 : i32 to vector<2x1xi32>
    %xor3A_246 = arith.xori %or3A_243, %xor3A_245 : vector<2x1xi32>
    %ge3A_247 = vector.broadcast %xor3A_246 : vector<2x1xi32> to vector<2x2048xi32>
    %ge3A_248 = arith.cmpi sge, %select_n3A_67, %ge3A_247 : vector<2x2048xi32>
    %convert_element_type3A_249 = arith.extui %ge3A_248 : vector<2x2048xi1> to vector<2x2048xi32>
    %convert_element_type3A_250 = arith.sitofp %convert_element_type3A_249 : vector<2x2048xi32> to vector<2x2048xf32>
    %reduce_sum3A_251 = arith.constant dense<0.000000e+00> : vector<2xf32>
    %reduce_sum3A_252 = vector.multi_reduction <add>, %convert_element_type3A_250, %reduce_sum3A_251 [1] : vector<2x2048xf32> to vector<2xf32>
    %broadcast_in_dim3A_253 = vector.shape_cast %reduce_sum3A_252 : vector<2xf32> to vector<2x1xf32>
    %ge3A_254 = arith.cmpf oge, %broadcast_in_dim3A_253, %min3A : vector<2x1xf32>
    %select_n3A_255 = arith.select %ge3A_254, %or3A_243, %select_n3A_238 : vector<2x1xi1>, vector<2x1xi32>
    %shift_left3A_256 = arith.constant 1 : i32
    %shift_left3A_257 = arith.constant 20 : i32
    %shift_left3A_258 = arith.shli %shift_left3A_256, %shift_left3A_257 : i32
    %or3A_259 = vector.broadcast %shift_left3A_258 : i32 to vector<2x1xi32>
    %or3A_260 = arith.ori %select_n3A_255, %or3A_259 : vector<2x1xi32>
    %xor3A_261 = arith.constant -2147483648 : i32
    %xor3A_262 = vector.broadcast %xor3A_261 : i32 to vector<2x1xi32>
    %xor3A_263 = arith.xori %or3A_260, %xor3A_262 : vector<2x1xi32>
    %ge3A_264 = vector.broadcast %xor3A_263 : vector<2x1xi32> to vector<2x2048xi32>
    %ge3A_265 = arith.cmpi sge, %select_n3A_67, %ge3A_264 : vector<2x2048xi32>
    %convert_element_type3A_266 = arith.extui %ge3A_265 : vector<2x2048xi1> to vector<2x2048xi32>
    %convert_element_type3A_267 = arith.sitofp %convert_element_type3A_266 : vector<2x2048xi32> to vector<2x2048xf32>
    %reduce_sum3A_268 = arith.constant dense<0.000000e+00> : vector<2xf32>
    %reduce_sum3A_269 = vector.multi_reduction <add>, %convert_element_type3A_267, %reduce_sum3A_268 [1] : vector<2x2048xf32> to vector<2xf32>
    %broadcast_in_dim3A_270 = vector.shape_cast %reduce_sum3A_269 : vector<2xf32> to vector<2x1xf32>
    %ge3A_271 = arith.cmpf oge, %broadcast_in_dim3A_270, %min3A : vector<2x1xf32>
    %select_n3A_272 = arith.select %ge3A_271, %or3A_260, %select_n3A_255 : vector<2x1xi1>, vector<2x1xi32>
    %shift_left3A_273 = arith.constant 1 : i32
    %shift_left3A_274 = arith.constant 19 : i32
    %shift_left3A_275 = arith.shli %shift_left3A_273, %shift_left3A_274 : i32
    %or3A_276 = vector.broadcast %shift_left3A_275 : i32 to vector<2x1xi32>
    %or3A_277 = arith.ori %select_n3A_272, %or3A_276 : vector<2x1xi32>
    %xor3A_278 = arith.constant -2147483648 : i32
    %xor3A_279 = vector.broadcast %xor3A_278 : i32 to vector<2x1xi32>
    %xor3A_280 = arith.xori %or3A_277, %xor3A_279 : vector<2x1xi32>
    %ge3A_281 = vector.broadcast %xor3A_280 : vector<2x1xi32> to vector<2x2048xi32>
    %ge3A_282 = arith.cmpi sge, %select_n3A_67, %ge3A_281 : vector<2x2048xi32>
    %convert_element_type3A_283 = arith.extui %ge3A_282 : vector<2x2048xi1> to vector<2x2048xi32>
    %convert_element_type3A_284 = arith.sitofp %convert_element_type3A_283 : vector<2x2048xi32> to vector<2x2048xf32>
    %reduce_sum3A_285 = arith.constant dense<0.000000e+00> : vector<2xf32>
    %reduce_sum3A_286 = vector.multi_reduction <add>, %convert_element_type3A_284, %reduce_sum3A_285 [1] : vector<2x2048xf32> to vector<2xf32>
    %broadcast_in_dim3A_287 = vector.shape_cast %reduce_sum3A_286 : vector<2xf32> to vector<2x1xf32>
    %ge3A_288 = arith.cmpf oge, %broadcast_in_dim3A_287, %min3A : vector<2x1xf32>
    %select_n3A_289 = arith.select %ge3A_288, %or3A_277, %select_n3A_272 : vector<2x1xi1>, vector<2x1xi32>
    %shift_left3A_290 = arith.constant 1 : i32
    %shift_left3A_291 = arith.constant 18 : i32
    %shift_left3A_292 = arith.shli %shift_left3A_290, %shift_left3A_291 : i32
    %or3A_293 = vector.broadcast %shift_left3A_292 : i32 to vector<2x1xi32>
    %or3A_294 = arith.ori %select_n3A_289, %or3A_293 : vector<2x1xi32>
    %xor3A_295 = arith.constant -2147483648 : i32
    %xor3A_296 = vector.broadcast %xor3A_295 : i32 to vector<2x1xi32>
    %xor3A_297 = arith.xori %or3A_294, %xor3A_296 : vector<2x1xi32>
    %ge3A_298 = vector.broadcast %xor3A_297 : vector<2x1xi32> to vector<2x2048xi32>
    %ge3A_299 = arith.cmpi sge, %select_n3A_67, %ge3A_298 : vector<2x2048xi32>
    %convert_element_type3A_300 = arith.extui %ge3A_299 : vector<2x2048xi1> to vector<2x2048xi32>
    %convert_element_type3A_301 = arith.sitofp %convert_element_type3A_300 : vector<2x2048xi32> to vector<2x2048xf32>
    %reduce_sum3A_302 = arith.constant dense<0.000000e+00> : vector<2xf32>
    %reduce_sum3A_303 = vector.multi_reduction <add>, %convert_element_type3A_301, %reduce_sum3A_302 [1] : vector<2x2048xf32> to vector<2xf32>
    %broadcast_in_dim3A_304 = vector.shape_cast %reduce_sum3A_303 : vector<2xf32> to vector<2x1xf32>
    %ge3A_305 = arith.cmpf oge, %broadcast_in_dim3A_304, %min3A : vector<2x1xf32>
    %select_n3A_306 = arith.select %ge3A_305, %or3A_294, %select_n3A_289 : vector<2x1xi1>, vector<2x1xi32>
    %shift_left3A_307 = arith.constant 1 : i32
    %shift_left3A_308 = arith.constant 17 : i32
    %shift_left3A_309 = arith.shli %shift_left3A_307, %shift_left3A_308 : i32
    %or3A_310 = vector.broadcast %shift_left3A_309 : i32 to vector<2x1xi32>
    %or3A_311 = arith.ori %select_n3A_306, %or3A_310 : vector<2x1xi32>
    %xor3A_312 = arith.constant -2147483648 : i32
    %xor3A_313 = vector.broadcast %xor3A_312 : i32 to vector<2x1xi32>
    %xor3A_314 = arith.xori %or3A_311, %xor3A_313 : vector<2x1xi32>
    %ge3A_315 = vector.broadcast %xor3A_314 : vector<2x1xi32> to vector<2x2048xi32>
    %ge3A_316 = arith.cmpi sge, %select_n3A_67, %ge3A_315 : vector<2x2048xi32>
    %convert_element_type3A_317 = arith.extui %ge3A_316 : vector<2x2048xi1> to vector<2x2048xi32>
    %convert_element_type3A_318 = arith.sitofp %convert_element_type3A_317 : vector<2x2048xi32> to vector<2x2048xf32>
    %reduce_sum3A_319 = arith.constant dense<0.000000e+00> : vector<2xf32>
    %reduce_sum3A_320 = vector.multi_reduction <add>, %convert_element_type3A_318, %reduce_sum3A_319 [1] : vector<2x2048xf32> to vector<2xf32>
    %broadcast_in_dim3A_321 = vector.shape_cast %reduce_sum3A_320 : vector<2xf32> to vector<2x1xf32>
    %ge3A_322 = arith.cmpf oge, %broadcast_in_dim3A_321, %min3A : vector<2x1xf32>
    %select_n3A_323 = arith.select %ge3A_322, %or3A_311, %select_n3A_306 : vector<2x1xi1>, vector<2x1xi32>
    %shift_left3A_324 = arith.constant 1 : i32
    %shift_left3A_325 = arith.constant 16 : i32
    %shift_left3A_326 = arith.shli %shift_left3A_324, %shift_left3A_325 : i32
    %or3A_327 = vector.broadcast %shift_left3A_326 : i32 to vector<2x1xi32>
    %or3A_328 = arith.ori %select_n3A_323, %or3A_327 : vector<2x1xi32>
    %xor3A_329 = arith.constant -2147483648 : i32
    %xor3A_330 = vector.broadcast %xor3A_329 : i32 to vector<2x1xi32>
    %xor3A_331 = arith.xori %or3A_328, %xor3A_330 : vector<2x1xi32>
    %ge3A_332 = vector.broadcast %xor3A_331 : vector<2x1xi32> to vector<2x2048xi32>
    %ge3A_333 = arith.cmpi sge, %select_n3A_67, %ge3A_332 : vector<2x2048xi32>
    %convert_element_type3A_334 = arith.extui %ge3A_333 : vector<2x2048xi1> to vector<2x2048xi32>
    %convert_element_type3A_335 = arith.sitofp %convert_element_type3A_334 : vector<2x2048xi32> to vector<2x2048xf32>
    %reduce_sum3A_336 = arith.constant dense<0.000000e+00> : vector<2xf32>
    %reduce_sum3A_337 = vector.multi_reduction <add>, %convert_element_type3A_335, %reduce_sum3A_336 [1] : vector<2x2048xf32> to vector<2xf32>
    %broadcast_in_dim3A_338 = vector.shape_cast %reduce_sum3A_337 : vector<2xf32> to vector<2x1xf32>
    %ge3A_339 = arith.cmpf oge, %broadcast_in_dim3A_338, %min3A : vector<2x1xf32>
    %select_n3A_340 = arith.select %ge3A_339, %or3A_328, %select_n3A_323 : vector<2x1xi1>, vector<2x1xi32>
    %shift_left3A_341 = arith.constant 1 : i32
    %shift_left3A_342 = arith.constant 15 : i32
    %shift_left3A_343 = arith.shli %shift_left3A_341, %shift_left3A_342 : i32
    %or3A_344 = vector.broadcast %shift_left3A_343 : i32 to vector<2x1xi32>
    %or3A_345 = arith.ori %select_n3A_340, %or3A_344 : vector<2x1xi32>
    %xor3A_346 = arith.constant -2147483648 : i32
    %xor3A_347 = vector.broadcast %xor3A_346 : i32 to vector<2x1xi32>
    %xor3A_348 = arith.xori %or3A_345, %xor3A_347 : vector<2x1xi32>
    %ge3A_349 = vector.broadcast %xor3A_348 : vector<2x1xi32> to vector<2x2048xi32>
    %ge3A_350 = arith.cmpi sge, %select_n3A_67, %ge3A_349 : vector<2x2048xi32>
    %convert_element_type3A_351 = arith.extui %ge3A_350 : vector<2x2048xi1> to vector<2x2048xi32>
    %convert_element_type3A_352 = arith.sitofp %convert_element_type3A_351 : vector<2x2048xi32> to vector<2x2048xf32>
    %reduce_sum3A_353 = arith.constant dense<0.000000e+00> : vector<2xf32>
    %reduce_sum3A_354 = vector.multi_reduction <add>, %convert_element_type3A_352, %reduce_sum3A_353 [1] : vector<2x2048xf32> to vector<2xf32>
    %broadcast_in_dim3A_355 = vector.shape_cast %reduce_sum3A_354 : vector<2xf32> to vector<2x1xf32>
    %ge3A_356 = arith.cmpf oge, %broadcast_in_dim3A_355, %min3A : vector<2x1xf32>
    %select_n3A_357 = arith.select %ge3A_356, %or3A_345, %select_n3A_340 : vector<2x1xi1>, vector<2x1xi32>
    %shift_left3A_358 = arith.constant 1 : i32
    %shift_left3A_359 = arith.constant 14 : i32
    %shift_left3A_360 = arith.shli %shift_left3A_358, %shift_left3A_359 : i32
    %or3A_361 = vector.broadcast %shift_left3A_360 : i32 to vector<2x1xi32>
    %or3A_362 = arith.ori %select_n3A_357, %or3A_361 : vector<2x1xi32>
    %xor3A_363 = arith.constant -2147483648 : i32
    %xor3A_364 = vector.broadcast %xor3A_363 : i32 to vector<2x1xi32>
    %xor3A_365 = arith.xori %or3A_362, %xor3A_364 : vector<2x1xi32>
    %ge3A_366 = vector.broadcast %xor3A_365 : vector<2x1xi32> to vector<2x2048xi32>
    %ge3A_367 = arith.cmpi sge, %select_n3A_67, %ge3A_366 : vector<2x2048xi32>
    %convert_element_type3A_368 = arith.extui %ge3A_367 : vector<2x2048xi1> to vector<2x2048xi32>
    %convert_element_type3A_369 = arith.sitofp %convert_element_type3A_368 : vector<2x2048xi32> to vector<2x2048xf32>
    %reduce_sum3A_370 = arith.constant dense<0.000000e+00> : vector<2xf32>
    %reduce_sum3A_371 = vector.multi_reduction <add>, %convert_element_type3A_369, %reduce_sum3A_370 [1] : vector<2x2048xf32> to vector<2xf32>
    %broadcast_in_dim3A_372 = vector.shape_cast %reduce_sum3A_371 : vector<2xf32> to vector<2x1xf32>
    %ge3A_373 = arith.cmpf oge, %broadcast_in_dim3A_372, %min3A : vector<2x1xf32>
    %select_n3A_374 = arith.select %ge3A_373, %or3A_362, %select_n3A_357 : vector<2x1xi1>, vector<2x1xi32>
    %shift_left3A_375 = arith.constant 1 : i32
    %shift_left3A_376 = arith.constant 13 : i32
    %shift_left3A_377 = arith.shli %shift_left3A_375, %shift_left3A_376 : i32
    %or3A_378 = vector.broadcast %shift_left3A_377 : i32 to vector<2x1xi32>
    %or3A_379 = arith.ori %select_n3A_374, %or3A_378 : vector<2x1xi32>
    %xor3A_380 = arith.constant -2147483648 : i32
    %xor3A_381 = vector.broadcast %xor3A_380 : i32 to vector<2x1xi32>
    %xor3A_382 = arith.xori %or3A_379, %xor3A_381 : vector<2x1xi32>
    %ge3A_383 = vector.broadcast %xor3A_382 : vector<2x1xi32> to vector<2x2048xi32>
    %ge3A_384 = arith.cmpi sge, %select_n3A_67, %ge3A_383 : vector<2x2048xi32>
    %convert_element_type3A_385 = arith.extui %ge3A_384 : vector<2x2048xi1> to vector<2x2048xi32>
    %convert_element_type3A_386 = arith.sitofp %convert_element_type3A_385 : vector<2x2048xi32> to vector<2x2048xf32>
    %reduce_sum3A_387 = arith.constant dense<0.000000e+00> : vector<2xf32>
    %reduce_sum3A_388 = vector.multi_reduction <add>, %convert_element_type3A_386, %reduce_sum3A_387 [1] : vector<2x2048xf32> to vector<2xf32>
    %broadcast_in_dim3A_389 = vector.shape_cast %reduce_sum3A_388 : vector<2xf32> to vector<2x1xf32>
    %ge3A_390 = arith.cmpf oge, %broadcast_in_dim3A_389, %min3A : vector<2x1xf32>
    %select_n3A_391 = arith.select %ge3A_390, %or3A_379, %select_n3A_374 : vector<2x1xi1>, vector<2x1xi32>
    %shift_left3A_392 = arith.constant 1 : i32
    %shift_left3A_393 = arith.constant 12 : i32
    %shift_left3A_394 = arith.shli %shift_left3A_392, %shift_left3A_393 : i32
    %or3A_395 = vector.broadcast %shift_left3A_394 : i32 to vector<2x1xi32>
    %or3A_396 = arith.ori %select_n3A_391, %or3A_395 : vector<2x1xi32>
    %xor3A_397 = arith.constant -2147483648 : i32
    %xor3A_398 = vector.broadcast %xor3A_397 : i32 to vector<2x1xi32>
    %xor3A_399 = arith.xori %or3A_396, %xor3A_398 : vector<2x1xi32>
    %ge3A_400 = vector.broadcast %xor3A_399 : vector<2x1xi32> to vector<2x2048xi32>
    %ge3A_401 = arith.cmpi sge, %select_n3A_67, %ge3A_400 : vector<2x2048xi32>
    %convert_element_type3A_402 = arith.extui %ge3A_401 : vector<2x2048xi1> to vector<2x2048xi32>
    %convert_element_type3A_403 = arith.sitofp %convert_element_type3A_402 : vector<2x2048xi32> to vector<2x2048xf32>
    %reduce_sum3A_404 = arith.constant dense<0.000000e+00> : vector<2xf32>
    %reduce_sum3A_405 = vector.multi_reduction <add>, %convert_element_type3A_403, %reduce_sum3A_404 [1] : vector<2x2048xf32> to vector<2xf32>
    %broadcast_in_dim3A_406 = vector.shape_cast %reduce_sum3A_405 : vector<2xf32> to vector<2x1xf32>
    %ge3A_407 = arith.cmpf oge, %broadcast_in_dim3A_406, %min3A : vector<2x1xf32>
    %select_n3A_408 = arith.select %ge3A_407, %or3A_396, %select_n3A_391 : vector<2x1xi1>, vector<2x1xi32>
    %shift_left3A_409 = arith.constant 1 : i32
    %shift_left3A_410 = arith.constant 11 : i32
    %shift_left3A_411 = arith.shli %shift_left3A_409, %shift_left3A_410 : i32
    %or3A_412 = vector.broadcast %shift_left3A_411 : i32 to vector<2x1xi32>
    %or3A_413 = arith.ori %select_n3A_408, %or3A_412 : vector<2x1xi32>
    %xor3A_414 = arith.constant -2147483648 : i32
    %xor3A_415 = vector.broadcast %xor3A_414 : i32 to vector<2x1xi32>
    %xor3A_416 = arith.xori %or3A_413, %xor3A_415 : vector<2x1xi32>
    %ge3A_417 = vector.broadcast %xor3A_416 : vector<2x1xi32> to vector<2x2048xi32>
    %ge3A_418 = arith.cmpi sge, %select_n3A_67, %ge3A_417 : vector<2x2048xi32>
    %convert_element_type3A_419 = arith.extui %ge3A_418 : vector<2x2048xi1> to vector<2x2048xi32>
    %convert_element_type3A_420 = arith.sitofp %convert_element_type3A_419 : vector<2x2048xi32> to vector<2x2048xf32>
    %reduce_sum3A_421 = arith.constant dense<0.000000e+00> : vector<2xf32>
    %reduce_sum3A_422 = vector.multi_reduction <add>, %convert_element_type3A_420, %reduce_sum3A_421 [1] : vector<2x2048xf32> to vector<2xf32>
    %broadcast_in_dim3A_423 = vector.shape_cast %reduce_sum3A_422 : vector<2xf32> to vector<2x1xf32>
    %ge3A_424 = arith.cmpf oge, %broadcast_in_dim3A_423, %min3A : vector<2x1xf32>
    %select_n3A_425 = arith.select %ge3A_424, %or3A_413, %select_n3A_408 : vector<2x1xi1>, vector<2x1xi32>
    %shift_left3A_426 = arith.constant 1 : i32
    %shift_left3A_427 = arith.constant 10 : i32
    %shift_left3A_428 = arith.shli %shift_left3A_426, %shift_left3A_427 : i32
    %or3A_429 = vector.broadcast %shift_left3A_428 : i32 to vector<2x1xi32>
    %or3A_430 = arith.ori %select_n3A_425, %or3A_429 : vector<2x1xi32>
    %xor3A_431 = arith.constant -2147483648 : i32
    %xor3A_432 = vector.broadcast %xor3A_431 : i32 to vector<2x1xi32>
    %xor3A_433 = arith.xori %or3A_430, %xor3A_432 : vector<2x1xi32>
    %ge3A_434 = vector.broadcast %xor3A_433 : vector<2x1xi32> to vector<2x2048xi32>
    %ge3A_435 = arith.cmpi sge, %select_n3A_67, %ge3A_434 : vector<2x2048xi32>
    %convert_element_type3A_436 = arith.extui %ge3A_435 : vector<2x2048xi1> to vector<2x2048xi32>
    %convert_element_type3A_437 = arith.sitofp %convert_element_type3A_436 : vector<2x2048xi32> to vector<2x2048xf32>
    %reduce_sum3A_438 = arith.constant dense<0.000000e+00> : vector<2xf32>
    %reduce_sum3A_439 = vector.multi_reduction <add>, %convert_element_type3A_437, %reduce_sum3A_438 [1] : vector<2x2048xf32> to vector<2xf32>
    %broadcast_in_dim3A_440 = vector.shape_cast %reduce_sum3A_439 : vector<2xf32> to vector<2x1xf32>
    %ge3A_441 = arith.cmpf oge, %broadcast_in_dim3A_440, %min3A : vector<2x1xf32>
    %select_n3A_442 = arith.select %ge3A_441, %or3A_430, %select_n3A_425 : vector<2x1xi1>, vector<2x1xi32>
    %shift_left3A_443 = arith.constant 1 : i32
    %shift_left3A_444 = arith.constant 9 : i32
    %shift_left3A_445 = arith.shli %shift_left3A_443, %shift_left3A_444 : i32
    %or3A_446 = vector.broadcast %shift_left3A_445 : i32 to vector<2x1xi32>
    %or3A_447 = arith.ori %select_n3A_442, %or3A_446 : vector<2x1xi32>
    %xor3A_448 = arith.constant -2147483648 : i32
    %xor3A_449 = vector.broadcast %xor3A_448 : i32 to vector<2x1xi32>
    %xor3A_450 = arith.xori %or3A_447, %xor3A_449 : vector<2x1xi32>
    %ge3A_451 = vector.broadcast %xor3A_450 : vector<2x1xi32> to vector<2x2048xi32>
    %ge3A_452 = arith.cmpi sge, %select_n3A_67, %ge3A_451 : vector<2x2048xi32>
    %convert_element_type3A_453 = arith.extui %ge3A_452 : vector<2x2048xi1> to vector<2x2048xi32>
    %convert_element_type3A_454 = arith.sitofp %convert_element_type3A_453 : vector<2x2048xi32> to vector<2x2048xf32>
    %reduce_sum3A_455 = arith.constant dense<0.000000e+00> : vector<2xf32>
    %reduce_sum3A_456 = vector.multi_reduction <add>, %convert_element_type3A_454, %reduce_sum3A_455 [1] : vector<2x2048xf32> to vector<2xf32>
    %broadcast_in_dim3A_457 = vector.shape_cast %reduce_sum3A_456 : vector<2xf32> to vector<2x1xf32>
    %ge3A_458 = arith.cmpf oge, %broadcast_in_dim3A_457, %min3A : vector<2x1xf32>
    %select_n3A_459 = arith.select %ge3A_458, %or3A_447, %select_n3A_442 : vector<2x1xi1>, vector<2x1xi32>
    %shift_left3A_460 = arith.constant 1 : i32
    %shift_left3A_461 = arith.constant 8 : i32
    %shift_left3A_462 = arith.shli %shift_left3A_460, %shift_left3A_461 : i32
    %or3A_463 = vector.broadcast %shift_left3A_462 : i32 to vector<2x1xi32>
    %or3A_464 = arith.ori %select_n3A_459, %or3A_463 : vector<2x1xi32>
    %xor3A_465 = arith.constant -2147483648 : i32
    %xor3A_466 = vector.broadcast %xor3A_465 : i32 to vector<2x1xi32>
    %xor3A_467 = arith.xori %or3A_464, %xor3A_466 : vector<2x1xi32>
    %ge3A_468 = vector.broadcast %xor3A_467 : vector<2x1xi32> to vector<2x2048xi32>
    %ge3A_469 = arith.cmpi sge, %select_n3A_67, %ge3A_468 : vector<2x2048xi32>
    %convert_element_type3A_470 = arith.extui %ge3A_469 : vector<2x2048xi1> to vector<2x2048xi32>
    %convert_element_type3A_471 = arith.sitofp %convert_element_type3A_470 : vector<2x2048xi32> to vector<2x2048xf32>
    %reduce_sum3A_472 = arith.constant dense<0.000000e+00> : vector<2xf32>
    %reduce_sum3A_473 = vector.multi_reduction <add>, %convert_element_type3A_471, %reduce_sum3A_472 [1] : vector<2x2048xf32> to vector<2xf32>
    %broadcast_in_dim3A_474 = vector.shape_cast %reduce_sum3A_473 : vector<2xf32> to vector<2x1xf32>
    %ge3A_475 = arith.cmpf oge, %broadcast_in_dim3A_474, %min3A : vector<2x1xf32>
    %select_n3A_476 = arith.select %ge3A_475, %or3A_464, %select_n3A_459 : vector<2x1xi1>, vector<2x1xi32>
    %shift_left3A_477 = arith.constant 1 : i32
    %shift_left3A_478 = arith.constant 7 : i32
    %shift_left3A_479 = arith.shli %shift_left3A_477, %shift_left3A_478 : i32
    %or3A_480 = vector.broadcast %shift_left3A_479 : i32 to vector<2x1xi32>
    %or3A_481 = arith.ori %select_n3A_476, %or3A_480 : vector<2x1xi32>
    %xor3A_482 = arith.constant -2147483648 : i32
    %xor3A_483 = vector.broadcast %xor3A_482 : i32 to vector<2x1xi32>
    %xor3A_484 = arith.xori %or3A_481, %xor3A_483 : vector<2x1xi32>
    %ge3A_485 = vector.broadcast %xor3A_484 : vector<2x1xi32> to vector<2x2048xi32>
    %ge3A_486 = arith.cmpi sge, %select_n3A_67, %ge3A_485 : vector<2x2048xi32>
    %convert_element_type3A_487 = arith.extui %ge3A_486 : vector<2x2048xi1> to vector<2x2048xi32>
    %convert_element_type3A_488 = arith.sitofp %convert_element_type3A_487 : vector<2x2048xi32> to vector<2x2048xf32>
    %reduce_sum3A_489 = arith.constant dense<0.000000e+00> : vector<2xf32>
    %reduce_sum3A_490 = vector.multi_reduction <add>, %convert_element_type3A_488, %reduce_sum3A_489 [1] : vector<2x2048xf32> to vector<2xf32>
    %broadcast_in_dim3A_491 = vector.shape_cast %reduce_sum3A_490 : vector<2xf32> to vector<2x1xf32>
    %ge3A_492 = arith.cmpf oge, %broadcast_in_dim3A_491, %min3A : vector<2x1xf32>
    %select_n3A_493 = arith.select %ge3A_492, %or3A_481, %select_n3A_476 : vector<2x1xi1>, vector<2x1xi32>
    %shift_left3A_494 = arith.constant 1 : i32
    %shift_left3A_495 = arith.constant 6 : i32
    %shift_left3A_496 = arith.shli %shift_left3A_494, %shift_left3A_495 : i32
    %or3A_497 = vector.broadcast %shift_left3A_496 : i32 to vector<2x1xi32>
    %or3A_498 = arith.ori %select_n3A_493, %or3A_497 : vector<2x1xi32>
    %xor3A_499 = arith.constant -2147483648 : i32
    %xor3A_500 = vector.broadcast %xor3A_499 : i32 to vector<2x1xi32>
    %xor3A_501 = arith.xori %or3A_498, %xor3A_500 : vector<2x1xi32>
    %ge3A_502 = vector.broadcast %xor3A_501 : vector<2x1xi32> to vector<2x2048xi32>
    %ge3A_503 = arith.cmpi sge, %select_n3A_67, %ge3A_502 : vector<2x2048xi32>
    %convert_element_type3A_504 = arith.extui %ge3A_503 : vector<2x2048xi1> to vector<2x2048xi32>
    %convert_element_type3A_505 = arith.sitofp %convert_element_type3A_504 : vector<2x2048xi32> to vector<2x2048xf32>
    %reduce_sum3A_506 = arith.constant dense<0.000000e+00> : vector<2xf32>
    %reduce_sum3A_507 = vector.multi_reduction <add>, %convert_element_type3A_505, %reduce_sum3A_506 [1] : vector<2x2048xf32> to vector<2xf32>
    %broadcast_in_dim3A_508 = vector.shape_cast %reduce_sum3A_507 : vector<2xf32> to vector<2x1xf32>
    %ge3A_509 = arith.cmpf oge, %broadcast_in_dim3A_508, %min3A : vector<2x1xf32>
    %select_n3A_510 = arith.select %ge3A_509, %or3A_498, %select_n3A_493 : vector<2x1xi1>, vector<2x1xi32>
    %shift_left3A_511 = arith.constant 1 : i32
    %shift_left3A_512 = arith.constant 5 : i32
    %shift_left3A_513 = arith.shli %shift_left3A_511, %shift_left3A_512 : i32
    %or3A_514 = vector.broadcast %shift_left3A_513 : i32 to vector<2x1xi32>
    %or3A_515 = arith.ori %select_n3A_510, %or3A_514 : vector<2x1xi32>
    %xor3A_516 = arith.constant -2147483648 : i32
    %xor3A_517 = vector.broadcast %xor3A_516 : i32 to vector<2x1xi32>
    %xor3A_518 = arith.xori %or3A_515, %xor3A_517 : vector<2x1xi32>
    %ge3A_519 = vector.broadcast %xor3A_518 : vector<2x1xi32> to vector<2x2048xi32>
    %ge3A_520 = arith.cmpi sge, %select_n3A_67, %ge3A_519 : vector<2x2048xi32>
    %convert_element_type3A_521 = arith.extui %ge3A_520 : vector<2x2048xi1> to vector<2x2048xi32>
    %convert_element_type3A_522 = arith.sitofp %convert_element_type3A_521 : vector<2x2048xi32> to vector<2x2048xf32>
    %reduce_sum3A_523 = arith.constant dense<0.000000e+00> : vector<2xf32>
    %reduce_sum3A_524 = vector.multi_reduction <add>, %convert_element_type3A_522, %reduce_sum3A_523 [1] : vector<2x2048xf32> to vector<2xf32>
    %broadcast_in_dim3A_525 = vector.shape_cast %reduce_sum3A_524 : vector<2xf32> to vector<2x1xf32>
    %ge3A_526 = arith.cmpf oge, %broadcast_in_dim3A_525, %min3A : vector<2x1xf32>
    %select_n3A_527 = arith.select %ge3A_526, %or3A_515, %select_n3A_510 : vector<2x1xi1>, vector<2x1xi32>
    %shift_left3A_528 = arith.constant 1 : i32
    %shift_left3A_529 = arith.constant 4 : i32
    %shift_left3A_530 = arith.shli %shift_left3A_528, %shift_left3A_529 : i32
    %or3A_531 = vector.broadcast %shift_left3A_530 : i32 to vector<2x1xi32>
    %or3A_532 = arith.ori %select_n3A_527, %or3A_531 : vector<2x1xi32>
    %xor3A_533 = arith.constant -2147483648 : i32
    %xor3A_534 = vector.broadcast %xor3A_533 : i32 to vector<2x1xi32>
    %xor3A_535 = arith.xori %or3A_532, %xor3A_534 : vector<2x1xi32>
    %ge3A_536 = vector.broadcast %xor3A_535 : vector<2x1xi32> to vector<2x2048xi32>
    %ge3A_537 = arith.cmpi sge, %select_n3A_67, %ge3A_536 : vector<2x2048xi32>
    %convert_element_type3A_538 = arith.extui %ge3A_537 : vector<2x2048xi1> to vector<2x2048xi32>
    %convert_element_type3A_539 = arith.sitofp %convert_element_type3A_538 : vector<2x2048xi32> to vector<2x2048xf32>
    %reduce_sum3A_540 = arith.constant dense<0.000000e+00> : vector<2xf32>
    %reduce_sum3A_541 = vector.multi_reduction <add>, %convert_element_type3A_539, %reduce_sum3A_540 [1] : vector<2x2048xf32> to vector<2xf32>
    %broadcast_in_dim3A_542 = vector.shape_cast %reduce_sum3A_541 : vector<2xf32> to vector<2x1xf32>
    %ge3A_543 = arith.cmpf oge, %broadcast_in_dim3A_542, %min3A : vector<2x1xf32>
    %select_n3A_544 = arith.select %ge3A_543, %or3A_532, %select_n3A_527 : vector<2x1xi1>, vector<2x1xi32>
    %shift_left3A_545 = arith.constant 1 : i32
    %shift_left3A_546 = arith.constant 3 : i32
    %shift_left3A_547 = arith.shli %shift_left3A_545, %shift_left3A_546 : i32
    %or3A_548 = vector.broadcast %shift_left3A_547 : i32 to vector<2x1xi32>
    %or3A_549 = arith.ori %select_n3A_544, %or3A_548 : vector<2x1xi32>
    %xor3A_550 = arith.constant -2147483648 : i32
    %xor3A_551 = vector.broadcast %xor3A_550 : i32 to vector<2x1xi32>
    %xor3A_552 = arith.xori %or3A_549, %xor3A_551 : vector<2x1xi32>
    %ge3A_553 = vector.broadcast %xor3A_552 : vector<2x1xi32> to vector<2x2048xi32>
    %ge3A_554 = arith.cmpi sge, %select_n3A_67, %ge3A_553 : vector<2x2048xi32>
    %convert_element_type3A_555 = arith.extui %ge3A_554 : vector<2x2048xi1> to vector<2x2048xi32>
    %convert_element_type3A_556 = arith.sitofp %convert_element_type3A_555 : vector<2x2048xi32> to vector<2x2048xf32>
    %reduce_sum3A_557 = arith.constant dense<0.000000e+00> : vector<2xf32>
    %reduce_sum3A_558 = vector.multi_reduction <add>, %convert_element_type3A_556, %reduce_sum3A_557 [1] : vector<2x2048xf32> to vector<2xf32>
    %broadcast_in_dim3A_559 = vector.shape_cast %reduce_sum3A_558 : vector<2xf32> to vector<2x1xf32>
    %ge3A_560 = arith.cmpf oge, %broadcast_in_dim3A_559, %min3A : vector<2x1xf32>
    %select_n3A_561 = arith.select %ge3A_560, %or3A_549, %select_n3A_544 : vector<2x1xi1>, vector<2x1xi32>
    %shift_left3A_562 = arith.constant 1 : i32
    %shift_left3A_563 = arith.constant 2 : i32
    %shift_left3A_564 = arith.shli %shift_left3A_562, %shift_left3A_563 : i32
    %or3A_565 = vector.broadcast %shift_left3A_564 : i32 to vector<2x1xi32>
    %or3A_566 = arith.ori %select_n3A_561, %or3A_565 : vector<2x1xi32>
    %xor3A_567 = arith.constant -2147483648 : i32
    %xor3A_568 = vector.broadcast %xor3A_567 : i32 to vector<2x1xi32>
    %xor3A_569 = arith.xori %or3A_566, %xor3A_568 : vector<2x1xi32>
    %ge3A_570 = vector.broadcast %xor3A_569 : vector<2x1xi32> to vector<2x2048xi32>
    %ge3A_571 = arith.cmpi sge, %select_n3A_67, %ge3A_570 : vector<2x2048xi32>
    %convert_element_type3A_572 = arith.extui %ge3A_571 : vector<2x2048xi1> to vector<2x2048xi32>
    %convert_element_type3A_573 = arith.sitofp %convert_element_type3A_572 : vector<2x2048xi32> to vector<2x2048xf32>
    %reduce_sum3A_574 = arith.constant dense<0.000000e+00> : vector<2xf32>
    %reduce_sum3A_575 = vector.multi_reduction <add>, %convert_element_type3A_573, %reduce_sum3A_574 [1] : vector<2x2048xf32> to vector<2xf32>
    %broadcast_in_dim3A_576 = vector.shape_cast %reduce_sum3A_575 : vector<2xf32> to vector<2x1xf32>
    %ge3A_577 = arith.cmpf oge, %broadcast_in_dim3A_576, %min3A : vector<2x1xf32>
    %select_n3A_578 = arith.select %ge3A_577, %or3A_566, %select_n3A_561 : vector<2x1xi1>, vector<2x1xi32>
    %shift_left3A_579 = arith.constant 1 : i32
    %shift_left3A_580 = arith.constant 1 : i32
    %shift_left3A_581 = arith.shli %shift_left3A_579, %shift_left3A_580 : i32
    %or3A_582 = vector.broadcast %shift_left3A_581 : i32 to vector<2x1xi32>
    %or3A_583 = arith.ori %select_n3A_578, %or3A_582 : vector<2x1xi32>
    %xor3A_584 = arith.constant -2147483648 : i32
    %xor3A_585 = vector.broadcast %xor3A_584 : i32 to vector<2x1xi32>
    %xor3A_586 = arith.xori %or3A_583, %xor3A_585 : vector<2x1xi32>
    %ge3A_587 = vector.broadcast %xor3A_586 : vector<2x1xi32> to vector<2x2048xi32>
    %ge3A_588 = arith.cmpi sge, %select_n3A_67, %ge3A_587 : vector<2x2048xi32>
    %convert_element_type3A_589 = arith.extui %ge3A_588 : vector<2x2048xi1> to vector<2x2048xi32>
    %convert_element_type3A_590 = arith.sitofp %convert_element_type3A_589 : vector<2x2048xi32> to vector<2x2048xf32>
    %reduce_sum3A_591 = arith.constant dense<0.000000e+00> : vector<2xf32>
    %reduce_sum3A_592 = vector.multi_reduction <add>, %convert_element_type3A_590, %reduce_sum3A_591 [1] : vector<2x2048xf32> to vector<2xf32>
    %broadcast_in_dim3A_593 = vector.shape_cast %reduce_sum3A_592 : vector<2xf32> to vector<2x1xf32>
    %ge3A_594 = arith.cmpf oge, %broadcast_in_dim3A_593, %min3A : vector<2x1xf32>
    %select_n3A_595 = arith.select %ge3A_594, %or3A_583, %select_n3A_578 : vector<2x1xi1>, vector<2x1xi32>
    %shift_left3A_596 = arith.constant 1 : i32
    %shift_left3A_597 = arith.constant 0 : i32
    %shift_left3A_598 = arith.shli %shift_left3A_596, %shift_left3A_597 : i32
    %or3A_599 = vector.broadcast %shift_left3A_598 : i32 to vector<2x1xi32>
    %or3A_600 = arith.ori %select_n3A_595, %or3A_599 : vector<2x1xi32>
    %xor3A_601 = arith.constant -2147483648 : i32
    %xor3A_602 = vector.broadcast %xor3A_601 : i32 to vector<2x1xi32>
    %xor3A_603 = arith.xori %or3A_600, %xor3A_602 : vector<2x1xi32>
    %ge3A_604 = vector.broadcast %xor3A_603 : vector<2x1xi32> to vector<2x2048xi32>
    %ge3A_605 = arith.cmpi sge, %select_n3A_67, %ge3A_604 : vector<2x2048xi32>
    %convert_element_type3A_606 = arith.extui %ge3A_605 : vector<2x2048xi1> to vector<2x2048xi32>
    %convert_element_type3A_607 = arith.sitofp %convert_element_type3A_606 : vector<2x2048xi32> to vector<2x2048xf32>
    %reduce_sum3A_608 = arith.constant dense<0.000000e+00> : vector<2xf32>
    %reduce_sum3A_609 = vector.multi_reduction <add>, %convert_element_type3A_607, %reduce_sum3A_608 [1] : vector<2x2048xf32> to vector<2xf32>
    %broadcast_in_dim3A_610 = vector.shape_cast %reduce_sum3A_609 : vector<2xf32> to vector<2x1xf32>
    %ge3A_611 = arith.cmpf oge, %broadcast_in_dim3A_610, %min3A : vector<2x1xf32>
    %select_n3A_612 = arith.select %ge3A_611, %or3A_600, %select_n3A_595 : vector<2x1xi1>, vector<2x1xi32>
    %xor3A_613 = arith.constant -2147483648 : i32
    %xor3A_614 = vector.broadcast %xor3A_613 : i32 to vector<2x1xi32>
    %xor3A_615 = arith.xori %select_n3A_612, %xor3A_614 : vector<2x1xi32>
    %gt3A = vector.broadcast %xor3A_615 : vector<2x1xi32> to vector<2x2048xi32>
    %gt3A_616 = arith.cmpi sgt, %select_n3A_67, %gt3A : vector<2x2048xi32>
    %convert_element_type3A_617 = arith.extui %gt3A_616 : vector<2x2048xi1> to vector<2x2048xi32>
    %convert_element_type3A_618 = arith.sitofp %convert_element_type3A_617 : vector<2x2048xi32> to vector<2x2048xf32>
    %reduce_sum3A_619 = arith.constant dense<0.000000e+00> : vector<2xf32>
    %reduce_sum3A_620 = vector.multi_reduction <add>, %convert_element_type3A_618, %reduce_sum3A_619 [1] : vector<2x2048xf32> to vector<2xf32>
    %broadcast_in_dim3A_621 = vector.shape_cast %reduce_sum3A_620 : vector<2xf32> to vector<2x1xf32>
    %eq3A_622 = vector.broadcast %xor3A_615 : vector<2x1xi32> to vector<2x2048xi32>
    %eq3A_623 = arith.cmpi eq, %select_n3A_67, %eq3A_622 : vector<2x2048xi32>
    %sub3A_624 = arith.subf %min3A, %broadcast_in_dim3A_621 : vector<2x1xf32>
    %broadcast_in_dim3A_625 = arith.constant 0 : i32
    %broadcast_in_dim3A_626 = vector.broadcast %broadcast_in_dim3A_625 : i32 to vector<2x1xi32>
    %shift_left3A_627 = arith.constant 1 : i32
    %shift_left3A_628 = arith.constant 10 : i32
    %shift_left3A_629 = arith.shli %shift_left3A_627, %shift_left3A_628 : i32
    %or3A_630 = vector.broadcast %shift_left3A_629 : i32 to vector<2x1xi32>
    %or3A_631 = arith.ori %broadcast_in_dim3A_626, %or3A_630 : vector<2x1xi32>
    %lt3A = vector.broadcast %or3A_631 : vector<2x1xi32> to vector<2x2048xi32>
    %lt3A_632 = arith.cmpi slt, %iota3A, %lt3A : vector<2x2048xi32>
    %and3A_633 = arith.andi %eq3A_623, %lt3A_632 : vector<2x2048xi1>
    %convert_element_type3A_634 = arith.extui %and3A_633 : vector<2x2048xi1> to vector<2x2048xi32>
    %convert_element_type3A_635 = arith.sitofp %convert_element_type3A_634 : vector<2x2048xi32> to vector<2x2048xf32>
    %reduce_sum3A_636 = arith.constant dense<0.000000e+00> : vector<2xf32>
    %reduce_sum3A_637 = vector.multi_reduction <add>, %convert_element_type3A_635, %reduce_sum3A_636 [1] : vector<2x2048xf32> to vector<2xf32>
    %broadcast_in_dim3A_638 = vector.shape_cast %reduce_sum3A_637 : vector<2xf32> to vector<2x1xf32>
    %lt3A_639 = arith.cmpf olt, %broadcast_in_dim3A_638, %sub3A_624 : vector<2x1xf32>
    %select_n3A_640 = arith.select %lt3A_639, %or3A_631, %broadcast_in_dim3A_626 : vector<2x1xi1>, vector<2x1xi32>
    %shift_left3A_641 = arith.constant 1 : i32
    %shift_left3A_642 = arith.constant 9 : i32
    %shift_left3A_643 = arith.shli %shift_left3A_641, %shift_left3A_642 : i32
    %or3A_644 = vector.broadcast %shift_left3A_643 : i32 to vector<2x1xi32>
    %or3A_645 = arith.ori %select_n3A_640, %or3A_644 : vector<2x1xi32>
    %lt3A_646 = vector.broadcast %or3A_645 : vector<2x1xi32> to vector<2x2048xi32>
    %lt3A_647 = arith.cmpi slt, %iota3A, %lt3A_646 : vector<2x2048xi32>
    %and3A_648 = arith.andi %eq3A_623, %lt3A_647 : vector<2x2048xi1>
    %convert_element_type3A_649 = arith.extui %and3A_648 : vector<2x2048xi1> to vector<2x2048xi32>
    %convert_element_type3A_650 = arith.sitofp %convert_element_type3A_649 : vector<2x2048xi32> to vector<2x2048xf32>
    %reduce_sum3A_651 = arith.constant dense<0.000000e+00> : vector<2xf32>
    %reduce_sum3A_652 = vector.multi_reduction <add>, %convert_element_type3A_650, %reduce_sum3A_651 [1] : vector<2x2048xf32> to vector<2xf32>
    %broadcast_in_dim3A_653 = vector.shape_cast %reduce_sum3A_652 : vector<2xf32> to vector<2x1xf32>
    %lt3A_654 = arith.cmpf olt, %broadcast_in_dim3A_653, %sub3A_624 : vector<2x1xf32>
    %select_n3A_655 = arith.select %lt3A_654, %or3A_645, %select_n3A_640 : vector<2x1xi1>, vector<2x1xi32>
    %shift_left3A_656 = arith.constant 1 : i32
    %shift_left3A_657 = arith.constant 8 : i32
    %shift_left3A_658 = arith.shli %shift_left3A_656, %shift_left3A_657 : i32
    %or3A_659 = vector.broadcast %shift_left3A_658 : i32 to vector<2x1xi32>
    %or3A_660 = arith.ori %select_n3A_655, %or3A_659 : vector<2x1xi32>
    %lt3A_661 = vector.broadcast %or3A_660 : vector<2x1xi32> to vector<2x2048xi32>
    %lt3A_662 = arith.cmpi slt, %iota3A, %lt3A_661 : vector<2x2048xi32>
    %and3A_663 = arith.andi %eq3A_623, %lt3A_662 : vector<2x2048xi1>
    %convert_element_type3A_664 = arith.extui %and3A_663 : vector<2x2048xi1> to vector<2x2048xi32>
    %convert_element_type3A_665 = arith.sitofp %convert_element_type3A_664 : vector<2x2048xi32> to vector<2x2048xf32>
    %reduce_sum3A_666 = arith.constant dense<0.000000e+00> : vector<2xf32>
    %reduce_sum3A_667 = vector.multi_reduction <add>, %convert_element_type3A_665, %reduce_sum3A_666 [1] : vector<2x2048xf32> to vector<2xf32>
    %broadcast_in_dim3A_668 = vector.shape_cast %reduce_sum3A_667 : vector<2xf32> to vector<2x1xf32>
    %lt3A_669 = arith.cmpf olt, %broadcast_in_dim3A_668, %sub3A_624 : vector<2x1xf32>
    %select_n3A_670 = arith.select %lt3A_669, %or3A_660, %select_n3A_655 : vector<2x1xi1>, vector<2x1xi32>
    %shift_left3A_671 = arith.constant 1 : i32
    %shift_left3A_672 = arith.constant 7 : i32
    %shift_left3A_673 = arith.shli %shift_left3A_671, %shift_left3A_672 : i32
    %or3A_674 = vector.broadcast %shift_left3A_673 : i32 to vector<2x1xi32>
    %or3A_675 = arith.ori %select_n3A_670, %or3A_674 : vector<2x1xi32>
    %lt3A_676 = vector.broadcast %or3A_675 : vector<2x1xi32> to vector<2x2048xi32>
    %lt3A_677 = arith.cmpi slt, %iota3A, %lt3A_676 : vector<2x2048xi32>
    %and3A_678 = arith.andi %eq3A_623, %lt3A_677 : vector<2x2048xi1>
    %convert_element_type3A_679 = arith.extui %and3A_678 : vector<2x2048xi1> to vector<2x2048xi32>
    %convert_element_type3A_680 = arith.sitofp %convert_element_type3A_679 : vector<2x2048xi32> to vector<2x2048xf32>
    %reduce_sum3A_681 = arith.constant dense<0.000000e+00> : vector<2xf32>
    %reduce_sum3A_682 = vector.multi_reduction <add>, %convert_element_type3A_680, %reduce_sum3A_681 [1] : vector<2x2048xf32> to vector<2xf32>
    %broadcast_in_dim3A_683 = vector.shape_cast %reduce_sum3A_682 : vector<2xf32> to vector<2x1xf32>
    %lt3A_684 = arith.cmpf olt, %broadcast_in_dim3A_683, %sub3A_624 : vector<2x1xf32>
    %select_n3A_685 = arith.select %lt3A_684, %or3A_675, %select_n3A_670 : vector<2x1xi1>, vector<2x1xi32>
    %shift_left3A_686 = arith.constant 1 : i32
    %shift_left3A_687 = arith.constant 6 : i32
    %shift_left3A_688 = arith.shli %shift_left3A_686, %shift_left3A_687 : i32
    %or3A_689 = vector.broadcast %shift_left3A_688 : i32 to vector<2x1xi32>
    %or3A_690 = arith.ori %select_n3A_685, %or3A_689 : vector<2x1xi32>
    %lt3A_691 = vector.broadcast %or3A_690 : vector<2x1xi32> to vector<2x2048xi32>
    %lt3A_692 = arith.cmpi slt, %iota3A, %lt3A_691 : vector<2x2048xi32>
    %and3A_693 = arith.andi %eq3A_623, %lt3A_692 : vector<2x2048xi1>
    %convert_element_type3A_694 = arith.extui %and3A_693 : vector<2x2048xi1> to vector<2x2048xi32>
    %convert_element_type3A_695 = arith.sitofp %convert_element_type3A_694 : vector<2x2048xi32> to vector<2x2048xf32>
    %reduce_sum3A_696 = arith.constant dense<0.000000e+00> : vector<2xf32>
    %reduce_sum3A_697 = vector.multi_reduction <add>, %convert_element_type3A_695, %reduce_sum3A_696 [1] : vector<2x2048xf32> to vector<2xf32>
    %broadcast_in_dim3A_698 = vector.shape_cast %reduce_sum3A_697 : vector<2xf32> to vector<2x1xf32>
    %lt3A_699 = arith.cmpf olt, %broadcast_in_dim3A_698, %sub3A_624 : vector<2x1xf32>
    %select_n3A_700 = arith.select %lt3A_699, %or3A_690, %select_n3A_685 : vector<2x1xi1>, vector<2x1xi32>
    %shift_left3A_701 = arith.constant 1 : i32
    %shift_left3A_702 = arith.constant 5 : i32
    %shift_left3A_703 = arith.shli %shift_left3A_701, %shift_left3A_702 : i32
    %or3A_704 = vector.broadcast %shift_left3A_703 : i32 to vector<2x1xi32>
    %or3A_705 = arith.ori %select_n3A_700, %or3A_704 : vector<2x1xi32>
    %lt3A_706 = vector.broadcast %or3A_705 : vector<2x1xi32> to vector<2x2048xi32>
    %lt3A_707 = arith.cmpi slt, %iota3A, %lt3A_706 : vector<2x2048xi32>
    %and3A_708 = arith.andi %eq3A_623, %lt3A_707 : vector<2x2048xi1>
    %convert_element_type3A_709 = arith.extui %and3A_708 : vector<2x2048xi1> to vector<2x2048xi32>
    %convert_element_type3A_710 = arith.sitofp %convert_element_type3A_709 : vector<2x2048xi32> to vector<2x2048xf32>
    %reduce_sum3A_711 = arith.constant dense<0.000000e+00> : vector<2xf32>
    %reduce_sum3A_712 = vector.multi_reduction <add>, %convert_element_type3A_710, %reduce_sum3A_711 [1] : vector<2x2048xf32> to vector<2xf32>
    %broadcast_in_dim3A_713 = vector.shape_cast %reduce_sum3A_712 : vector<2xf32> to vector<2x1xf32>
    %lt3A_714 = arith.cmpf olt, %broadcast_in_dim3A_713, %sub3A_624 : vector<2x1xf32>
    %select_n3A_715 = arith.select %lt3A_714, %or3A_705, %select_n3A_700 : vector<2x1xi1>, vector<2x1xi32>
    %shift_left3A_716 = arith.constant 1 : i32
    %shift_left3A_717 = arith.constant 4 : i32
    %shift_left3A_718 = arith.shli %shift_left3A_716, %shift_left3A_717 : i32
    %or3A_719 = vector.broadcast %shift_left3A_718 : i32 to vector<2x1xi32>
    %or3A_720 = arith.ori %select_n3A_715, %or3A_719 : vector<2x1xi32>
    %lt3A_721 = vector.broadcast %or3A_720 : vector<2x1xi32> to vector<2x2048xi32>
    %lt3A_722 = arith.cmpi slt, %iota3A, %lt3A_721 : vector<2x2048xi32>
    %and3A_723 = arith.andi %eq3A_623, %lt3A_722 : vector<2x2048xi1>
    %convert_element_type3A_724 = arith.extui %and3A_723 : vector<2x2048xi1> to vector<2x2048xi32>
    %convert_element_type3A_725 = arith.sitofp %convert_element_type3A_724 : vector<2x2048xi32> to vector<2x2048xf32>
    %reduce_sum3A_726 = arith.constant dense<0.000000e+00> : vector<2xf32>
    %reduce_sum3A_727 = vector.multi_reduction <add>, %convert_element_type3A_725, %reduce_sum3A_726 [1] : vector<2x2048xf32> to vector<2xf32>
    %broadcast_in_dim3A_728 = vector.shape_cast %reduce_sum3A_727 : vector<2xf32> to vector<2x1xf32>
    %lt3A_729 = arith.cmpf olt, %broadcast_in_dim3A_728, %sub3A_624 : vector<2x1xf32>
    %select_n3A_730 = arith.select %lt3A_729, %or3A_720, %select_n3A_715 : vector<2x1xi1>, vector<2x1xi32>
    %shift_left3A_731 = arith.constant 1 : i32
    %shift_left3A_732 = arith.constant 3 : i32
    %shift_left3A_733 = arith.shli %shift_left3A_731, %shift_left3A_732 : i32
    %or3A_734 = vector.broadcast %shift_left3A_733 : i32 to vector<2x1xi32>
    %or3A_735 = arith.ori %select_n3A_730, %or3A_734 : vector<2x1xi32>
    %lt3A_736 = vector.broadcast %or3A_735 : vector<2x1xi32> to vector<2x2048xi32>
    %lt3A_737 = arith.cmpi slt, %iota3A, %lt3A_736 : vector<2x2048xi32>
    %and3A_738 = arith.andi %eq3A_623, %lt3A_737 : vector<2x2048xi1>
    %convert_element_type3A_739 = arith.extui %and3A_738 : vector<2x2048xi1> to vector<2x2048xi32>
    %convert_element_type3A_740 = arith.sitofp %convert_element_type3A_739 : vector<2x2048xi32> to vector<2x2048xf32>
    %reduce_sum3A_741 = arith.constant dense<0.000000e+00> : vector<2xf32>
    %reduce_sum3A_742 = vector.multi_reduction <add>, %convert_element_type3A_740, %reduce_sum3A_741 [1] : vector<2x2048xf32> to vector<2xf32>
    %broadcast_in_dim3A_743 = vector.shape_cast %reduce_sum3A_742 : vector<2xf32> to vector<2x1xf32>
    %lt3A_744 = arith.cmpf olt, %broadcast_in_dim3A_743, %sub3A_624 : vector<2x1xf32>
    %select_n3A_745 = arith.select %lt3A_744, %or3A_735, %select_n3A_730 : vector<2x1xi1>, vector<2x1xi32>
    %shift_left3A_746 = arith.constant 1 : i32
    %shift_left3A_747 = arith.constant 2 : i32
    %shift_left3A_748 = arith.shli %shift_left3A_746, %shift_left3A_747 : i32
    %or3A_749 = vector.broadcast %shift_left3A_748 : i32 to vector<2x1xi32>
    %or3A_750 = arith.ori %select_n3A_745, %or3A_749 : vector<2x1xi32>
    %lt3A_751 = vector.broadcast %or3A_750 : vector<2x1xi32> to vector<2x2048xi32>
    %lt3A_752 = arith.cmpi slt, %iota3A, %lt3A_751 : vector<2x2048xi32>
    %and3A_753 = arith.andi %eq3A_623, %lt3A_752 : vector<2x2048xi1>
    %convert_element_type3A_754 = arith.extui %and3A_753 : vector<2x2048xi1> to vector<2x2048xi32>
    %convert_element_type3A_755 = arith.sitofp %convert_element_type3A_754 : vector<2x2048xi32> to vector<2x2048xf32>
    %reduce_sum3A_756 = arith.constant dense<0.000000e+00> : vector<2xf32>
    %reduce_sum3A_757 = vector.multi_reduction <add>, %convert_element_type3A_755, %reduce_sum3A_756 [1] : vector<2x2048xf32> to vector<2xf32>
    %broadcast_in_dim3A_758 = vector.shape_cast %reduce_sum3A_757 : vector<2xf32> to vector<2x1xf32>
    %lt3A_759 = arith.cmpf olt, %broadcast_in_dim3A_758, %sub3A_624 : vector<2x1xf32>
    %select_n3A_760 = arith.select %lt3A_759, %or3A_750, %select_n3A_745 : vector<2x1xi1>, vector<2x1xi32>
    %shift_left3A_761 = arith.constant 1 : i32
    %shift_left3A_762 = arith.constant 1 : i32
    %shift_left3A_763 = arith.shli %shift_left3A_761, %shift_left3A_762 : i32
    %or3A_764 = vector.broadcast %shift_left3A_763 : i32 to vector<2x1xi32>
    %or3A_765 = arith.ori %select_n3A_760, %or3A_764 : vector<2x1xi32>
    %lt3A_766 = vector.broadcast %or3A_765 : vector<2x1xi32> to vector<2x2048xi32>
    %lt3A_767 = arith.cmpi slt, %iota3A, %lt3A_766 : vector<2x2048xi32>
    %and3A_768 = arith.andi %eq3A_623, %lt3A_767 : vector<2x2048xi1>
    %convert_element_type3A_769 = arith.extui %and3A_768 : vector<2x2048xi1> to vector<2x2048xi32>
    %convert_element_type3A_770 = arith.sitofp %convert_element_type3A_769 : vector<2x2048xi32> to vector<2x2048xf32>
    %reduce_sum3A_771 = arith.constant dense<0.000000e+00> : vector<2xf32>
    %reduce_sum3A_772 = vector.multi_reduction <add>, %convert_element_type3A_770, %reduce_sum3A_771 [1] : vector<2x2048xf32> to vector<2xf32>
    %broadcast_in_dim3A_773 = vector.shape_cast %reduce_sum3A_772 : vector<2xf32> to vector<2x1xf32>
    %lt3A_774 = arith.cmpf olt, %broadcast_in_dim3A_773, %sub3A_624 : vector<2x1xf32>
    %select_n3A_775 = arith.select %lt3A_774, %or3A_765, %select_n3A_760 : vector<2x1xi1>, vector<2x1xi32>
    %shift_left3A_776 = arith.constant 1 : i32
    %shift_left3A_777 = arith.constant 0 : i32
    %shift_left3A_778 = arith.shli %shift_left3A_776, %shift_left3A_777 : i32
    %or3A_779 = vector.broadcast %shift_left3A_778 : i32 to vector<2x1xi32>
    %or3A_780 = arith.ori %select_n3A_775, %or3A_779 : vector<2x1xi32>
    %lt3A_781 = vector.broadcast %or3A_780 : vector<2x1xi32> to vector<2x2048xi32>
    %lt3A_782 = arith.cmpi slt, %iota3A, %lt3A_781 : vector<2x2048xi32>
    %and3A_783 = arith.andi %eq3A_623, %lt3A_782 : vector<2x2048xi1>
    %convert_element_type3A_784 = arith.extui %and3A_783 : vector<2x2048xi1> to vector<2x2048xi32>
    %convert_element_type3A_785 = arith.sitofp %convert_element_type3A_784 : vector<2x2048xi32> to vector<2x2048xf32>
    %reduce_sum3A_786 = arith.constant dense<0.000000e+00> : vector<2xf32>
    %reduce_sum3A_787 = vector.multi_reduction <add>, %convert_element_type3A_785, %reduce_sum3A_786 [1] : vector<2x2048xf32> to vector<2xf32>
    %broadcast_in_dim3A_788 = vector.shape_cast %reduce_sum3A_787 : vector<2xf32> to vector<2x1xf32>
    %lt3A_789 = arith.cmpf olt, %broadcast_in_dim3A_788, %sub3A_624 : vector<2x1xf32>
    %select_n3A_790 = arith.select %lt3A_789, %or3A_780, %select_n3A_775 : vector<2x1xi1>, vector<2x1xi32>
    %le3A = vector.broadcast %select_n3A_790 : vector<2x1xi32> to vector<2x2048xi32>
    %le3A_791 = arith.cmpi sle, %iota3A, %le3A : vector<2x2048xi32>
    %and3A_792 = arith.andi %eq3A_623, %le3A_791 : vector<2x2048xi1>
    %or3A_793 = arith.ori %gt3A_616, %and3A_792 : vector<2x2048xi1>
    %or3A_794 = arith.ori %or3A, %or3A_793 : vector<2x2048xi1>
    %or3A_795 = arith.ori %and3A_35, %or3A_793 : vector<2x2048xi1>
    %convert_element_type3A_796 = arith.extui %or3A_795 : vector<2x2048xi1> to vector<2x2048xi32>
    %convert_element_type3A_797 = arith.sitofp %convert_element_type3A_796 : vector<2x2048xi32> to vector<2x2048xf32>
    %mul3A_798 = arith.mulf %convert_element_type3A_797, %sub3A_25 : vector<2x2048xf32>
    %reduce_sum3A_799 = vector.shape_cast %mul3A_798 : vector<2x2048xf32> to vector<1x2x2048xf32>
    %reduce_sum3A_800 = arith.constant dense<0.000000e+00> : vector<1xf32>
    %reduce_sum3A_801 = vector.multi_reduction <add>, %reduce_sum3A_799, %reduce_sum3A_800 [1, 2] : vector<1x2x2048xf32> to vector<1xf32>
    %reduce_sum3A_802 = vector.shape_cast %reduce_sum3A_801 : vector<1xf32> to vector<1x1x1xf32>
    %reduce_sum3A_803 = vector.extract %reduce_sum3A_802[0, 0, 0] : f32 from vector<1x1x1xf32>
    %add3A_804 = arith.constant 0.000000e+00 : f32
    %add3A_805 = arith.addf %add3A_804, %reduce_sum3A_803 : f32
    %reduce_sum3A_806 = vector.shape_cast %convert_element_type3A_797 : vector<2x2048xf32> to vector<1x2x2048xf32>
    %reduce_sum3A_807 = arith.constant dense<0.000000e+00> : vector<1xf32>
    %reduce_sum3A_808 = vector.multi_reduction <add>, %reduce_sum3A_806, %reduce_sum3A_807 [1, 2] : vector<1x2x2048xf32> to vector<1xf32>
    %reduce_sum3A_809 = vector.shape_cast %reduce_sum3A_808 : vector<1xf32> to vector<1x1x1xf32>
    %reduce_sum3A_810 = vector.extract %reduce_sum3A_809[0, 0, 0] : f32 from vector<1x1x1xf32>
    %add3A_811 = arith.constant 0.000000e+00 : f32
    %add3A_812 = arith.addf %add3A_811, %reduce_sum3A_810 : f32
    %get3A_813 = arith.constant 1 : index
    %get3A_814 = arith.constant 0 : index
    %get3A_815 = arith.constant 0 : index
    %get3A_816 = vector.load %arg1[%get3A_813, %get3A_814, %get3A_815] : memref<3x2x2048xf32, #tpu.memory_space<vmem>>, vector<1x2x2048xf32>
    %get3A_817 = vector.shape_cast %get3A_816 : vector<1x2x2048xf32> to vector<2x2048xf32>
    %sub3A_818 = arith.constant 0.000000e+00 : f32
    %sub3A_819 = vector.broadcast %sub3A_818 : f32 to vector<2x2048xf32>
    %sub3A_820 = arith.subf %sub3A_819, %get3A_817 : vector<2x2048xf32>
    %get3A_821 = arith.constant 1 : index
    %get3A_822 = arith.constant 0 : index
    %get3A_823 = arith.constant 0 : index
    %get3A_824 = vector.load %arg2[%get3A_821, %get3A_822, %get3A_823] : memref<3x2x2048xf32, #tpu.memory_space<vmem>>, vector<1x2x2048xf32>
    %get3A_825 = vector.shape_cast %get3A_824 : vector<1x2x2048xf32> to vector<2x2048xf32>
    %add3A_826 = arith.addf %sub3A_820, %get3A_825 : vector<2x2048xf32>
    %get3A_827 = arith.constant 1 : index
    %get3A_828 = arith.constant 0 : index
    %get3A_829 = arith.constant 0 : index
    %get3A_830 = vector.load %arg3[%get3A_827, %get3A_828, %get3A_829] : memref<3x2x2048xf32, #tpu.memory_space<vmem>>, vector<1x2x2048xf32>
    %get3A_831 = vector.shape_cast %get3A_830 : vector<1x2x2048xf32> to vector<2x2048xf32>
    %sub3A_832 = arith.subf %add3A_826, %get3A_831 : vector<2x2048xf32>
    %get3A_833 = arith.constant 1 : index
    %get3A_834 = arith.constant 0 : index
    %get3A_835 = arith.constant 0 : index
    %get3A_836 = vector.load %arg4[%get3A_833, %get3A_834, %get3A_835] : memref<3x2x2048xi32, #tpu.memory_space<vmem>>, vector<1x2x2048xi32>
    %get3A_837 = vector.shape_cast %get3A_836 : vector<1x2x2048xi32> to vector<2x2048xi32>
    %ne3A_838 = arith.constant 0 : i32
    %ne3A_839 = vector.broadcast %ne3A_838 : i32 to vector<2x2048xi32>
    %ne3A_840 = arith.cmpi ne, %get3A_837, %ne3A_839 : vector<2x2048xi32>
    %and3A_841 = arith.andi %ne3A_840, %ne3A_3 : vector<2x2048xi1>
    %not3A_842 = arith.constant dense<true> : vector<2x2048xi1>
    %not3A_843 = arith.xori %or3A_794, %not3A_842 : vector<2x2048xi1>
    %and3A_844 = arith.andi %and3A_841, %not3A_843 : vector<2x2048xi1>
    %or3A_845 = arith.ori %or3A_794, %and3A_844 : vector<2x2048xi1>
    %mul3A_846 = arith.constant 7.500000e-01 : f32
    %mul3A_847 = vector.broadcast %mul3A_846 : f32 to vector<2x1xf32>
    %mul3A_848 = arith.mulf %broadcast_in_dim3A, %mul3A_847 : vector<2x1xf32>
    %ceil3A_849 = math.ceil %mul3A_848 : vector<2x1xf32>
    %and3A_850 = arith.andi %or3A_845, %ne3A_3 : vector<2x2048xi1>
    %convert_element_type3A_851 = arith.extui %and3A_850 : vector<2x2048xi1> to vector<2x2048xi32>
    %convert_element_type3A_852 = arith.sitofp %convert_element_type3A_851 : vector<2x2048xi32> to vector<2x2048xf32>
    %reduce_sum3A_853 = arith.constant dense<0.000000e+00> : vector<2xf32>
    %reduce_sum3A_854 = vector.multi_reduction <add>, %convert_element_type3A_852, %reduce_sum3A_853 [1] : vector<2x2048xf32> to vector<2xf32>
    %broadcast_in_dim3A_855 = vector.shape_cast %reduce_sum3A_854 : vector<2xf32> to vector<2x1xf32>
    %sub3A_856 = arith.subf %ceil3A_849, %broadcast_in_dim3A_855 : vector<2x1xf32>
    %max3A_857 = arith.constant 0.000000e+00 : f32
    %max3A_858 = vector.broadcast %max3A_857 : f32 to vector<2x1xf32>
    %max3A_859 = arith.maximumf %sub3A_856, %max3A_858 : vector<2x1xf32>
    %not3A_860 = arith.constant dense<true> : vector<2x2048xi1>
    %not3A_861 = arith.xori %or3A_845, %not3A_860 : vector<2x2048xi1>
    %and3A_862 = arith.andi %ne3A_3, %not3A_861 : vector<2x2048xi1>
    %convert_element_type3A_863 = arith.extui %and3A_862 : vector<2x2048xi1> to vector<2x2048xi32>
    %convert_element_type3A_864 = arith.sitofp %convert_element_type3A_863 : vector<2x2048xi32> to vector<2x2048xf32>
    %reduce_sum3A_865 = arith.constant dense<0.000000e+00> : vector<2xf32>
    %reduce_sum3A_866 = vector.multi_reduction <add>, %convert_element_type3A_864, %reduce_sum3A_865 [1] : vector<2x2048xf32> to vector<2xf32>
    %broadcast_in_dim3A_867 = vector.shape_cast %reduce_sum3A_866 : vector<2xf32> to vector<2x1xf32>
    %min3A_868 = arith.minimumf %max3A_859, %broadcast_in_dim3A_867 : vector<2x1xf32>
    %eq3A_869 = arith.constant 0.000000e+00 : f32
    %eq3A_870 = vector.broadcast %eq3A_869 : f32 to vector<2x2048xf32>
    %eq3A_871 = arith.cmpf oeq, %get3A_817, %eq3A_870 : vector<2x2048xf32>
    %jit3A_872 = arith.constant 0.000000e+00 : f32
    %broadcast_in_dim3A_873 = vector.broadcast %jit3A_872 : f32 to vector<2x2048xf32>
    %select_n3A_874 = arith.select %eq3A_871, %broadcast_in_dim3A_873, %get3A_817 : vector<2x2048xi1>, vector<2x2048xf32>
    %jit3A_875 = arith.constant 0xFF800000 : f32
    %broadcast_in_dim3A_876 = vector.broadcast %jit3A_875 : f32 to vector<2x2048xf32>
    %select_n3A_877 = arith.select %and3A_862, %select_n3A_874, %broadcast_in_dim3A_876 : vector<2x2048xi1>, vector<2x2048xf32>
    %bitcast_convert_type3A_878 = tpu.bitcast %select_n3A_877 : vector<2x2048xf32> -> vector<2x2048xi32>
    %ge3A_879 = arith.constant 0 : i32
    %ge3A_880 = vector.broadcast %ge3A_879 : i32 to vector<2x2048xi32>
    %ge3A_881 = arith.cmpi sge, %bitcast_convert_type3A_878, %ge3A_880 : vector<2x2048xi32>
    %xor3A_882 = arith.constant -2147483648 : i32
    %xor3A_883 = vector.broadcast %xor3A_882 : i32 to vector<2x2048xi32>
    %xor3A_884 = arith.xori %bitcast_convert_type3A_878, %xor3A_883 : vector<2x2048xi32>
    %not3A_885 = arith.constant dense<-1> : vector<2x2048xi32>
    %not3A_886 = arith.xori %xor3A_884, %not3A_885 : vector<2x2048xi32>
    %select_n3A_887 = arith.select %ge3A_881, %bitcast_convert_type3A_878, %not3A_886 : vector<2x2048xi1>, vector<2x2048xi32>
    %broadcast_in_dim3A_888 = arith.constant 0 : i32
    %broadcast_in_dim3A_889 = vector.broadcast %broadcast_in_dim3A_888 : i32 to vector<2x1xi32>
    %shift_left3A_890 = arith.constant 1 : i32
    %shift_left3A_891 = arith.constant 31 : i32
    %shift_left3A_892 = arith.shli %shift_left3A_890, %shift_left3A_891 : i32
    %or3A_893 = vector.broadcast %shift_left3A_892 : i32 to vector<2x1xi32>
    %or3A_894 = arith.ori %broadcast_in_dim3A_889, %or3A_893 : vector<2x1xi32>
    %xor3A_895 = arith.constant -2147483648 : i32
    %xor3A_896 = vector.broadcast %xor3A_895 : i32 to vector<2x1xi32>
    %xor3A_897 = arith.xori %or3A_894, %xor3A_896 : vector<2x1xi32>
    %ge3A_898 = vector.broadcast %xor3A_897 : vector<2x1xi32> to vector<2x2048xi32>
    %ge3A_899 = arith.cmpi sge, %select_n3A_887, %ge3A_898 : vector<2x2048xi32>
    %convert_element_type3A_900 = arith.extui %ge3A_899 : vector<2x2048xi1> to vector<2x2048xi32>
    %convert_element_type3A_901 = arith.sitofp %convert_element_type3A_900 : vector<2x2048xi32> to vector<2x2048xf32>
    %reduce_sum3A_902 = arith.constant dense<0.000000e+00> : vector<2xf32>
    %reduce_sum3A_903 = vector.multi_reduction <add>, %convert_element_type3A_901, %reduce_sum3A_902 [1] : vector<2x2048xf32> to vector<2xf32>
    %broadcast_in_dim3A_904 = vector.shape_cast %reduce_sum3A_903 : vector<2xf32> to vector<2x1xf32>
    %ge3A_905 = arith.cmpf oge, %broadcast_in_dim3A_904, %min3A_868 : vector<2x1xf32>
    %select_n3A_906 = arith.select %ge3A_905, %or3A_894, %broadcast_in_dim3A_889 : vector<2x1xi1>, vector<2x1xi32>
    %shift_left3A_907 = arith.constant 1 : i32
    %shift_left3A_908 = arith.constant 30 : i32
    %shift_left3A_909 = arith.shli %shift_left3A_907, %shift_left3A_908 : i32
    %or3A_910 = vector.broadcast %shift_left3A_909 : i32 to vector<2x1xi32>
    %or3A_911 = arith.ori %select_n3A_906, %or3A_910 : vector<2x1xi32>
    %xor3A_912 = arith.constant -2147483648 : i32
    %xor3A_913 = vector.broadcast %xor3A_912 : i32 to vector<2x1xi32>
    %xor3A_914 = arith.xori %or3A_911, %xor3A_913 : vector<2x1xi32>
    %ge3A_915 = vector.broadcast %xor3A_914 : vector<2x1xi32> to vector<2x2048xi32>
    %ge3A_916 = arith.cmpi sge, %select_n3A_887, %ge3A_915 : vector<2x2048xi32>
    %convert_element_type3A_917 = arith.extui %ge3A_916 : vector<2x2048xi1> to vector<2x2048xi32>
    %convert_element_type3A_918 = arith.sitofp %convert_element_type3A_917 : vector<2x2048xi32> to vector<2x2048xf32>
    %reduce_sum3A_919 = arith.constant dense<0.000000e+00> : vector<2xf32>
    %reduce_sum3A_920 = vector.multi_reduction <add>, %convert_element_type3A_918, %reduce_sum3A_919 [1] : vector<2x2048xf32> to vector<2xf32>
    %broadcast_in_dim3A_921 = vector.shape_cast %reduce_sum3A_920 : vector<2xf32> to vector<2x1xf32>
    %ge3A_922 = arith.cmpf oge, %broadcast_in_dim3A_921, %min3A_868 : vector<2x1xf32>
    %select_n3A_923 = arith.select %ge3A_922, %or3A_911, %select_n3A_906 : vector<2x1xi1>, vector<2x1xi32>
    %shift_left3A_924 = arith.constant 1 : i32
    %shift_left3A_925 = arith.constant 29 : i32
    %shift_left3A_926 = arith.shli %shift_left3A_924, %shift_left3A_925 : i32
    %or3A_927 = vector.broadcast %shift_left3A_926 : i32 to vector<2x1xi32>
    %or3A_928 = arith.ori %select_n3A_923, %or3A_927 : vector<2x1xi32>
    %xor3A_929 = arith.constant -2147483648 : i32
    %xor3A_930 = vector.broadcast %xor3A_929 : i32 to vector<2x1xi32>
    %xor3A_931 = arith.xori %or3A_928, %xor3A_930 : vector<2x1xi32>
    %ge3A_932 = vector.broadcast %xor3A_931 : vector<2x1xi32> to vector<2x2048xi32>
    %ge3A_933 = arith.cmpi sge, %select_n3A_887, %ge3A_932 : vector<2x2048xi32>
    %convert_element_type3A_934 = arith.extui %ge3A_933 : vector<2x2048xi1> to vector<2x2048xi32>
    %convert_element_type3A_935 = arith.sitofp %convert_element_type3A_934 : vector<2x2048xi32> to vector<2x2048xf32>
    %reduce_sum3A_936 = arith.constant dense<0.000000e+00> : vector<2xf32>
    %reduce_sum3A_937 = vector.multi_reduction <add>, %convert_element_type3A_935, %reduce_sum3A_936 [1] : vector<2x2048xf32> to vector<2xf32>
    %broadcast_in_dim3A_938 = vector.shape_cast %reduce_sum3A_937 : vector<2xf32> to vector<2x1xf32>
    %ge3A_939 = arith.cmpf oge, %broadcast_in_dim3A_938, %min3A_868 : vector<2x1xf32>
    %select_n3A_940 = arith.select %ge3A_939, %or3A_928, %select_n3A_923 : vector<2x1xi1>, vector<2x1xi32>
    %shift_left3A_941 = arith.constant 1 : i32
    %shift_left3A_942 = arith.constant 28 : i32
    %shift_left3A_943 = arith.shli %shift_left3A_941, %shift_left3A_942 : i32
    %or3A_944 = vector.broadcast %shift_left3A_943 : i32 to vector<2x1xi32>
    %or3A_945 = arith.ori %select_n3A_940, %or3A_944 : vector<2x1xi32>
    %xor3A_946 = arith.constant -2147483648 : i32
    %xor3A_947 = vector.broadcast %xor3A_946 : i32 to vector<2x1xi32>
    %xor3A_948 = arith.xori %or3A_945, %xor3A_947 : vector<2x1xi32>
    %ge3A_949 = vector.broadcast %xor3A_948 : vector<2x1xi32> to vector<2x2048xi32>
    %ge3A_950 = arith.cmpi sge, %select_n3A_887, %ge3A_949 : vector<2x2048xi32>
    %convert_element_type3A_951 = arith.extui %ge3A_950 : vector<2x2048xi1> to vector<2x2048xi32>
    %convert_element_type3A_952 = arith.sitofp %convert_element_type3A_951 : vector<2x2048xi32> to vector<2x2048xf32>
    %reduce_sum3A_953 = arith.constant dense<0.000000e+00> : vector<2xf32>
    %reduce_sum3A_954 = vector.multi_reduction <add>, %convert_element_type3A_952, %reduce_sum3A_953 [1] : vector<2x2048xf32> to vector<2xf32>
    %broadcast_in_dim3A_955 = vector.shape_cast %reduce_sum3A_954 : vector<2xf32> to vector<2x1xf32>
    %ge3A_956 = arith.cmpf oge, %broadcast_in_dim3A_955, %min3A_868 : vector<2x1xf32>
    %select_n3A_957 = arith.select %ge3A_956, %or3A_945, %select_n3A_940 : vector<2x1xi1>, vector<2x1xi32>
    %shift_left3A_958 = arith.constant 1 : i32
    %shift_left3A_959 = arith.constant 27 : i32
    %shift_left3A_960 = arith.shli %shift_left3A_958, %shift_left3A_959 : i32
    %or3A_961 = vector.broadcast %shift_left3A_960 : i32 to vector<2x1xi32>
    %or3A_962 = arith.ori %select_n3A_957, %or3A_961 : vector<2x1xi32>
    %xor3A_963 = arith.constant -2147483648 : i32
    %xor3A_964 = vector.broadcast %xor3A_963 : i32 to vector<2x1xi32>
    %xor3A_965 = arith.xori %or3A_962, %xor3A_964 : vector<2x1xi32>
    %ge3A_966 = vector.broadcast %xor3A_965 : vector<2x1xi32> to vector<2x2048xi32>
    %ge3A_967 = arith.cmpi sge, %select_n3A_887, %ge3A_966 : vector<2x2048xi32>
    %convert_element_type3A_968 = arith.extui %ge3A_967 : vector<2x2048xi1> to vector<2x2048xi32>
    %convert_element_type3A_969 = arith.sitofp %convert_element_type3A_968 : vector<2x2048xi32> to vector<2x2048xf32>
    %reduce_sum3A_970 = arith.constant dense<0.000000e+00> : vector<2xf32>
    %reduce_sum3A_971 = vector.multi_reduction <add>, %convert_element_type3A_969, %reduce_sum3A_970 [1] : vector<2x2048xf32> to vector<2xf32>
    %broadcast_in_dim3A_972 = vector.shape_cast %reduce_sum3A_971 : vector<2xf32> to vector<2x1xf32>
    %ge3A_973 = arith.cmpf oge, %broadcast_in_dim3A_972, %min3A_868 : vector<2x1xf32>
    %select_n3A_974 = arith.select %ge3A_973, %or3A_962, %select_n3A_957 : vector<2x1xi1>, vector<2x1xi32>
    %shift_left3A_975 = arith.constant 1 : i32
    %shift_left3A_976 = arith.constant 26 : i32
    %shift_left3A_977 = arith.shli %shift_left3A_975, %shift_left3A_976 : i32
    %or3A_978 = vector.broadcast %shift_left3A_977 : i32 to vector<2x1xi32>
    %or3A_979 = arith.ori %select_n3A_974, %or3A_978 : vector<2x1xi32>
    %xor3A_980 = arith.constant -2147483648 : i32
    %xor3A_981 = vector.broadcast %xor3A_980 : i32 to vector<2x1xi32>
    %xor3A_982 = arith.xori %or3A_979, %xor3A_981 : vector<2x1xi32>
    %ge3A_983 = vector.broadcast %xor3A_982 : vector<2x1xi32> to vector<2x2048xi32>
    %ge3A_984 = arith.cmpi sge, %select_n3A_887, %ge3A_983 : vector<2x2048xi32>
    %convert_element_type3A_985 = arith.extui %ge3A_984 : vector<2x2048xi1> to vector<2x2048xi32>
    %convert_element_type3A_986 = arith.sitofp %convert_element_type3A_985 : vector<2x2048xi32> to vector<2x2048xf32>
    %reduce_sum3A_987 = arith.constant dense<0.000000e+00> : vector<2xf32>
    %reduce_sum3A_988 = vector.multi_reduction <add>, %convert_element_type3A_986, %reduce_sum3A_987 [1] : vector<2x2048xf32> to vector<2xf32>
    %broadcast_in_dim3A_989 = vector.shape_cast %reduce_sum3A_988 : vector<2xf32> to vector<2x1xf32>
    %ge3A_990 = arith.cmpf oge, %broadcast_in_dim3A_989, %min3A_868 : vector<2x1xf32>
    %select_n3A_991 = arith.select %ge3A_990, %or3A_979, %select_n3A_974 : vector<2x1xi1>, vector<2x1xi32>
    %shift_left3A_992 = arith.constant 1 : i32
    %shift_left3A_993 = arith.constant 25 : i32
    %shift_left3A_994 = arith.shli %shift_left3A_992, %shift_left3A_993 : i32
    %or3A_995 = vector.broadcast %shift_left3A_994 : i32 to vector<2x1xi32>
    %or3A_996 = arith.ori %select_n3A_991, %or3A_995 : vector<2x1xi32>
    %xor3A_997 = arith.constant -2147483648 : i32
    %xor3A_998 = vector.broadcast %xor3A_997 : i32 to vector<2x1xi32>
    %xor3A_999 = arith.xori %or3A_996, %xor3A_998 : vector<2x1xi32>
    %ge3A_1000 = vector.broadcast %xor3A_999 : vector<2x1xi32> to vector<2x2048xi32>
    %ge3A_1001 = arith.cmpi sge, %select_n3A_887, %ge3A_1000 : vector<2x2048xi32>
    %convert_element_type3A_1002 = arith.extui %ge3A_1001 : vector<2x2048xi1> to vector<2x2048xi32>
    %convert_element_type3A_1003 = arith.sitofp %convert_element_type3A_1002 : vector<2x2048xi32> to vector<2x2048xf32>
    %reduce_sum3A_1004 = arith.constant dense<0.000000e+00> : vector<2xf32>
    %reduce_sum3A_1005 = vector.multi_reduction <add>, %convert_element_type3A_1003, %reduce_sum3A_1004 [1] : vector<2x2048xf32> to vector<2xf32>
    %broadcast_in_dim3A_1006 = vector.shape_cast %reduce_sum3A_1005 : vector<2xf32> to vector<2x1xf32>
    %ge3A_1007 = arith.cmpf oge, %broadcast_in_dim3A_1006, %min3A_868 : vector<2x1xf32>
    %select_n3A_1008 = arith.select %ge3A_1007, %or3A_996, %select_n3A_991 : vector<2x1xi1>, vector<2x1xi32>
    %shift_left3A_1009 = arith.constant 1 : i32
    %shift_left3A_1010 = arith.constant 24 : i32
    %shift_left3A_1011 = arith.shli %shift_left3A_1009, %shift_left3A_1010 : i32
    %or3A_1012 = vector.broadcast %shift_left3A_1011 : i32 to vector<2x1xi32>
    %or3A_1013 = arith.ori %select_n3A_1008, %or3A_1012 : vector<2x1xi32>
    %xor3A_1014 = arith.constant -2147483648 : i32
    %xor3A_1015 = vector.broadcast %xor3A_1014 : i32 to vector<2x1xi32>
    %xor3A_1016 = arith.xori %or3A_1013, %xor3A_1015 : vector<2x1xi32>
    %ge3A_1017 = vector.broadcast %xor3A_1016 : vector<2x1xi32> to vector<2x2048xi32>
    %ge3A_1018 = arith.cmpi sge, %select_n3A_887, %ge3A_1017 : vector<2x2048xi32>
    %convert_element_type3A_1019 = arith.extui %ge3A_1018 : vector<2x2048xi1> to vector<2x2048xi32>
    %convert_element_type3A_1020 = arith.sitofp %convert_element_type3A_1019 : vector<2x2048xi32> to vector<2x2048xf32>
    %reduce_sum3A_1021 = arith.constant dense<0.000000e+00> : vector<2xf32>
    %reduce_sum3A_1022 = vector.multi_reduction <add>, %convert_element_type3A_1020, %reduce_sum3A_1021 [1] : vector<2x2048xf32> to vector<2xf32>
    %broadcast_in_dim3A_1023 = vector.shape_cast %reduce_sum3A_1022 : vector<2xf32> to vector<2x1xf32>
    %ge3A_1024 = arith.cmpf oge, %broadcast_in_dim3A_1023, %min3A_868 : vector<2x1xf32>
    %select_n3A_1025 = arith.select %ge3A_1024, %or3A_1013, %select_n3A_1008 : vector<2x1xi1>, vector<2x1xi32>
    %shift_left3A_1026 = arith.constant 1 : i32
    %shift_left3A_1027 = arith.constant 23 : i32
    %shift_left3A_1028 = arith.shli %shift_left3A_1026, %shift_left3A_1027 : i32
    %or3A_1029 = vector.broadcast %shift_left3A_1028 : i32 to vector<2x1xi32>
    %or3A_1030 = arith.ori %select_n3A_1025, %or3A_1029 : vector<2x1xi32>
    %xor3A_1031 = arith.constant -2147483648 : i32
    %xor3A_1032 = vector.broadcast %xor3A_1031 : i32 to vector<2x1xi32>
    %xor3A_1033 = arith.xori %or3A_1030, %xor3A_1032 : vector<2x1xi32>
    %ge3A_1034 = vector.broadcast %xor3A_1033 : vector<2x1xi32> to vector<2x2048xi32>
    %ge3A_1035 = arith.cmpi sge, %select_n3A_887, %ge3A_1034 : vector<2x2048xi32>
    %convert_element_type3A_1036 = arith.extui %ge3A_1035 : vector<2x2048xi1> to vector<2x2048xi32>
    %convert_element_type3A_1037 = arith.sitofp %convert_element_type3A_1036 : vector<2x2048xi32> to vector<2x2048xf32>
    %reduce_sum3A_1038 = arith.constant dense<0.000000e+00> : vector<2xf32>
    %reduce_sum3A_1039 = vector.multi_reduction <add>, %convert_element_type3A_1037, %reduce_sum3A_1038 [1] : vector<2x2048xf32> to vector<2xf32>
    %broadcast_in_dim3A_1040 = vector.shape_cast %reduce_sum3A_1039 : vector<2xf32> to vector<2x1xf32>
    %ge3A_1041 = arith.cmpf oge, %broadcast_in_dim3A_1040, %min3A_868 : vector<2x1xf32>
    %select_n3A_1042 = arith.select %ge3A_1041, %or3A_1030, %select_n3A_1025 : vector<2x1xi1>, vector<2x1xi32>
    %shift_left3A_1043 = arith.constant 1 : i32
    %shift_left3A_1044 = arith.constant 22 : i32
    %shift_left3A_1045 = arith.shli %shift_left3A_1043, %shift_left3A_1044 : i32
    %or3A_1046 = vector.broadcast %shift_left3A_1045 : i32 to vector<2x1xi32>
    %or3A_1047 = arith.ori %select_n3A_1042, %or3A_1046 : vector<2x1xi32>
    %xor3A_1048 = arith.constant -2147483648 : i32
    %xor3A_1049 = vector.broadcast %xor3A_1048 : i32 to vector<2x1xi32>
    %xor3A_1050 = arith.xori %or3A_1047, %xor3A_1049 : vector<2x1xi32>
    %ge3A_1051 = vector.broadcast %xor3A_1050 : vector<2x1xi32> to vector<2x2048xi32>
    %ge3A_1052 = arith.cmpi sge, %select_n3A_887, %ge3A_1051 : vector<2x2048xi32>
    %convert_element_type3A_1053 = arith.extui %ge3A_1052 : vector<2x2048xi1> to vector<2x2048xi32>
    %convert_element_type3A_1054 = arith.sitofp %convert_element_type3A_1053 : vector<2x2048xi32> to vector<2x2048xf32>
    %reduce_sum3A_1055 = arith.constant dense<0.000000e+00> : vector<2xf32>
    %reduce_sum3A_1056 = vector.multi_reduction <add>, %convert_element_type3A_1054, %reduce_sum3A_1055 [1] : vector<2x2048xf32> to vector<2xf32>
    %broadcast_in_dim3A_1057 = vector.shape_cast %reduce_sum3A_1056 : vector<2xf32> to vector<2x1xf32>
    %ge3A_1058 = arith.cmpf oge, %broadcast_in_dim3A_1057, %min3A_868 : vector<2x1xf32>
    %select_n3A_1059 = arith.select %ge3A_1058, %or3A_1047, %select_n3A_1042 : vector<2x1xi1>, vector<2x1xi32>
    %shift_left3A_1060 = arith.constant 1 : i32
    %shift_left3A_1061 = arith.constant 21 : i32
    %shift_left3A_1062 = arith.shli %shift_left3A_1060, %shift_left3A_1061 : i32
    %or3A_1063 = vector.broadcast %shift_left3A_1062 : i32 to vector<2x1xi32>
    %or3A_1064 = arith.ori %select_n3A_1059, %or3A_1063 : vector<2x1xi32>
    %xor3A_1065 = arith.constant -2147483648 : i32
    %xor3A_1066 = vector.broadcast %xor3A_1065 : i32 to vector<2x1xi32>
    %xor3A_1067 = arith.xori %or3A_1064, %xor3A_1066 : vector<2x1xi32>
    %ge3A_1068 = vector.broadcast %xor3A_1067 : vector<2x1xi32> to vector<2x2048xi32>
    %ge3A_1069 = arith.cmpi sge, %select_n3A_887, %ge3A_1068 : vector<2x2048xi32>
    %convert_element_type3A_1070 = arith.extui %ge3A_1069 : vector<2x2048xi1> to vector<2x2048xi32>
    %convert_element_type3A_1071 = arith.sitofp %convert_element_type3A_1070 : vector<2x2048xi32> to vector<2x2048xf32>
    %reduce_sum3A_1072 = arith.constant dense<0.000000e+00> : vector<2xf32>
    %reduce_sum3A_1073 = vector.multi_reduction <add>, %convert_element_type3A_1071, %reduce_sum3A_1072 [1] : vector<2x2048xf32> to vector<2xf32>
    %broadcast_in_dim3A_1074 = vector.shape_cast %reduce_sum3A_1073 : vector<2xf32> to vector<2x1xf32>
    %ge3A_1075 = arith.cmpf oge, %broadcast_in_dim3A_1074, %min3A_868 : vector<2x1xf32>
    %select_n3A_1076 = arith.select %ge3A_1075, %or3A_1064, %select_n3A_1059 : vector<2x1xi1>, vector<2x1xi32>
    %shift_left3A_1077 = arith.constant 1 : i32
    %shift_left3A_1078 = arith.constant 20 : i32
    %shift_left3A_1079 = arith.shli %shift_left3A_1077, %shift_left3A_1078 : i32
    %or3A_1080 = vector.broadcast %shift_left3A_1079 : i32 to vector<2x1xi32>
    %or3A_1081 = arith.ori %select_n3A_1076, %or3A_1080 : vector<2x1xi32>
    %xor3A_1082 = arith.constant -2147483648 : i32
    %xor3A_1083 = vector.broadcast %xor3A_1082 : i32 to vector<2x1xi32>
    %xor3A_1084 = arith.xori %or3A_1081, %xor3A_1083 : vector<2x1xi32>
    %ge3A_1085 = vector.broadcast %xor3A_1084 : vector<2x1xi32> to vector<2x2048xi32>
    %ge3A_1086 = arith.cmpi sge, %select_n3A_887, %ge3A_1085 : vector<2x2048xi32>
    %convert_element_type3A_1087 = arith.extui %ge3A_1086 : vector<2x2048xi1> to vector<2x2048xi32>
    %convert_element_type3A_1088 = arith.sitofp %convert_element_type3A_1087 : vector<2x2048xi32> to vector<2x2048xf32>
    %reduce_sum3A_1089 = arith.constant dense<0.000000e+00> : vector<2xf32>
    %reduce_sum3A_1090 = vector.multi_reduction <add>, %convert_element_type3A_1088, %reduce_sum3A_1089 [1] : vector<2x2048xf32> to vector<2xf32>
    %broadcast_in_dim3A_1091 = vector.shape_cast %reduce_sum3A_1090 : vector<2xf32> to vector<2x1xf32>
    %ge3A_1092 = arith.cmpf oge, %broadcast_in_dim3A_1091, %min3A_868 : vector<2x1xf32>
    %select_n3A_1093 = arith.select %ge3A_1092, %or3A_1081, %select_n3A_1076 : vector<2x1xi1>, vector<2x1xi32>
    %shift_left3A_1094 = arith.constant 1 : i32
    %shift_left3A_1095 = arith.constant 19 : i32
    %shift_left3A_1096 = arith.shli %shift_left3A_1094, %shift_left3A_1095 : i32
    %or3A_1097 = vector.broadcast %shift_left3A_1096 : i32 to vector<2x1xi32>
    %or3A_1098 = arith.ori %select_n3A_1093, %or3A_1097 : vector<2x1xi32>
    %xor3A_1099 = arith.constant -2147483648 : i32
    %xor3A_1100 = vector.broadcast %xor3A_1099 : i32 to vector<2x1xi32>
    %xor3A_1101 = arith.xori %or3A_1098, %xor3A_1100 : vector<2x1xi32>
    %ge3A_1102 = vector.broadcast %xor3A_1101 : vector<2x1xi32> to vector<2x2048xi32>
    %ge3A_1103 = arith.cmpi sge, %select_n3A_887, %ge3A_1102 : vector<2x2048xi32>
    %convert_element_type3A_1104 = arith.extui %ge3A_1103 : vector<2x2048xi1> to vector<2x2048xi32>
    %convert_element_type3A_1105 = arith.sitofp %convert_element_type3A_1104 : vector<2x2048xi32> to vector<2x2048xf32>
    %reduce_sum3A_1106 = arith.constant dense<0.000000e+00> : vector<2xf32>
    %reduce_sum3A_1107 = vector.multi_reduction <add>, %convert_element_type3A_1105, %reduce_sum3A_1106 [1] : vector<2x2048xf32> to vector<2xf32>
    %broadcast_in_dim3A_1108 = vector.shape_cast %reduce_sum3A_1107 : vector<2xf32> to vector<2x1xf32>
    %ge3A_1109 = arith.cmpf oge, %broadcast_in_dim3A_1108, %min3A_868 : vector<2x1xf32>
    %select_n3A_1110 = arith.select %ge3A_1109, %or3A_1098, %select_n3A_1093 : vector<2x1xi1>, vector<2x1xi32>
    %shift_left3A_1111 = arith.constant 1 : i32
    %shift_left3A_1112 = arith.constant 18 : i32
    %shift_left3A_1113 = arith.shli %shift_left3A_1111, %shift_left3A_1112 : i32
    %or3A_1114 = vector.broadcast %shift_left3A_1113 : i32 to vector<2x1xi32>
    %or3A_1115 = arith.ori %select_n3A_1110, %or3A_1114 : vector<2x1xi32>
    %xor3A_1116 = arith.constant -2147483648 : i32
    %xor3A_1117 = vector.broadcast %xor3A_1116 : i32 to vector<2x1xi32>
    %xor3A_1118 = arith.xori %or3A_1115, %xor3A_1117 : vector<2x1xi32>
    %ge3A_1119 = vector.broadcast %xor3A_1118 : vector<2x1xi32> to vector<2x2048xi32>
    %ge3A_1120 = arith.cmpi sge, %select_n3A_887, %ge3A_1119 : vector<2x2048xi32>
    %convert_element_type3A_1121 = arith.extui %ge3A_1120 : vector<2x2048xi1> to vector<2x2048xi32>
    %convert_element_type3A_1122 = arith.sitofp %convert_element_type3A_1121 : vector<2x2048xi32> to vector<2x2048xf32>
    %reduce_sum3A_1123 = arith.constant dense<0.000000e+00> : vector<2xf32>
    %reduce_sum3A_1124 = vector.multi_reduction <add>, %convert_element_type3A_1122, %reduce_sum3A_1123 [1] : vector<2x2048xf32> to vector<2xf32>
    %broadcast_in_dim3A_1125 = vector.shape_cast %reduce_sum3A_1124 : vector<2xf32> to vector<2x1xf32>
    %ge3A_1126 = arith.cmpf oge, %broadcast_in_dim3A_1125, %min3A_868 : vector<2x1xf32>
    %select_n3A_1127 = arith.select %ge3A_1126, %or3A_1115, %select_n3A_1110 : vector<2x1xi1>, vector<2x1xi32>
    %shift_left3A_1128 = arith.constant 1 : i32
    %shift_left3A_1129 = arith.constant 17 : i32
    %shift_left3A_1130 = arith.shli %shift_left3A_1128, %shift_left3A_1129 : i32
    %or3A_1131 = vector.broadcast %shift_left3A_1130 : i32 to vector<2x1xi32>
    %or3A_1132 = arith.ori %select_n3A_1127, %or3A_1131 : vector<2x1xi32>
    %xor3A_1133 = arith.constant -2147483648 : i32
    %xor3A_1134 = vector.broadcast %xor3A_1133 : i32 to vector<2x1xi32>
    %xor3A_1135 = arith.xori %or3A_1132, %xor3A_1134 : vector<2x1xi32>
    %ge3A_1136 = vector.broadcast %xor3A_1135 : vector<2x1xi32> to vector<2x2048xi32>
    %ge3A_1137 = arith.cmpi sge, %select_n3A_887, %ge3A_1136 : vector<2x2048xi32>
    %convert_element_type3A_1138 = arith.extui %ge3A_1137 : vector<2x2048xi1> to vector<2x2048xi32>
    %convert_element_type3A_1139 = arith.sitofp %convert_element_type3A_1138 : vector<2x2048xi32> to vector<2x2048xf32>
    %reduce_sum3A_1140 = arith.constant dense<0.000000e+00> : vector<2xf32>
    %reduce_sum3A_1141 = vector.multi_reduction <add>, %convert_element_type3A_1139, %reduce_sum3A_1140 [1] : vector<2x2048xf32> to vector<2xf32>
    %broadcast_in_dim3A_1142 = vector.shape_cast %reduce_sum3A_1141 : vector<2xf32> to vector<2x1xf32>
    %ge3A_1143 = arith.cmpf oge, %broadcast_in_dim3A_1142, %min3A_868 : vector<2x1xf32>
    %select_n3A_1144 = arith.select %ge3A_1143, %or3A_1132, %select_n3A_1127 : vector<2x1xi1>, vector<2x1xi32>
    %shift_left3A_1145 = arith.constant 1 : i32
    %shift_left3A_1146 = arith.constant 16 : i32
    %shift_left3A_1147 = arith.shli %shift_left3A_1145, %shift_left3A_1146 : i32
    %or3A_1148 = vector.broadcast %shift_left3A_1147 : i32 to vector<2x1xi32>
    %or3A_1149 = arith.ori %select_n3A_1144, %or3A_1148 : vector<2x1xi32>
    %xor3A_1150 = arith.constant -2147483648 : i32
    %xor3A_1151 = vector.broadcast %xor3A_1150 : i32 to vector<2x1xi32>
    %xor3A_1152 = arith.xori %or3A_1149, %xor3A_1151 : vector<2x1xi32>
    %ge3A_1153 = vector.broadcast %xor3A_1152 : vector<2x1xi32> to vector<2x2048xi32>
    %ge3A_1154 = arith.cmpi sge, %select_n3A_887, %ge3A_1153 : vector<2x2048xi32>
    %convert_element_type3A_1155 = arith.extui %ge3A_1154 : vector<2x2048xi1> to vector<2x2048xi32>
    %convert_element_type3A_1156 = arith.sitofp %convert_element_type3A_1155 : vector<2x2048xi32> to vector<2x2048xf32>
    %reduce_sum3A_1157 = arith.constant dense<0.000000e+00> : vector<2xf32>
    %reduce_sum3A_1158 = vector.multi_reduction <add>, %convert_element_type3A_1156, %reduce_sum3A_1157 [1] : vector<2x2048xf32> to vector<2xf32>
    %broadcast_in_dim3A_1159 = vector.shape_cast %reduce_sum3A_1158 : vector<2xf32> to vector<2x1xf32>
    %ge3A_1160 = arith.cmpf oge, %broadcast_in_dim3A_1159, %min3A_868 : vector<2x1xf32>
    %select_n3A_1161 = arith.select %ge3A_1160, %or3A_1149, %select_n3A_1144 : vector<2x1xi1>, vector<2x1xi32>
    %shift_left3A_1162 = arith.constant 1 : i32
    %shift_left3A_1163 = arith.constant 15 : i32
    %shift_left3A_1164 = arith.shli %shift_left3A_1162, %shift_left3A_1163 : i32
    %or3A_1165 = vector.broadcast %shift_left3A_1164 : i32 to vector<2x1xi32>
    %or3A_1166 = arith.ori %select_n3A_1161, %or3A_1165 : vector<2x1xi32>
    %xor3A_1167 = arith.constant -2147483648 : i32
    %xor3A_1168 = vector.broadcast %xor3A_1167 : i32 to vector<2x1xi32>
    %xor3A_1169 = arith.xori %or3A_1166, %xor3A_1168 : vector<2x1xi32>
    %ge3A_1170 = vector.broadcast %xor3A_1169 : vector<2x1xi32> to vector<2x2048xi32>
    %ge3A_1171 = arith.cmpi sge, %select_n3A_887, %ge3A_1170 : vector<2x2048xi32>
    %convert_element_type3A_1172 = arith.extui %ge3A_1171 : vector<2x2048xi1> to vector<2x2048xi32>
    %convert_element_type3A_1173 = arith.sitofp %convert_element_type3A_1172 : vector<2x2048xi32> to vector<2x2048xf32>
    %reduce_sum3A_1174 = arith.constant dense<0.000000e+00> : vector<2xf32>
    %reduce_sum3A_1175 = vector.multi_reduction <add>, %convert_element_type3A_1173, %reduce_sum3A_1174 [1] : vector<2x2048xf32> to vector<2xf32>
    %broadcast_in_dim3A_1176 = vector.shape_cast %reduce_sum3A_1175 : vector<2xf32> to vector<2x1xf32>
    %ge3A_1177 = arith.cmpf oge, %broadcast_in_dim3A_1176, %min3A_868 : vector<2x1xf32>
    %select_n3A_1178 = arith.select %ge3A_1177, %or3A_1166, %select_n3A_1161 : vector<2x1xi1>, vector<2x1xi32>
    %shift_left3A_1179 = arith.constant 1 : i32
    %shift_left3A_1180 = arith.constant 14 : i32
    %shift_left3A_1181 = arith.shli %shift_left3A_1179, %shift_left3A_1180 : i32
    %or3A_1182 = vector.broadcast %shift_left3A_1181 : i32 to vector<2x1xi32>
    %or3A_1183 = arith.ori %select_n3A_1178, %or3A_1182 : vector<2x1xi32>
    %xor3A_1184 = arith.constant -2147483648 : i32
    %xor3A_1185 = vector.broadcast %xor3A_1184 : i32 to vector<2x1xi32>
    %xor3A_1186 = arith.xori %or3A_1183, %xor3A_1185 : vector<2x1xi32>
    %ge3A_1187 = vector.broadcast %xor3A_1186 : vector<2x1xi32> to vector<2x2048xi32>
    %ge3A_1188 = arith.cmpi sge, %select_n3A_887, %ge3A_1187 : vector<2x2048xi32>
    %convert_element_type3A_1189 = arith.extui %ge3A_1188 : vector<2x2048xi1> to vector<2x2048xi32>
    %convert_element_type3A_1190 = arith.sitofp %convert_element_type3A_1189 : vector<2x2048xi32> to vector<2x2048xf32>
    %reduce_sum3A_1191 = arith.constant dense<0.000000e+00> : vector<2xf32>
    %reduce_sum3A_1192 = vector.multi_reduction <add>, %convert_element_type3A_1190, %reduce_sum3A_1191 [1] : vector<2x2048xf32> to vector<2xf32>
    %broadcast_in_dim3A_1193 = vector.shape_cast %reduce_sum3A_1192 : vector<2xf32> to vector<2x1xf32>
    %ge3A_1194 = arith.cmpf oge, %broadcast_in_dim3A_1193, %min3A_868 : vector<2x1xf32>
    %select_n3A_1195 = arith.select %ge3A_1194, %or3A_1183, %select_n3A_1178 : vector<2x1xi1>, vector<2x1xi32>
    %shift_left3A_1196 = arith.constant 1 : i32
    %shift_left3A_1197 = arith.constant 13 : i32
    %shift_left3A_1198 = arith.shli %shift_left3A_1196, %shift_left3A_1197 : i32
    %or3A_1199 = vector.broadcast %shift_left3A_1198 : i32 to vector<2x1xi32>
    %or3A_1200 = arith.ori %select_n3A_1195, %or3A_1199 : vector<2x1xi32>
    %xor3A_1201 = arith.constant -2147483648 : i32
    %xor3A_1202 = vector.broadcast %xor3A_1201 : i32 to vector<2x1xi32>
    %xor3A_1203 = arith.xori %or3A_1200, %xor3A_1202 : vector<2x1xi32>
    %ge3A_1204 = vector.broadcast %xor3A_1203 : vector<2x1xi32> to vector<2x2048xi32>
    %ge3A_1205 = arith.cmpi sge, %select_n3A_887, %ge3A_1204 : vector<2x2048xi32>
    %convert_element_type3A_1206 = arith.extui %ge3A_1205 : vector<2x2048xi1> to vector<2x2048xi32>
    %convert_element_type3A_1207 = arith.sitofp %convert_element_type3A_1206 : vector<2x2048xi32> to vector<2x2048xf32>
    %reduce_sum3A_1208 = arith.constant dense<0.000000e+00> : vector<2xf32>
    %reduce_sum3A_1209 = vector.multi_reduction <add>, %convert_element_type3A_1207, %reduce_sum3A_1208 [1] : vector<2x2048xf32> to vector<2xf32>
    %broadcast_in_dim3A_1210 = vector.shape_cast %reduce_sum3A_1209 : vector<2xf32> to vector<2x1xf32>
    %ge3A_1211 = arith.cmpf oge, %broadcast_in_dim3A_1210, %min3A_868 : vector<2x1xf32>
    %select_n3A_1212 = arith.select %ge3A_1211, %or3A_1200, %select_n3A_1195 : vector<2x1xi1>, vector<2x1xi32>
    %shift_left3A_1213 = arith.constant 1 : i32
    %shift_left3A_1214 = arith.constant 12 : i32
    %shift_left3A_1215 = arith.shli %shift_left3A_1213, %shift_left3A_1214 : i32
    %or3A_1216 = vector.broadcast %shift_left3A_1215 : i32 to vector<2x1xi32>
    %or3A_1217 = arith.ori %select_n3A_1212, %or3A_1216 : vector<2x1xi32>
    %xor3A_1218 = arith.constant -2147483648 : i32
    %xor3A_1219 = vector.broadcast %xor3A_1218 : i32 to vector<2x1xi32>
    %xor3A_1220 = arith.xori %or3A_1217, %xor3A_1219 : vector<2x1xi32>
    %ge3A_1221 = vector.broadcast %xor3A_1220 : vector<2x1xi32> to vector<2x2048xi32>
    %ge3A_1222 = arith.cmpi sge, %select_n3A_887, %ge3A_1221 : vector<2x2048xi32>
    %convert_element_type3A_1223 = arith.extui %ge3A_1222 : vector<2x2048xi1> to vector<2x2048xi32>
    %convert_element_type3A_1224 = arith.sitofp %convert_element_type3A_1223 : vector<2x2048xi32> to vector<2x2048xf32>
    %reduce_sum3A_1225 = arith.constant dense<0.000000e+00> : vector<2xf32>
    %reduce_sum3A_1226 = vector.multi_reduction <add>, %convert_element_type3A_1224, %reduce_sum3A_1225 [1] : vector<2x2048xf32> to vector<2xf32>
    %broadcast_in_dim3A_1227 = vector.shape_cast %reduce_sum3A_1226 : vector<2xf32> to vector<2x1xf32>
    %ge3A_1228 = arith.cmpf oge, %broadcast_in_dim3A_1227, %min3A_868 : vector<2x1xf32>
    %select_n3A_1229 = arith.select %ge3A_1228, %or3A_1217, %select_n3A_1212 : vector<2x1xi1>, vector<2x1xi32>
    %shift_left3A_1230 = arith.constant 1 : i32
    %shift_left3A_1231 = arith.constant 11 : i32
    %shift_left3A_1232 = arith.shli %shift_left3A_1230, %shift_left3A_1231 : i32
    %or3A_1233 = vector.broadcast %shift_left3A_1232 : i32 to vector<2x1xi32>
    %or3A_1234 = arith.ori %select_n3A_1229, %or3A_1233 : vector<2x1xi32>
    %xor3A_1235 = arith.constant -2147483648 : i32
    %xor3A_1236 = vector.broadcast %xor3A_1235 : i32 to vector<2x1xi32>
    %xor3A_1237 = arith.xori %or3A_1234, %xor3A_1236 : vector<2x1xi32>
    %ge3A_1238 = vector.broadcast %xor3A_1237 : vector<2x1xi32> to vector<2x2048xi32>
    %ge3A_1239 = arith.cmpi sge, %select_n3A_887, %ge3A_1238 : vector<2x2048xi32>
    %convert_element_type3A_1240 = arith.extui %ge3A_1239 : vector<2x2048xi1> to vector<2x2048xi32>
    %convert_element_type3A_1241 = arith.sitofp %convert_element_type3A_1240 : vector<2x2048xi32> to vector<2x2048xf32>
    %reduce_sum3A_1242 = arith.constant dense<0.000000e+00> : vector<2xf32>
    %reduce_sum3A_1243 = vector.multi_reduction <add>, %convert_element_type3A_1241, %reduce_sum3A_1242 [1] : vector<2x2048xf32> to vector<2xf32>
    %broadcast_in_dim3A_1244 = vector.shape_cast %reduce_sum3A_1243 : vector<2xf32> to vector<2x1xf32>
    %ge3A_1245 = arith.cmpf oge, %broadcast_in_dim3A_1244, %min3A_868 : vector<2x1xf32>
    %select_n3A_1246 = arith.select %ge3A_1245, %or3A_1234, %select_n3A_1229 : vector<2x1xi1>, vector<2x1xi32>
    %shift_left3A_1247 = arith.constant 1 : i32
    %shift_left3A_1248 = arith.constant 10 : i32
    %shift_left3A_1249 = arith.shli %shift_left3A_1247, %shift_left3A_1248 : i32
    %or3A_1250 = vector.broadcast %shift_left3A_1249 : i32 to vector<2x1xi32>
    %or3A_1251 = arith.ori %select_n3A_1246, %or3A_1250 : vector<2x1xi32>
    %xor3A_1252 = arith.constant -2147483648 : i32
    %xor3A_1253 = vector.broadcast %xor3A_1252 : i32 to vector<2x1xi32>
    %xor3A_1254 = arith.xori %or3A_1251, %xor3A_1253 : vector<2x1xi32>
    %ge3A_1255 = vector.broadcast %xor3A_1254 : vector<2x1xi32> to vector<2x2048xi32>
    %ge3A_1256 = arith.cmpi sge, %select_n3A_887, %ge3A_1255 : vector<2x2048xi32>
    %convert_element_type3A_1257 = arith.extui %ge3A_1256 : vector<2x2048xi1> to vector<2x2048xi32>
    %convert_element_type3A_1258 = arith.sitofp %convert_element_type3A_1257 : vector<2x2048xi32> to vector<2x2048xf32>
    %reduce_sum3A_1259 = arith.constant dense<0.000000e+00> : vector<2xf32>
    %reduce_sum3A_1260 = vector.multi_reduction <add>, %convert_element_type3A_1258, %reduce_sum3A_1259 [1] : vector<2x2048xf32> to vector<2xf32>
    %broadcast_in_dim3A_1261 = vector.shape_cast %reduce_sum3A_1260 : vector<2xf32> to vector<2x1xf32>
    %ge3A_1262 = arith.cmpf oge, %broadcast_in_dim3A_1261, %min3A_868 : vector<2x1xf32>
    %select_n3A_1263 = arith.select %ge3A_1262, %or3A_1251, %select_n3A_1246 : vector<2x1xi1>, vector<2x1xi32>
    %shift_left3A_1264 = arith.constant 1 : i32
    %shift_left3A_1265 = arith.constant 9 : i32
    %shift_left3A_1266 = arith.shli %shift_left3A_1264, %shift_left3A_1265 : i32
    %or3A_1267 = vector.broadcast %shift_left3A_1266 : i32 to vector<2x1xi32>
    %or3A_1268 = arith.ori %select_n3A_1263, %or3A_1267 : vector<2x1xi32>
    %xor3A_1269 = arith.constant -2147483648 : i32
    %xor3A_1270 = vector.broadcast %xor3A_1269 : i32 to vector<2x1xi32>
    %xor3A_1271 = arith.xori %or3A_1268, %xor3A_1270 : vector<2x1xi32>
    %ge3A_1272 = vector.broadcast %xor3A_1271 : vector<2x1xi32> to vector<2x2048xi32>
    %ge3A_1273 = arith.cmpi sge, %select_n3A_887, %ge3A_1272 : vector<2x2048xi32>
    %convert_element_type3A_1274 = arith.extui %ge3A_1273 : vector<2x2048xi1> to vector<2x2048xi32>
    %convert_element_type3A_1275 = arith.sitofp %convert_element_type3A_1274 : vector<2x2048xi32> to vector<2x2048xf32>
    %reduce_sum3A_1276 = arith.constant dense<0.000000e+00> : vector<2xf32>
    %reduce_sum3A_1277 = vector.multi_reduction <add>, %convert_element_type3A_1275, %reduce_sum3A_1276 [1] : vector<2x2048xf32> to vector<2xf32>
    %broadcast_in_dim3A_1278 = vector.shape_cast %reduce_sum3A_1277 : vector<2xf32> to vector<2x1xf32>
    %ge3A_1279 = arith.cmpf oge, %broadcast_in_dim3A_1278, %min3A_868 : vector<2x1xf32>
    %select_n3A_1280 = arith.select %ge3A_1279, %or3A_1268, %select_n3A_1263 : vector<2x1xi1>, vector<2x1xi32>
    %shift_left3A_1281 = arith.constant 1 : i32
    %shift_left3A_1282 = arith.constant 8 : i32
    %shift_left3A_1283 = arith.shli %shift_left3A_1281, %shift_left3A_1282 : i32
    %or3A_1284 = vector.broadcast %shift_left3A_1283 : i32 to vector<2x1xi32>
    %or3A_1285 = arith.ori %select_n3A_1280, %or3A_1284 : vector<2x1xi32>
    %xor3A_1286 = arith.constant -2147483648 : i32
    %xor3A_1287 = vector.broadcast %xor3A_1286 : i32 to vector<2x1xi32>
    %xor3A_1288 = arith.xori %or3A_1285, %xor3A_1287 : vector<2x1xi32>
    %ge3A_1289 = vector.broadcast %xor3A_1288 : vector<2x1xi32> to vector<2x2048xi32>
    %ge3A_1290 = arith.cmpi sge, %select_n3A_887, %ge3A_1289 : vector<2x2048xi32>
    %convert_element_type3A_1291 = arith.extui %ge3A_1290 : vector<2x2048xi1> to vector<2x2048xi32>
    %convert_element_type3A_1292 = arith.sitofp %convert_element_type3A_1291 : vector<2x2048xi32> to vector<2x2048xf32>
    %reduce_sum3A_1293 = arith.constant dense<0.000000e+00> : vector<2xf32>
    %reduce_sum3A_1294 = vector.multi_reduction <add>, %convert_element_type3A_1292, %reduce_sum3A_1293 [1] : vector<2x2048xf32> to vector<2xf32>
    %broadcast_in_dim3A_1295 = vector.shape_cast %reduce_sum3A_1294 : vector<2xf32> to vector<2x1xf32>
    %ge3A_1296 = arith.cmpf oge, %broadcast_in_dim3A_1295, %min3A_868 : vector<2x1xf32>
    %select_n3A_1297 = arith.select %ge3A_1296, %or3A_1285, %select_n3A_1280 : vector<2x1xi1>, vector<2x1xi32>
    %shift_left3A_1298 = arith.constant 1 : i32
    %shift_left3A_1299 = arith.constant 7 : i32
    %shift_left3A_1300 = arith.shli %shift_left3A_1298, %shift_left3A_1299 : i32
    %or3A_1301 = vector.broadcast %shift_left3A_1300 : i32 to vector<2x1xi32>
    %or3A_1302 = arith.ori %select_n3A_1297, %or3A_1301 : vector<2x1xi32>
    %xor3A_1303 = arith.constant -2147483648 : i32
    %xor3A_1304 = vector.broadcast %xor3A_1303 : i32 to vector<2x1xi32>
    %xor3A_1305 = arith.xori %or3A_1302, %xor3A_1304 : vector<2x1xi32>
    %ge3A_1306 = vector.broadcast %xor3A_1305 : vector<2x1xi32> to vector<2x2048xi32>
    %ge3A_1307 = arith.cmpi sge, %select_n3A_887, %ge3A_1306 : vector<2x2048xi32>
    %convert_element_type3A_1308 = arith.extui %ge3A_1307 : vector<2x2048xi1> to vector<2x2048xi32>
    %convert_element_type3A_1309 = arith.sitofp %convert_element_type3A_1308 : vector<2x2048xi32> to vector<2x2048xf32>
    %reduce_sum3A_1310 = arith.constant dense<0.000000e+00> : vector<2xf32>
    %reduce_sum3A_1311 = vector.multi_reduction <add>, %convert_element_type3A_1309, %reduce_sum3A_1310 [1] : vector<2x2048xf32> to vector<2xf32>
    %broadcast_in_dim3A_1312 = vector.shape_cast %reduce_sum3A_1311 : vector<2xf32> to vector<2x1xf32>
    %ge3A_1313 = arith.cmpf oge, %broadcast_in_dim3A_1312, %min3A_868 : vector<2x1xf32>
    %select_n3A_1314 = arith.select %ge3A_1313, %or3A_1302, %select_n3A_1297 : vector<2x1xi1>, vector<2x1xi32>
    %shift_left3A_1315 = arith.constant 1 : i32
    %shift_left3A_1316 = arith.constant 6 : i32
    %shift_left3A_1317 = arith.shli %shift_left3A_1315, %shift_left3A_1316 : i32
    %or3A_1318 = vector.broadcast %shift_left3A_1317 : i32 to vector<2x1xi32>
    %or3A_1319 = arith.ori %select_n3A_1314, %or3A_1318 : vector<2x1xi32>
    %xor3A_1320 = arith.constant -2147483648 : i32
    %xor3A_1321 = vector.broadcast %xor3A_1320 : i32 to vector<2x1xi32>
    %xor3A_1322 = arith.xori %or3A_1319, %xor3A_1321 : vector<2x1xi32>
    %ge3A_1323 = vector.broadcast %xor3A_1322 : vector<2x1xi32> to vector<2x2048xi32>
    %ge3A_1324 = arith.cmpi sge, %select_n3A_887, %ge3A_1323 : vector<2x2048xi32>
    %convert_element_type3A_1325 = arith.extui %ge3A_1324 : vector<2x2048xi1> to vector<2x2048xi32>
    %convert_element_type3A_1326 = arith.sitofp %convert_element_type3A_1325 : vector<2x2048xi32> to vector<2x2048xf32>
    %reduce_sum3A_1327 = arith.constant dense<0.000000e+00> : vector<2xf32>
    %reduce_sum3A_1328 = vector.multi_reduction <add>, %convert_element_type3A_1326, %reduce_sum3A_1327 [1] : vector<2x2048xf32> to vector<2xf32>
    %broadcast_in_dim3A_1329 = vector.shape_cast %reduce_sum3A_1328 : vector<2xf32> to vector<2x1xf32>
    %ge3A_1330 = arith.cmpf oge, %broadcast_in_dim3A_1329, %min3A_868 : vector<2x1xf32>
    %select_n3A_1331 = arith.select %ge3A_1330, %or3A_1319, %select_n3A_1314 : vector<2x1xi1>, vector<2x1xi32>
    %shift_left3A_1332 = arith.constant 1 : i32
    %shift_left3A_1333 = arith.constant 5 : i32
    %shift_left3A_1334 = arith.shli %shift_left3A_1332, %shift_left3A_1333 : i32
    %or3A_1335 = vector.broadcast %shift_left3A_1334 : i32 to vector<2x1xi32>
    %or3A_1336 = arith.ori %select_n3A_1331, %or3A_1335 : vector<2x1xi32>
    %xor3A_1337 = arith.constant -2147483648 : i32
    %xor3A_1338 = vector.broadcast %xor3A_1337 : i32 to vector<2x1xi32>
    %xor3A_1339 = arith.xori %or3A_1336, %xor3A_1338 : vector<2x1xi32>
    %ge3A_1340 = vector.broadcast %xor3A_1339 : vector<2x1xi32> to vector<2x2048xi32>
    %ge3A_1341 = arith.cmpi sge, %select_n3A_887, %ge3A_1340 : vector<2x2048xi32>
    %convert_element_type3A_1342 = arith.extui %ge3A_1341 : vector<2x2048xi1> to vector<2x2048xi32>
    %convert_element_type3A_1343 = arith.sitofp %convert_element_type3A_1342 : vector<2x2048xi32> to vector<2x2048xf32>
    %reduce_sum3A_1344 = arith.constant dense<0.000000e+00> : vector<2xf32>
    %reduce_sum3A_1345 = vector.multi_reduction <add>, %convert_element_type3A_1343, %reduce_sum3A_1344 [1] : vector<2x2048xf32> to vector<2xf32>
    %broadcast_in_dim3A_1346 = vector.shape_cast %reduce_sum3A_1345 : vector<2xf32> to vector<2x1xf32>
    %ge3A_1347 = arith.cmpf oge, %broadcast_in_dim3A_1346, %min3A_868 : vector<2x1xf32>
    %select_n3A_1348 = arith.select %ge3A_1347, %or3A_1336, %select_n3A_1331 : vector<2x1xi1>, vector<2x1xi32>
    %shift_left3A_1349 = arith.constant 1 : i32
    %shift_left3A_1350 = arith.constant 4 : i32
    %shift_left3A_1351 = arith.shli %shift_left3A_1349, %shift_left3A_1350 : i32
    %or3A_1352 = vector.broadcast %shift_left3A_1351 : i32 to vector<2x1xi32>
    %or3A_1353 = arith.ori %select_n3A_1348, %or3A_1352 : vector<2x1xi32>
    %xor3A_1354 = arith.constant -2147483648 : i32
    %xor3A_1355 = vector.broadcast %xor3A_1354 : i32 to vector<2x1xi32>
    %xor3A_1356 = arith.xori %or3A_1353, %xor3A_1355 : vector<2x1xi32>
    %ge3A_1357 = vector.broadcast %xor3A_1356 : vector<2x1xi32> to vector<2x2048xi32>
    %ge3A_1358 = arith.cmpi sge, %select_n3A_887, %ge3A_1357 : vector<2x2048xi32>
    %convert_element_type3A_1359 = arith.extui %ge3A_1358 : vector<2x2048xi1> to vector<2x2048xi32>
    %convert_element_type3A_1360 = arith.sitofp %convert_element_type3A_1359 : vector<2x2048xi32> to vector<2x2048xf32>
    %reduce_sum3A_1361 = arith.constant dense<0.000000e+00> : vector<2xf32>
    %reduce_sum3A_1362 = vector.multi_reduction <add>, %convert_element_type3A_1360, %reduce_sum3A_1361 [1] : vector<2x2048xf32> to vector<2xf32>
    %broadcast_in_dim3A_1363 = vector.shape_cast %reduce_sum3A_1362 : vector<2xf32> to vector<2x1xf32>
    %ge3A_1364 = arith.cmpf oge, %broadcast_in_dim3A_1363, %min3A_868 : vector<2x1xf32>
    %select_n3A_1365 = arith.select %ge3A_1364, %or3A_1353, %select_n3A_1348 : vector<2x1xi1>, vector<2x1xi32>
    %shift_left3A_1366 = arith.constant 1 : i32
    %shift_left3A_1367 = arith.constant 3 : i32
    %shift_left3A_1368 = arith.shli %shift_left3A_1366, %shift_left3A_1367 : i32
    %or3A_1369 = vector.broadcast %shift_left3A_1368 : i32 to vector<2x1xi32>
    %or3A_1370 = arith.ori %select_n3A_1365, %or3A_1369 : vector<2x1xi32>
    %xor3A_1371 = arith.constant -2147483648 : i32
    %xor3A_1372 = vector.broadcast %xor3A_1371 : i32 to vector<2x1xi32>
    %xor3A_1373 = arith.xori %or3A_1370, %xor3A_1372 : vector<2x1xi32>
    %ge3A_1374 = vector.broadcast %xor3A_1373 : vector<2x1xi32> to vector<2x2048xi32>
    %ge3A_1375 = arith.cmpi sge, %select_n3A_887, %ge3A_1374 : vector<2x2048xi32>
    %convert_element_type3A_1376 = arith.extui %ge3A_1375 : vector<2x2048xi1> to vector<2x2048xi32>
    %convert_element_type3A_1377 = arith.sitofp %convert_element_type3A_1376 : vector<2x2048xi32> to vector<2x2048xf32>
    %reduce_sum3A_1378 = arith.constant dense<0.000000e+00> : vector<2xf32>
    %reduce_sum3A_1379 = vector.multi_reduction <add>, %convert_element_type3A_1377, %reduce_sum3A_1378 [1] : vector<2x2048xf32> to vector<2xf32>
    %broadcast_in_dim3A_1380 = vector.shape_cast %reduce_sum3A_1379 : vector<2xf32> to vector<2x1xf32>
    %ge3A_1381 = arith.cmpf oge, %broadcast_in_dim3A_1380, %min3A_868 : vector<2x1xf32>
    %select_n3A_1382 = arith.select %ge3A_1381, %or3A_1370, %select_n3A_1365 : vector<2x1xi1>, vector<2x1xi32>
    %shift_left3A_1383 = arith.constant 1 : i32
    %shift_left3A_1384 = arith.constant 2 : i32
    %shift_left3A_1385 = arith.shli %shift_left3A_1383, %shift_left3A_1384 : i32
    %or3A_1386 = vector.broadcast %shift_left3A_1385 : i32 to vector<2x1xi32>
    %or3A_1387 = arith.ori %select_n3A_1382, %or3A_1386 : vector<2x1xi32>
    %xor3A_1388 = arith.constant -2147483648 : i32
    %xor3A_1389 = vector.broadcast %xor3A_1388 : i32 to vector<2x1xi32>
    %xor3A_1390 = arith.xori %or3A_1387, %xor3A_1389 : vector<2x1xi32>
    %ge3A_1391 = vector.broadcast %xor3A_1390 : vector<2x1xi32> to vector<2x2048xi32>
    %ge3A_1392 = arith.cmpi sge, %select_n3A_887, %ge3A_1391 : vector<2x2048xi32>
    %convert_element_type3A_1393 = arith.extui %ge3A_1392 : vector<2x2048xi1> to vector<2x2048xi32>
    %convert_element_type3A_1394 = arith.sitofp %convert_element_type3A_1393 : vector<2x2048xi32> to vector<2x2048xf32>
    %reduce_sum3A_1395 = arith.constant dense<0.000000e+00> : vector<2xf32>
    %reduce_sum3A_1396 = vector.multi_reduction <add>, %convert_element_type3A_1394, %reduce_sum3A_1395 [1] : vector<2x2048xf32> to vector<2xf32>
    %broadcast_in_dim3A_1397 = vector.shape_cast %reduce_sum3A_1396 : vector<2xf32> to vector<2x1xf32>
    %ge3A_1398 = arith.cmpf oge, %broadcast_in_dim3A_1397, %min3A_868 : vector<2x1xf32>
    %select_n3A_1399 = arith.select %ge3A_1398, %or3A_1387, %select_n3A_1382 : vector<2x1xi1>, vector<2x1xi32>
    %shift_left3A_1400 = arith.constant 1 : i32
    %shift_left3A_1401 = arith.constant 1 : i32
    %shift_left3A_1402 = arith.shli %shift_left3A_1400, %shift_left3A_1401 : i32
    %or3A_1403 = vector.broadcast %shift_left3A_1402 : i32 to vector<2x1xi32>
    %or3A_1404 = arith.ori %select_n3A_1399, %or3A_1403 : vector<2x1xi32>
    %xor3A_1405 = arith.constant -2147483648 : i32
    %xor3A_1406 = vector.broadcast %xor3A_1405 : i32 to vector<2x1xi32>
    %xor3A_1407 = arith.xori %or3A_1404, %xor3A_1406 : vector<2x1xi32>
    %ge3A_1408 = vector.broadcast %xor3A_1407 : vector<2x1xi32> to vector<2x2048xi32>
    %ge3A_1409 = arith.cmpi sge, %select_n3A_887, %ge3A_1408 : vector<2x2048xi32>
    %convert_element_type3A_1410 = arith.extui %ge3A_1409 : vector<2x2048xi1> to vector<2x2048xi32>
    %convert_element_type3A_1411 = arith.sitofp %convert_element_type3A_1410 : vector<2x2048xi32> to vector<2x2048xf32>
    %reduce_sum3A_1412 = arith.constant dense<0.000000e+00> : vector<2xf32>
    %reduce_sum3A_1413 = vector.multi_reduction <add>, %convert_element_type3A_1411, %reduce_sum3A_1412 [1] : vector<2x2048xf32> to vector<2xf32>
    %broadcast_in_dim3A_1414 = vector.shape_cast %reduce_sum3A_1413 : vector<2xf32> to vector<2x1xf32>
    %ge3A_1415 = arith.cmpf oge, %broadcast_in_dim3A_1414, %min3A_868 : vector<2x1xf32>
    %select_n3A_1416 = arith.select %ge3A_1415, %or3A_1404, %select_n3A_1399 : vector<2x1xi1>, vector<2x1xi32>
    %shift_left3A_1417 = arith.constant 1 : i32
    %shift_left3A_1418 = arith.constant 0 : i32
    %shift_left3A_1419 = arith.shli %shift_left3A_1417, %shift_left3A_1418 : i32
    %or3A_1420 = vector.broadcast %shift_left3A_1419 : i32 to vector<2x1xi32>
    %or3A_1421 = arith.ori %select_n3A_1416, %or3A_1420 : vector<2x1xi32>
    %xor3A_1422 = arith.constant -2147483648 : i32
    %xor3A_1423 = vector.broadcast %xor3A_1422 : i32 to vector<2x1xi32>
    %xor3A_1424 = arith.xori %or3A_1421, %xor3A_1423 : vector<2x1xi32>
    %ge3A_1425 = vector.broadcast %xor3A_1424 : vector<2x1xi32> to vector<2x2048xi32>
    %ge3A_1426 = arith.cmpi sge, %select_n3A_887, %ge3A_1425 : vector<2x2048xi32>
    %convert_element_type3A_1427 = arith.extui %ge3A_1426 : vector<2x2048xi1> to vector<2x2048xi32>
    %convert_element_type3A_1428 = arith.sitofp %convert_element_type3A_1427 : vector<2x2048xi32> to vector<2x2048xf32>
    %reduce_sum3A_1429 = arith.constant dense<0.000000e+00> : vector<2xf32>
    %reduce_sum3A_1430 = vector.multi_reduction <add>, %convert_element_type3A_1428, %reduce_sum3A_1429 [1] : vector<2x2048xf32> to vector<2xf32>
    %broadcast_in_dim3A_1431 = vector.shape_cast %reduce_sum3A_1430 : vector<2xf32> to vector<2x1xf32>
    %ge3A_1432 = arith.cmpf oge, %broadcast_in_dim3A_1431, %min3A_868 : vector<2x1xf32>
    %select_n3A_1433 = arith.select %ge3A_1432, %or3A_1421, %select_n3A_1416 : vector<2x1xi1>, vector<2x1xi32>
    %xor3A_1434 = arith.constant -2147483648 : i32
    %xor3A_1435 = vector.broadcast %xor3A_1434 : i32 to vector<2x1xi32>
    %xor3A_1436 = arith.xori %select_n3A_1433, %xor3A_1435 : vector<2x1xi32>
    %gt3A_1437 = vector.broadcast %xor3A_1436 : vector<2x1xi32> to vector<2x2048xi32>
    %gt3A_1438 = arith.cmpi sgt, %select_n3A_887, %gt3A_1437 : vector<2x2048xi32>
    %convert_element_type3A_1439 = arith.extui %gt3A_1438 : vector<2x2048xi1> to vector<2x2048xi32>
    %convert_element_type3A_1440 = arith.sitofp %convert_element_type3A_1439 : vector<2x2048xi32> to vector<2x2048xf32>
    %reduce_sum3A_1441 = arith.constant dense<0.000000e+00> : vector<2xf32>
    %reduce_sum3A_1442 = vector.multi_reduction <add>, %convert_element_type3A_1440, %reduce_sum3A_1441 [1] : vector<2x2048xf32> to vector<2xf32>
    %broadcast_in_dim3A_1443 = vector.shape_cast %reduce_sum3A_1442 : vector<2xf32> to vector<2x1xf32>
    %eq3A_1444 = vector.broadcast %xor3A_1436 : vector<2x1xi32> to vector<2x2048xi32>
    %eq3A_1445 = arith.cmpi eq, %select_n3A_887, %eq3A_1444 : vector<2x2048xi32>
    %sub3A_1446 = arith.subf %min3A_868, %broadcast_in_dim3A_1443 : vector<2x1xf32>
    %broadcast_in_dim3A_1447 = arith.constant 0 : i32
    %broadcast_in_dim3A_1448 = vector.broadcast %broadcast_in_dim3A_1447 : i32 to vector<2x1xi32>
    %shift_left3A_1449 = arith.constant 1 : i32
    %shift_left3A_1450 = arith.constant 10 : i32
    %shift_left3A_1451 = arith.shli %shift_left3A_1449, %shift_left3A_1450 : i32
    %or3A_1452 = vector.broadcast %shift_left3A_1451 : i32 to vector<2x1xi32>
    %or3A_1453 = arith.ori %broadcast_in_dim3A_1448, %or3A_1452 : vector<2x1xi32>
    %lt3A_1454 = vector.broadcast %or3A_1453 : vector<2x1xi32> to vector<2x2048xi32>
    %lt3A_1455 = arith.cmpi slt, %iota3A, %lt3A_1454 : vector<2x2048xi32>
    %and3A_1456 = arith.andi %eq3A_1445, %lt3A_1455 : vector<2x2048xi1>
    %convert_element_type3A_1457 = arith.extui %and3A_1456 : vector<2x2048xi1> to vector<2x2048xi32>
    %convert_element_type3A_1458 = arith.sitofp %convert_element_type3A_1457 : vector<2x2048xi32> to vector<2x2048xf32>
    %reduce_sum3A_1459 = arith.constant dense<0.000000e+00> : vector<2xf32>
    %reduce_sum3A_1460 = vector.multi_reduction <add>, %convert_element_type3A_1458, %reduce_sum3A_1459 [1] : vector<2x2048xf32> to vector<2xf32>
    %broadcast_in_dim3A_1461 = vector.shape_cast %reduce_sum3A_1460 : vector<2xf32> to vector<2x1xf32>
    %lt3A_1462 = arith.cmpf olt, %broadcast_in_dim3A_1461, %sub3A_1446 : vector<2x1xf32>
    %select_n3A_1463 = arith.select %lt3A_1462, %or3A_1453, %broadcast_in_dim3A_1448 : vector<2x1xi1>, vector<2x1xi32>
    %shift_left3A_1464 = arith.constant 1 : i32
    %shift_left3A_1465 = arith.constant 9 : i32
    %shift_left3A_1466 = arith.shli %shift_left3A_1464, %shift_left3A_1465 : i32
    %or3A_1467 = vector.broadcast %shift_left3A_1466 : i32 to vector<2x1xi32>
    %or3A_1468 = arith.ori %select_n3A_1463, %or3A_1467 : vector<2x1xi32>
    %lt3A_1469 = vector.broadcast %or3A_1468 : vector<2x1xi32> to vector<2x2048xi32>
    %lt3A_1470 = arith.cmpi slt, %iota3A, %lt3A_1469 : vector<2x2048xi32>
    %and3A_1471 = arith.andi %eq3A_1445, %lt3A_1470 : vector<2x2048xi1>
    %convert_element_type3A_1472 = arith.extui %and3A_1471 : vector<2x2048xi1> to vector<2x2048xi32>
    %convert_element_type3A_1473 = arith.sitofp %convert_element_type3A_1472 : vector<2x2048xi32> to vector<2x2048xf32>
    %reduce_sum3A_1474 = arith.constant dense<0.000000e+00> : vector<2xf32>
    %reduce_sum3A_1475 = vector.multi_reduction <add>, %convert_element_type3A_1473, %reduce_sum3A_1474 [1] : vector<2x2048xf32> to vector<2xf32>
    %broadcast_in_dim3A_1476 = vector.shape_cast %reduce_sum3A_1475 : vector<2xf32> to vector<2x1xf32>
    %lt3A_1477 = arith.cmpf olt, %broadcast_in_dim3A_1476, %sub3A_1446 : vector<2x1xf32>
    %select_n3A_1478 = arith.select %lt3A_1477, %or3A_1468, %select_n3A_1463 : vector<2x1xi1>, vector<2x1xi32>
    %shift_left3A_1479 = arith.constant 1 : i32
    %shift_left3A_1480 = arith.constant 8 : i32
    %shift_left3A_1481 = arith.shli %shift_left3A_1479, %shift_left3A_1480 : i32
    %or3A_1482 = vector.broadcast %shift_left3A_1481 : i32 to vector<2x1xi32>
    %or3A_1483 = arith.ori %select_n3A_1478, %or3A_1482 : vector<2x1xi32>
    %lt3A_1484 = vector.broadcast %or3A_1483 : vector<2x1xi32> to vector<2x2048xi32>
    %lt3A_1485 = arith.cmpi slt, %iota3A, %lt3A_1484 : vector<2x2048xi32>
    %and3A_1486 = arith.andi %eq3A_1445, %lt3A_1485 : vector<2x2048xi1>
    %convert_element_type3A_1487 = arith.extui %and3A_1486 : vector<2x2048xi1> to vector<2x2048xi32>
    %convert_element_type3A_1488 = arith.sitofp %convert_element_type3A_1487 : vector<2x2048xi32> to vector<2x2048xf32>
    %reduce_sum3A_1489 = arith.constant dense<0.000000e+00> : vector<2xf32>
    %reduce_sum3A_1490 = vector.multi_reduction <add>, %convert_element_type3A_1488, %reduce_sum3A_1489 [1] : vector<2x2048xf32> to vector<2xf32>
    %broadcast_in_dim3A_1491 = vector.shape_cast %reduce_sum3A_1490 : vector<2xf32> to vector<2x1xf32>
    %lt3A_1492 = arith.cmpf olt, %broadcast_in_dim3A_1491, %sub3A_1446 : vector<2x1xf32>
    %select_n3A_1493 = arith.select %lt3A_1492, %or3A_1483, %select_n3A_1478 : vector<2x1xi1>, vector<2x1xi32>
    %shift_left3A_1494 = arith.constant 1 : i32
    %shift_left3A_1495 = arith.constant 7 : i32
    %shift_left3A_1496 = arith.shli %shift_left3A_1494, %shift_left3A_1495 : i32
    %or3A_1497 = vector.broadcast %shift_left3A_1496 : i32 to vector<2x1xi32>
    %or3A_1498 = arith.ori %select_n3A_1493, %or3A_1497 : vector<2x1xi32>
    %lt3A_1499 = vector.broadcast %or3A_1498 : vector<2x1xi32> to vector<2x2048xi32>
    %lt3A_1500 = arith.cmpi slt, %iota3A, %lt3A_1499 : vector<2x2048xi32>
    %and3A_1501 = arith.andi %eq3A_1445, %lt3A_1500 : vector<2x2048xi1>
    %convert_element_type3A_1502 = arith.extui %and3A_1501 : vector<2x2048xi1> to vector<2x2048xi32>
    %convert_element_type3A_1503 = arith.sitofp %convert_element_type3A_1502 : vector<2x2048xi32> to vector<2x2048xf32>
    %reduce_sum3A_1504 = arith.constant dense<0.000000e+00> : vector<2xf32>
    %reduce_sum3A_1505 = vector.multi_reduction <add>, %convert_element_type3A_1503, %reduce_sum3A_1504 [1] : vector<2x2048xf32> to vector<2xf32>
    %broadcast_in_dim3A_1506 = vector.shape_cast %reduce_sum3A_1505 : vector<2xf32> to vector<2x1xf32>
    %lt3A_1507 = arith.cmpf olt, %broadcast_in_dim3A_1506, %sub3A_1446 : vector<2x1xf32>
    %select_n3A_1508 = arith.select %lt3A_1507, %or3A_1498, %select_n3A_1493 : vector<2x1xi1>, vector<2x1xi32>
    %shift_left3A_1509 = arith.constant 1 : i32
    %shift_left3A_1510 = arith.constant 6 : i32
    %shift_left3A_1511 = arith.shli %shift_left3A_1509, %shift_left3A_1510 : i32
    %or3A_1512 = vector.broadcast %shift_left3A_1511 : i32 to vector<2x1xi32>
    %or3A_1513 = arith.ori %select_n3A_1508, %or3A_1512 : vector<2x1xi32>
    %lt3A_1514 = vector.broadcast %or3A_1513 : vector<2x1xi32> to vector<2x2048xi32>
    %lt3A_1515 = arith.cmpi slt, %iota3A, %lt3A_1514 : vector<2x2048xi32>
    %and3A_1516 = arith.andi %eq3A_1445, %lt3A_1515 : vector<2x2048xi1>
    %convert_element_type3A_1517 = arith.extui %and3A_1516 : vector<2x2048xi1> to vector<2x2048xi32>
    %convert_element_type3A_1518 = arith.sitofp %convert_element_type3A_1517 : vector<2x2048xi32> to vector<2x2048xf32>
    %reduce_sum3A_1519 = arith.constant dense<0.000000e+00> : vector<2xf32>
    %reduce_sum3A_1520 = vector.multi_reduction <add>, %convert_element_type3A_1518, %reduce_sum3A_1519 [1] : vector<2x2048xf32> to vector<2xf32>
    %broadcast_in_dim3A_1521 = vector.shape_cast %reduce_sum3A_1520 : vector<2xf32> to vector<2x1xf32>
    %lt3A_1522 = arith.cmpf olt, %broadcast_in_dim3A_1521, %sub3A_1446 : vector<2x1xf32>
    %select_n3A_1523 = arith.select %lt3A_1522, %or3A_1513, %select_n3A_1508 : vector<2x1xi1>, vector<2x1xi32>
    %shift_left3A_1524 = arith.constant 1 : i32
    %shift_left3A_1525 = arith.constant 5 : i32
    %shift_left3A_1526 = arith.shli %shift_left3A_1524, %shift_left3A_1525 : i32
    %or3A_1527 = vector.broadcast %shift_left3A_1526 : i32 to vector<2x1xi32>
    %or3A_1528 = arith.ori %select_n3A_1523, %or3A_1527 : vector<2x1xi32>
    %lt3A_1529 = vector.broadcast %or3A_1528 : vector<2x1xi32> to vector<2x2048xi32>
    %lt3A_1530 = arith.cmpi slt, %iota3A, %lt3A_1529 : vector<2x2048xi32>
    %and3A_1531 = arith.andi %eq3A_1445, %lt3A_1530 : vector<2x2048xi1>
    %convert_element_type3A_1532 = arith.extui %and3A_1531 : vector<2x2048xi1> to vector<2x2048xi32>
    %convert_element_type3A_1533 = arith.sitofp %convert_element_type3A_1532 : vector<2x2048xi32> to vector<2x2048xf32>
    %reduce_sum3A_1534 = arith.constant dense<0.000000e+00> : vector<2xf32>
    %reduce_sum3A_1535 = vector.multi_reduction <add>, %convert_element_type3A_1533, %reduce_sum3A_1534 [1] : vector<2x2048xf32> to vector<2xf32>
    %broadcast_in_dim3A_1536 = vector.shape_cast %reduce_sum3A_1535 : vector<2xf32> to vector<2x1xf32>
    %lt3A_1537 = arith.cmpf olt, %broadcast_in_dim3A_1536, %sub3A_1446 : vector<2x1xf32>
    %select_n3A_1538 = arith.select %lt3A_1537, %or3A_1528, %select_n3A_1523 : vector<2x1xi1>, vector<2x1xi32>
    %shift_left3A_1539 = arith.constant 1 : i32
    %shift_left3A_1540 = arith.constant 4 : i32
    %shift_left3A_1541 = arith.shli %shift_left3A_1539, %shift_left3A_1540 : i32
    %or3A_1542 = vector.broadcast %shift_left3A_1541 : i32 to vector<2x1xi32>
    %or3A_1543 = arith.ori %select_n3A_1538, %or3A_1542 : vector<2x1xi32>
    %lt3A_1544 = vector.broadcast %or3A_1543 : vector<2x1xi32> to vector<2x2048xi32>
    %lt3A_1545 = arith.cmpi slt, %iota3A, %lt3A_1544 : vector<2x2048xi32>
    %and3A_1546 = arith.andi %eq3A_1445, %lt3A_1545 : vector<2x2048xi1>
    %convert_element_type3A_1547 = arith.extui %and3A_1546 : vector<2x2048xi1> to vector<2x2048xi32>
    %convert_element_type3A_1548 = arith.sitofp %convert_element_type3A_1547 : vector<2x2048xi32> to vector<2x2048xf32>
    %reduce_sum3A_1549 = arith.constant dense<0.000000e+00> : vector<2xf32>
    %reduce_sum3A_1550 = vector.multi_reduction <add>, %convert_element_type3A_1548, %reduce_sum3A_1549 [1] : vector<2x2048xf32> to vector<2xf32>
    %broadcast_in_dim3A_1551 = vector.shape_cast %reduce_sum3A_1550 : vector<2xf32> to vector<2x1xf32>
    %lt3A_1552 = arith.cmpf olt, %broadcast_in_dim3A_1551, %sub3A_1446 : vector<2x1xf32>
    %select_n3A_1553 = arith.select %lt3A_1552, %or3A_1543, %select_n3A_1538 : vector<2x1xi1>, vector<2x1xi32>
    %shift_left3A_1554 = arith.constant 1 : i32
    %shift_left3A_1555 = arith.constant 3 : i32
    %shift_left3A_1556 = arith.shli %shift_left3A_1554, %shift_left3A_1555 : i32
    %or3A_1557 = vector.broadcast %shift_left3A_1556 : i32 to vector<2x1xi32>
    %or3A_1558 = arith.ori %select_n3A_1553, %or3A_1557 : vector<2x1xi32>
    %lt3A_1559 = vector.broadcast %or3A_1558 : vector<2x1xi32> to vector<2x2048xi32>
    %lt3A_1560 = arith.cmpi slt, %iota3A, %lt3A_1559 : vector<2x2048xi32>
    %and3A_1561 = arith.andi %eq3A_1445, %lt3A_1560 : vector<2x2048xi1>
    %convert_element_type3A_1562 = arith.extui %and3A_1561 : vector<2x2048xi1> to vector<2x2048xi32>
    %convert_element_type3A_1563 = arith.sitofp %convert_element_type3A_1562 : vector<2x2048xi32> to vector<2x2048xf32>
    %reduce_sum3A_1564 = arith.constant dense<0.000000e+00> : vector<2xf32>
    %reduce_sum3A_1565 = vector.multi_reduction <add>, %convert_element_type3A_1563, %reduce_sum3A_1564 [1] : vector<2x2048xf32> to vector<2xf32>
    %broadcast_in_dim3A_1566 = vector.shape_cast %reduce_sum3A_1565 : vector<2xf32> to vector<2x1xf32>
    %lt3A_1567 = arith.cmpf olt, %broadcast_in_dim3A_1566, %sub3A_1446 : vector<2x1xf32>
    %select_n3A_1568 = arith.select %lt3A_1567, %or3A_1558, %select_n3A_1553 : vector<2x1xi1>, vector<2x1xi32>
    %shift_left3A_1569 = arith.constant 1 : i32
    %shift_left3A_1570 = arith.constant 2 : i32
    %shift_left3A_1571 = arith.shli %shift_left3A_1569, %shift_left3A_1570 : i32
    %or3A_1572 = vector.broadcast %shift_left3A_1571 : i32 to vector<2x1xi32>
    %or3A_1573 = arith.ori %select_n3A_1568, %or3A_1572 : vector<2x1xi32>
    %lt3A_1574 = vector.broadcast %or3A_1573 : vector<2x1xi32> to vector<2x2048xi32>
    %lt3A_1575 = arith.cmpi slt, %iota3A, %lt3A_1574 : vector<2x2048xi32>
    %and3A_1576 = arith.andi %eq3A_1445, %lt3A_1575 : vector<2x2048xi1>
    %convert_element_type3A_1577 = arith.extui %and3A_1576 : vector<2x2048xi1> to vector<2x2048xi32>
    %convert_element_type3A_1578 = arith.sitofp %convert_element_type3A_1577 : vector<2x2048xi32> to vector<2x2048xf32>
    %reduce_sum3A_1579 = arith.constant dense<0.000000e+00> : vector<2xf32>
    %reduce_sum3A_1580 = vector.multi_reduction <add>, %convert_element_type3A_1578, %reduce_sum3A_1579 [1] : vector<2x2048xf32> to vector<2xf32>
    %broadcast_in_dim3A_1581 = vector.shape_cast %reduce_sum3A_1580 : vector<2xf32> to vector<2x1xf32>
    %lt3A_1582 = arith.cmpf olt, %broadcast_in_dim3A_1581, %sub3A_1446 : vector<2x1xf32>
    %select_n3A_1583 = arith.select %lt3A_1582, %or3A_1573, %select_n3A_1568 : vector<2x1xi1>, vector<2x1xi32>
    %shift_left3A_1584 = arith.constant 1 : i32
    %shift_left3A_1585 = arith.constant 1 : i32
    %shift_left3A_1586 = arith.shli %shift_left3A_1584, %shift_left3A_1585 : i32
    %or3A_1587 = vector.broadcast %shift_left3A_1586 : i32 to vector<2x1xi32>
    %or3A_1588 = arith.ori %select_n3A_1583, %or3A_1587 : vector<2x1xi32>
    %lt3A_1589 = vector.broadcast %or3A_1588 : vector<2x1xi32> to vector<2x2048xi32>
    %lt3A_1590 = arith.cmpi slt, %iota3A, %lt3A_1589 : vector<2x2048xi32>
    %and3A_1591 = arith.andi %eq3A_1445, %lt3A_1590 : vector<2x2048xi1>
    %convert_element_type3A_1592 = arith.extui %and3A_1591 : vector<2x2048xi1> to vector<2x2048xi32>
    %convert_element_type3A_1593 = arith.sitofp %convert_element_type3A_1592 : vector<2x2048xi32> to vector<2x2048xf32>
    %reduce_sum3A_1594 = arith.constant dense<0.000000e+00> : vector<2xf32>
    %reduce_sum3A_1595 = vector.multi_reduction <add>, %convert_element_type3A_1593, %reduce_sum3A_1594 [1] : vector<2x2048xf32> to vector<2xf32>
    %broadcast_in_dim3A_1596 = vector.shape_cast %reduce_sum3A_1595 : vector<2xf32> to vector<2x1xf32>
    %lt3A_1597 = arith.cmpf olt, %broadcast_in_dim3A_1596, %sub3A_1446 : vector<2x1xf32>
    %select_n3A_1598 = arith.select %lt3A_1597, %or3A_1588, %select_n3A_1583 : vector<2x1xi1>, vector<2x1xi32>
    %shift_left3A_1599 = arith.constant 1 : i32
    %shift_left3A_1600 = arith.constant 0 : i32
    %shift_left3A_1601 = arith.shli %shift_left3A_1599, %shift_left3A_1600 : i32
    %or3A_1602 = vector.broadcast %shift_left3A_1601 : i32 to vector<2x1xi32>
    %or3A_1603 = arith.ori %select_n3A_1598, %or3A_1602 : vector<2x1xi32>
    %lt3A_1604 = vector.broadcast %or3A_1603 : vector<2x1xi32> to vector<2x2048xi32>
    %lt3A_1605 = arith.cmpi slt, %iota3A, %lt3A_1604 : vector<2x2048xi32>
    %and3A_1606 = arith.andi %eq3A_1445, %lt3A_1605 : vector<2x2048xi1>
    %convert_element_type3A_1607 = arith.extui %and3A_1606 : vector<2x2048xi1> to vector<2x2048xi32>
    %convert_element_type3A_1608 = arith.sitofp %convert_element_type3A_1607 : vector<2x2048xi32> to vector<2x2048xf32>
    %reduce_sum3A_1609 = arith.constant dense<0.000000e+00> : vector<2xf32>
    %reduce_sum3A_1610 = vector.multi_reduction <add>, %convert_element_type3A_1608, %reduce_sum3A_1609 [1] : vector<2x2048xf32> to vector<2xf32>
    %broadcast_in_dim3A_1611 = vector.shape_cast %reduce_sum3A_1610 : vector<2xf32> to vector<2x1xf32>
    %lt3A_1612 = arith.cmpf olt, %broadcast_in_dim3A_1611, %sub3A_1446 : vector<2x1xf32>
    %select_n3A_1613 = arith.select %lt3A_1612, %or3A_1603, %select_n3A_1598 : vector<2x1xi1>, vector<2x1xi32>
    %le3A_1614 = vector.broadcast %select_n3A_1613 : vector<2x1xi32> to vector<2x2048xi32>
    %le3A_1615 = arith.cmpi sle, %iota3A, %le3A_1614 : vector<2x2048xi32>
    %and3A_1616 = arith.andi %eq3A_1445, %le3A_1615 : vector<2x2048xi1>
    %or3A_1617 = arith.ori %gt3A_1438, %and3A_1616 : vector<2x2048xi1>
    %or3A_1618 = arith.ori %or3A_845, %or3A_1617 : vector<2x2048xi1>
    %or3A_1619 = arith.ori %and3A_844, %or3A_1617 : vector<2x2048xi1>
    %convert_element_type3A_1620 = arith.extui %or3A_1619 : vector<2x2048xi1> to vector<2x2048xi32>
    %convert_element_type3A_1621 = arith.sitofp %convert_element_type3A_1620 : vector<2x2048xi32> to vector<2x2048xf32>
    %mul3A_1622 = arith.mulf %convert_element_type3A_1621, %sub3A_832 : vector<2x2048xf32>
    %reduce_sum3A_1623 = vector.shape_cast %mul3A_1622 : vector<2x2048xf32> to vector<1x2x2048xf32>
    %reduce_sum3A_1624 = arith.constant dense<0.000000e+00> : vector<1xf32>
    %reduce_sum3A_1625 = vector.multi_reduction <add>, %reduce_sum3A_1623, %reduce_sum3A_1624 [1, 2] : vector<1x2x2048xf32> to vector<1xf32>
    %reduce_sum3A_1626 = vector.shape_cast %reduce_sum3A_1625 : vector<1xf32> to vector<1x1x1xf32>
    %reduce_sum3A_1627 = vector.extract %reduce_sum3A_1626[0, 0, 0] : f32 from vector<1x1x1xf32>
    %add3A_1628 = arith.addf %add3A_805, %reduce_sum3A_1627 : f32
    %reduce_sum3A_1629 = vector.shape_cast %convert_element_type3A_1621 : vector<2x2048xf32> to vector<1x2x2048xf32>
    %reduce_sum3A_1630 = arith.constant dense<0.000000e+00> : vector<1xf32>
    %reduce_sum3A_1631 = vector.multi_reduction <add>, %reduce_sum3A_1629, %reduce_sum3A_1630 [1, 2] : vector<1x2x2048xf32> to vector<1xf32>
    %reduce_sum3A_1632 = vector.shape_cast %reduce_sum3A_1631 : vector<1xf32> to vector<1x1x1xf32>
    %reduce_sum3A_1633 = vector.extract %reduce_sum3A_1632[0, 0, 0] : f32 from vector<1x1x1xf32>
    %add3A_1634 = arith.addf %add3A_812, %reduce_sum3A_1633 : f32
    %get3A_1635 = arith.constant 2 : index
    %get3A_1636 = arith.constant 0 : index
    %get3A_1637 = arith.constant 0 : index
    %get3A_1638 = vector.load %arg1[%get3A_1635, %get3A_1636, %get3A_1637] : memref<3x2x2048xf32, #tpu.memory_space<vmem>>, vector<1x2x2048xf32>
    %get3A_1639 = vector.shape_cast %get3A_1638 : vector<1x2x2048xf32> to vector<2x2048xf32>
    %sub3A_1640 = arith.constant 0.000000e+00 : f32
    %sub3A_1641 = vector.broadcast %sub3A_1640 : f32 to vector<2x2048xf32>
    %sub3A_1642 = arith.subf %sub3A_1641, %get3A_1639 : vector<2x2048xf32>
    %get3A_1643 = arith.constant 2 : index
    %get3A_1644 = arith.constant 0 : index
    %get3A_1645 = arith.constant 0 : index
    %get3A_1646 = vector.load %arg2[%get3A_1643, %get3A_1644, %get3A_1645] : memref<3x2x2048xf32, #tpu.memory_space<vmem>>, vector<1x2x2048xf32>
    %get3A_1647 = vector.shape_cast %get3A_1646 : vector<1x2x2048xf32> to vector<2x2048xf32>
    %add3A_1648 = arith.addf %sub3A_1642, %get3A_1647 : vector<2x2048xf32>
    %get3A_1649 = arith.constant 2 : index
    %get3A_1650 = arith.constant 0 : index
    %get3A_1651 = arith.constant 0 : index
    %get3A_1652 = vector.load %arg3[%get3A_1649, %get3A_1650, %get3A_1651] : memref<3x2x2048xf32, #tpu.memory_space<vmem>>, vector<1x2x2048xf32>
    %get3A_1653 = vector.shape_cast %get3A_1652 : vector<1x2x2048xf32> to vector<2x2048xf32>
    %sub3A_1654 = arith.subf %add3A_1648, %get3A_1653 : vector<2x2048xf32>
    %get3A_1655 = arith.constant 2 : index
    %get3A_1656 = arith.constant 0 : index
    %get3A_1657 = arith.constant 0 : index
    %get3A_1658 = vector.load %arg4[%get3A_1655, %get3A_1656, %get3A_1657] : memref<3x2x2048xi32, #tpu.memory_space<vmem>>, vector<1x2x2048xi32>
    %get3A_1659 = vector.shape_cast %get3A_1658 : vector<1x2x2048xi32> to vector<2x2048xi32>
    %ne3A_1660 = arith.constant 0 : i32
    %ne3A_1661 = vector.broadcast %ne3A_1660 : i32 to vector<2x2048xi32>
    %ne3A_1662 = arith.cmpi ne, %get3A_1659, %ne3A_1661 : vector<2x2048xi32>
    %and3A_1663 = arith.andi %ne3A_1662, %ne3A_3 : vector<2x2048xi1>
    %not3A_1664 = arith.constant dense<true> : vector<2x2048xi1>
    %not3A_1665 = arith.xori %or3A_1618, %not3A_1664 : vector<2x2048xi1>
    %and3A_1666 = arith.andi %and3A_1663, %not3A_1665 : vector<2x2048xi1>
    %or3A_1667 = arith.ori %or3A_1618, %and3A_1666 : vector<2x2048xi1>
    %mul3A_1668 = arith.constant 1.000000e+00 : f32
    %mul3A_1669 = vector.broadcast %mul3A_1668 : f32 to vector<2x1xf32>
    %mul3A_1670 = arith.mulf %broadcast_in_dim3A, %mul3A_1669 : vector<2x1xf32>
    %ceil3A_1671 = math.ceil %mul3A_1670 : vector<2x1xf32>
    %and3A_1672 = arith.andi %or3A_1667, %ne3A_3 : vector<2x2048xi1>
    %convert_element_type3A_1673 = arith.extui %and3A_1672 : vector<2x2048xi1> to vector<2x2048xi32>
    %convert_element_type3A_1674 = arith.sitofp %convert_element_type3A_1673 : vector<2x2048xi32> to vector<2x2048xf32>
    %reduce_sum3A_1675 = arith.constant dense<0.000000e+00> : vector<2xf32>
    %reduce_sum3A_1676 = vector.multi_reduction <add>, %convert_element_type3A_1674, %reduce_sum3A_1675 [1] : vector<2x2048xf32> to vector<2xf32>
    %broadcast_in_dim3A_1677 = vector.shape_cast %reduce_sum3A_1676 : vector<2xf32> to vector<2x1xf32>
    %sub3A_1678 = arith.subf %ceil3A_1671, %broadcast_in_dim3A_1677 : vector<2x1xf32>
    %max3A_1679 = arith.constant 0.000000e+00 : f32
    %max3A_1680 = vector.broadcast %max3A_1679 : f32 to vector<2x1xf32>
    %max3A_1681 = arith.maximumf %sub3A_1678, %max3A_1680 : vector<2x1xf32>
    %not3A_1682 = arith.constant dense<true> : vector<2x2048xi1>
    %not3A_1683 = arith.xori %or3A_1667, %not3A_1682 : vector<2x2048xi1>
    %and3A_1684 = arith.andi %ne3A_3, %not3A_1683 : vector<2x2048xi1>
    %convert_element_type3A_1685 = arith.extui %and3A_1684 : vector<2x2048xi1> to vector<2x2048xi32>
    %convert_element_type3A_1686 = arith.sitofp %convert_element_type3A_1685 : vector<2x2048xi32> to vector<2x2048xf32>
    %reduce_sum3A_1687 = arith.constant dense<0.000000e+00> : vector<2xf32>
    %reduce_sum3A_1688 = vector.multi_reduction <add>, %convert_element_type3A_1686, %reduce_sum3A_1687 [1] : vector<2x2048xf32> to vector<2xf32>
    %broadcast_in_dim3A_1689 = vector.shape_cast %reduce_sum3A_1688 : vector<2xf32> to vector<2x1xf32>
    %min3A_1690 = arith.minimumf %max3A_1681, %broadcast_in_dim3A_1689 : vector<2x1xf32>
    %eq3A_1691 = arith.constant 0.000000e+00 : f32
    %eq3A_1692 = vector.broadcast %eq3A_1691 : f32 to vector<2x2048xf32>
    %eq3A_1693 = arith.cmpf oeq, %get3A_1639, %eq3A_1692 : vector<2x2048xf32>
    %jit3A_1694 = arith.constant 0.000000e+00 : f32
    %broadcast_in_dim3A_1695 = vector.broadcast %jit3A_1694 : f32 to vector<2x2048xf32>
    %select_n3A_1696 = arith.select %eq3A_1693, %broadcast_in_dim3A_1695, %get3A_1639 : vector<2x2048xi1>, vector<2x2048xf32>
    %jit3A_1697 = arith.constant 0xFF800000 : f32
    %broadcast_in_dim3A_1698 = vector.broadcast %jit3A_1697 : f32 to vector<2x2048xf32>
    %select_n3A_1699 = arith.select %and3A_1684, %select_n3A_1696, %broadcast_in_dim3A_1698 : vector<2x2048xi1>, vector<2x2048xf32>
    %bitcast_convert_type3A_1700 = tpu.bitcast %select_n3A_1699 : vector<2x2048xf32> -> vector<2x2048xi32>
    %ge3A_1701 = arith.constant 0 : i32
    %ge3A_1702 = vector.broadcast %ge3A_1701 : i32 to vector<2x2048xi32>
    %ge3A_1703 = arith.cmpi sge, %bitcast_convert_type3A_1700, %ge3A_1702 : vector<2x2048xi32>
    %xor3A_1704 = arith.constant -2147483648 : i32
    %xor3A_1705 = vector.broadcast %xor3A_1704 : i32 to vector<2x2048xi32>
    %xor3A_1706 = arith.xori %bitcast_convert_type3A_1700, %xor3A_1705 : vector<2x2048xi32>
    %not3A_1707 = arith.constant dense<-1> : vector<2x2048xi32>
    %not3A_1708 = arith.xori %xor3A_1706, %not3A_1707 : vector<2x2048xi32>
    %select_n3A_1709 = arith.select %ge3A_1703, %bitcast_convert_type3A_1700, %not3A_1708 : vector<2x2048xi1>, vector<2x2048xi32>
    %broadcast_in_dim3A_1710 = arith.constant 0 : i32
    %broadcast_in_dim3A_1711 = vector.broadcast %broadcast_in_dim3A_1710 : i32 to vector<2x1xi32>
    %shift_left3A_1712 = arith.constant 1 : i32
    %shift_left3A_1713 = arith.constant 31 : i32
    %shift_left3A_1714 = arith.shli %shift_left3A_1712, %shift_left3A_1713 : i32
    %or3A_1715 = vector.broadcast %shift_left3A_1714 : i32 to vector<2x1xi32>
    %or3A_1716 = arith.ori %broadcast_in_dim3A_1711, %or3A_1715 : vector<2x1xi32>
    %xor3A_1717 = arith.constant -2147483648 : i32
    %xor3A_1718 = vector.broadcast %xor3A_1717 : i32 to vector<2x1xi32>
    %xor3A_1719 = arith.xori %or3A_1716, %xor3A_1718 : vector<2x1xi32>
    %ge3A_1720 = vector.broadcast %xor3A_1719 : vector<2x1xi32> to vector<2x2048xi32>
    %ge3A_1721 = arith.cmpi sge, %select_n3A_1709, %ge3A_1720 : vector<2x2048xi32>
    %convert_element_type3A_1722 = arith.extui %ge3A_1721 : vector<2x2048xi1> to vector<2x2048xi32>
    %convert_element_type3A_1723 = arith.sitofp %convert_element_type3A_1722 : vector<2x2048xi32> to vector<2x2048xf32>
    %reduce_sum3A_1724 = arith.constant dense<0.000000e+00> : vector<2xf32>
    %reduce_sum3A_1725 = vector.multi_reduction <add>, %convert_element_type3A_1723, %reduce_sum3A_1724 [1] : vector<2x2048xf32> to vector<2xf32>
    %broadcast_in_dim3A_1726 = vector.shape_cast %reduce_sum3A_1725 : vector<2xf32> to vector<2x1xf32>
    %ge3A_1727 = arith.cmpf oge, %broadcast_in_dim3A_1726, %min3A_1690 : vector<2x1xf32>
    %select_n3A_1728 = arith.select %ge3A_1727, %or3A_1716, %broadcast_in_dim3A_1711 : vector<2x1xi1>, vector<2x1xi32>
    %shift_left3A_1729 = arith.constant 1 : i32
    %shift_left3A_1730 = arith.constant 30 : i32
    %shift_left3A_1731 = arith.shli %shift_left3A_1729, %shift_left3A_1730 : i32
    %or3A_1732 = vector.broadcast %shift_left3A_1731 : i32 to vector<2x1xi32>
    %or3A_1733 = arith.ori %select_n3A_1728, %or3A_1732 : vector<2x1xi32>
    %xor3A_1734 = arith.constant -2147483648 : i32
    %xor3A_1735 = vector.broadcast %xor3A_1734 : i32 to vector<2x1xi32>
    %xor3A_1736 = arith.xori %or3A_1733, %xor3A_1735 : vector<2x1xi32>
    %ge3A_1737 = vector.broadcast %xor3A_1736 : vector<2x1xi32> to vector<2x2048xi32>
    %ge3A_1738 = arith.cmpi sge, %select_n3A_1709, %ge3A_1737 : vector<2x2048xi32>
    %convert_element_type3A_1739 = arith.extui %ge3A_1738 : vector<2x2048xi1> to vector<2x2048xi32>
    %convert_element_type3A_1740 = arith.sitofp %convert_element_type3A_1739 : vector<2x2048xi32> to vector<2x2048xf32>
    %reduce_sum3A_1741 = arith.constant dense<0.000000e+00> : vector<2xf32>
    %reduce_sum3A_1742 = vector.multi_reduction <add>, %convert_element_type3A_1740, %reduce_sum3A_1741 [1] : vector<2x2048xf32> to vector<2xf32>
    %broadcast_in_dim3A_1743 = vector.shape_cast %reduce_sum3A_1742 : vector<2xf32> to vector<2x1xf32>
    %ge3A_1744 = arith.cmpf oge, %broadcast_in_dim3A_1743, %min3A_1690 : vector<2x1xf32>
    %select_n3A_1745 = arith.select %ge3A_1744, %or3A_1733, %select_n3A_1728 : vector<2x1xi1>, vector<2x1xi32>
    %shift_left3A_1746 = arith.constant 1 : i32
    %shift_left3A_1747 = arith.constant 29 : i32
    %shift_left3A_1748 = arith.shli %shift_left3A_1746, %shift_left3A_1747 : i32
    %or3A_1749 = vector.broadcast %shift_left3A_1748 : i32 to vector<2x1xi32>
    %or3A_1750 = arith.ori %select_n3A_1745, %or3A_1749 : vector<2x1xi32>
    %xor3A_1751 = arith.constant -2147483648 : i32
    %xor3A_1752 = vector.broadcast %xor3A_1751 : i32 to vector<2x1xi32>
    %xor3A_1753 = arith.xori %or3A_1750, %xor3A_1752 : vector<2x1xi32>
    %ge3A_1754 = vector.broadcast %xor3A_1753 : vector<2x1xi32> to vector<2x2048xi32>
    %ge3A_1755 = arith.cmpi sge, %select_n3A_1709, %ge3A_1754 : vector<2x2048xi32>
    %convert_element_type3A_1756 = arith.extui %ge3A_1755 : vector<2x2048xi1> to vector<2x2048xi32>
    %convert_element_type3A_1757 = arith.sitofp %convert_element_type3A_1756 : vector<2x2048xi32> to vector<2x2048xf32>
    %reduce_sum3A_1758 = arith.constant dense<0.000000e+00> : vector<2xf32>
    %reduce_sum3A_1759 = vector.multi_reduction <add>, %convert_element_type3A_1757, %reduce_sum3A_1758 [1] : vector<2x2048xf32> to vector<2xf32>
    %broadcast_in_dim3A_1760 = vector.shape_cast %reduce_sum3A_1759 : vector<2xf32> to vector<2x1xf32>
    %ge3A_1761 = arith.cmpf oge, %broadcast_in_dim3A_1760, %min3A_1690 : vector<2x1xf32>
    %select_n3A_1762 = arith.select %ge3A_1761, %or3A_1750, %select_n3A_1745 : vector<2x1xi1>, vector<2x1xi32>
    %shift_left3A_1763 = arith.constant 1 : i32
    %shift_left3A_1764 = arith.constant 28 : i32
    %shift_left3A_1765 = arith.shli %shift_left3A_1763, %shift_left3A_1764 : i32
    %or3A_1766 = vector.broadcast %shift_left3A_1765 : i32 to vector<2x1xi32>
    %or3A_1767 = arith.ori %select_n3A_1762, %or3A_1766 : vector<2x1xi32>
    %xor3A_1768 = arith.constant -2147483648 : i32
    %xor3A_1769 = vector.broadcast %xor3A_1768 : i32 to vector<2x1xi32>
    %xor3A_1770 = arith.xori %or3A_1767, %xor3A_1769 : vector<2x1xi32>
    %ge3A_1771 = vector.broadcast %xor3A_1770 : vector<2x1xi32> to vector<2x2048xi32>
    %ge3A_1772 = arith.cmpi sge, %select_n3A_1709, %ge3A_1771 : vector<2x2048xi32>
    %convert_element_type3A_1773 = arith.extui %ge3A_1772 : vector<2x2048xi1> to vector<2x2048xi32>
    %convert_element_type3A_1774 = arith.sitofp %convert_element_type3A_1773 : vector<2x2048xi32> to vector<2x2048xf32>
    %reduce_sum3A_1775 = arith.constant dense<0.000000e+00> : vector<2xf32>
    %reduce_sum3A_1776 = vector.multi_reduction <add>, %convert_element_type3A_1774, %reduce_sum3A_1775 [1] : vector<2x2048xf32> to vector<2xf32>
    %broadcast_in_dim3A_1777 = vector.shape_cast %reduce_sum3A_1776 : vector<2xf32> to vector<2x1xf32>
    %ge3A_1778 = arith.cmpf oge, %broadcast_in_dim3A_1777, %min3A_1690 : vector<2x1xf32>
    %select_n3A_1779 = arith.select %ge3A_1778, %or3A_1767, %select_n3A_1762 : vector<2x1xi1>, vector<2x1xi32>
    %shift_left3A_1780 = arith.constant 1 : i32
    %shift_left3A_1781 = arith.constant 27 : i32
    %shift_left3A_1782 = arith.shli %shift_left3A_1780, %shift_left3A_1781 : i32
    %or3A_1783 = vector.broadcast %shift_left3A_1782 : i32 to vector<2x1xi32>
    %or3A_1784 = arith.ori %select_n3A_1779, %or3A_1783 : vector<2x1xi32>
    %xor3A_1785 = arith.constant -2147483648 : i32
    %xor3A_1786 = vector.broadcast %xor3A_1785 : i32 to vector<2x1xi32>
    %xor3A_1787 = arith.xori %or3A_1784, %xor3A_1786 : vector<2x1xi32>
    %ge3A_1788 = vector.broadcast %xor3A_1787 : vector<2x1xi32> to vector<2x2048xi32>
    %ge3A_1789 = arith.cmpi sge, %select_n3A_1709, %ge3A_1788 : vector<2x2048xi32>
    %convert_element_type3A_1790 = arith.extui %ge3A_1789 : vector<2x2048xi1> to vector<2x2048xi32>
    %convert_element_type3A_1791 = arith.sitofp %convert_element_type3A_1790 : vector<2x2048xi32> to vector<2x2048xf32>
    %reduce_sum3A_1792 = arith.constant dense<0.000000e+00> : vector<2xf32>
    %reduce_sum3A_1793 = vector.multi_reduction <add>, %convert_element_type3A_1791, %reduce_sum3A_1792 [1] : vector<2x2048xf32> to vector<2xf32>
    %broadcast_in_dim3A_1794 = vector.shape_cast %reduce_sum3A_1793 : vector<2xf32> to vector<2x1xf32>
    %ge3A_1795 = arith.cmpf oge, %broadcast_in_dim3A_1794, %min3A_1690 : vector<2x1xf32>
    %select_n3A_1796 = arith.select %ge3A_1795, %or3A_1784, %select_n3A_1779 : vector<2x1xi1>, vector<2x1xi32>
    %shift_left3A_1797 = arith.constant 1 : i32
    %shift_left3A_1798 = arith.constant 26 : i32
    %shift_left3A_1799 = arith.shli %shift_left3A_1797, %shift_left3A_1798 : i32
    %or3A_1800 = vector.broadcast %shift_left3A_1799 : i32 to vector<2x1xi32>
    %or3A_1801 = arith.ori %select_n3A_1796, %or3A_1800 : vector<2x1xi32>
    %xor3A_1802 = arith.constant -2147483648 : i32
    %xor3A_1803 = vector.broadcast %xor3A_1802 : i32 to vector<2x1xi32>
    %xor3A_1804 = arith.xori %or3A_1801, %xor3A_1803 : vector<2x1xi32>
    %ge3A_1805 = vector.broadcast %xor3A_1804 : vector<2x1xi32> to vector<2x2048xi32>
    %ge3A_1806 = arith.cmpi sge, %select_n3A_1709, %ge3A_1805 : vector<2x2048xi32>
    %convert_element_type3A_1807 = arith.extui %ge3A_1806 : vector<2x2048xi1> to vector<2x2048xi32>
    %convert_element_type3A_1808 = arith.sitofp %convert_element_type3A_1807 : vector<2x2048xi32> to vector<2x2048xf32>
    %reduce_sum3A_1809 = arith.constant dense<0.000000e+00> : vector<2xf32>
    %reduce_sum3A_1810 = vector.multi_reduction <add>, %convert_element_type3A_1808, %reduce_sum3A_1809 [1] : vector<2x2048xf32> to vector<2xf32>
    %broadcast_in_dim3A_1811 = vector.shape_cast %reduce_sum3A_1810 : vector<2xf32> to vector<2x1xf32>
    %ge3A_1812 = arith.cmpf oge, %broadcast_in_dim3A_1811, %min3A_1690 : vector<2x1xf32>
    %select_n3A_1813 = arith.select %ge3A_1812, %or3A_1801, %select_n3A_1796 : vector<2x1xi1>, vector<2x1xi32>
    %shift_left3A_1814 = arith.constant 1 : i32
    %shift_left3A_1815 = arith.constant 25 : i32
    %shift_left3A_1816 = arith.shli %shift_left3A_1814, %shift_left3A_1815 : i32
    %or3A_1817 = vector.broadcast %shift_left3A_1816 : i32 to vector<2x1xi32>
    %or3A_1818 = arith.ori %select_n3A_1813, %or3A_1817 : vector<2x1xi32>
    %xor3A_1819 = arith.constant -2147483648 : i32
    %xor3A_1820 = vector.broadcast %xor3A_1819 : i32 to vector<2x1xi32>
    %xor3A_1821 = arith.xori %or3A_1818, %xor3A_1820 : vector<2x1xi32>
    %ge3A_1822 = vector.broadcast %xor3A_1821 : vector<2x1xi32> to vector<2x2048xi32>
    %ge3A_1823 = arith.cmpi sge, %select_n3A_1709, %ge3A_1822 : vector<2x2048xi32>
    %convert_element_type3A_1824 = arith.extui %ge3A_1823 : vector<2x2048xi1> to vector<2x2048xi32>
    %convert_element_type3A_1825 = arith.sitofp %convert_element_type3A_1824 : vector<2x2048xi32> to vector<2x2048xf32>
    %reduce_sum3A_1826 = arith.constant dense<0.000000e+00> : vector<2xf32>
    %reduce_sum3A_1827 = vector.multi_reduction <add>, %convert_element_type3A_1825, %reduce_sum3A_1826 [1] : vector<2x2048xf32> to vector<2xf32>
    %broadcast_in_dim3A_1828 = vector.shape_cast %reduce_sum3A_1827 : vector<2xf32> to vector<2x1xf32>
    %ge3A_1829 = arith.cmpf oge, %broadcast_in_dim3A_1828, %min3A_1690 : vector<2x1xf32>
    %select_n3A_1830 = arith.select %ge3A_1829, %or3A_1818, %select_n3A_1813 : vector<2x1xi1>, vector<2x1xi32>
    %shift_left3A_1831 = arith.constant 1 : i32
    %shift_left3A_1832 = arith.constant 24 : i32
    %shift_left3A_1833 = arith.shli %shift_left3A_1831, %shift_left3A_1832 : i32
    %or3A_1834 = vector.broadcast %shift_left3A_1833 : i32 to vector<2x1xi32>
    %or3A_1835 = arith.ori %select_n3A_1830, %or3A_1834 : vector<2x1xi32>
    %xor3A_1836 = arith.constant -2147483648 : i32
    %xor3A_1837 = vector.broadcast %xor3A_1836 : i32 to vector<2x1xi32>
    %xor3A_1838 = arith.xori %or3A_1835, %xor3A_1837 : vector<2x1xi32>
    %ge3A_1839 = vector.broadcast %xor3A_1838 : vector<2x1xi32> to vector<2x2048xi32>
    %ge3A_1840 = arith.cmpi sge, %select_n3A_1709, %ge3A_1839 : vector<2x2048xi32>
    %convert_element_type3A_1841 = arith.extui %ge3A_1840 : vector<2x2048xi1> to vector<2x2048xi32>
    %convert_element_type3A_1842 = arith.sitofp %convert_element_type3A_1841 : vector<2x2048xi32> to vector<2x2048xf32>
    %reduce_sum3A_1843 = arith.constant dense<0.000000e+00> : vector<2xf32>
    %reduce_sum3A_1844 = vector.multi_reduction <add>, %convert_element_type3A_1842, %reduce_sum3A_1843 [1] : vector<2x2048xf32> to vector<2xf32>
    %broadcast_in_dim3A_1845 = vector.shape_cast %reduce_sum3A_1844 : vector<2xf32> to vector<2x1xf32>
    %ge3A_1846 = arith.cmpf oge, %broadcast_in_dim3A_1845, %min3A_1690 : vector<2x1xf32>
    %select_n3A_1847 = arith.select %ge3A_1846, %or3A_1835, %select_n3A_1830 : vector<2x1xi1>, vector<2x1xi32>
    %shift_left3A_1848 = arith.constant 1 : i32
    %shift_left3A_1849 = arith.constant 23 : i32
    %shift_left3A_1850 = arith.shli %shift_left3A_1848, %shift_left3A_1849 : i32
    %or3A_1851 = vector.broadcast %shift_left3A_1850 : i32 to vector<2x1xi32>
    %or3A_1852 = arith.ori %select_n3A_1847, %or3A_1851 : vector<2x1xi32>
    %xor3A_1853 = arith.constant -2147483648 : i32
    %xor3A_1854 = vector.broadcast %xor3A_1853 : i32 to vector<2x1xi32>
    %xor3A_1855 = arith.xori %or3A_1852, %xor3A_1854 : vector<2x1xi32>
    %ge3A_1856 = vector.broadcast %xor3A_1855 : vector<2x1xi32> to vector<2x2048xi32>
    %ge3A_1857 = arith.cmpi sge, %select_n3A_1709, %ge3A_1856 : vector<2x2048xi32>
    %convert_element_type3A_1858 = arith.extui %ge3A_1857 : vector<2x2048xi1> to vector<2x2048xi32>
    %convert_element_type3A_1859 = arith.sitofp %convert_element_type3A_1858 : vector<2x2048xi32> to vector<2x2048xf32>
    %reduce_sum3A_1860 = arith.constant dense<0.000000e+00> : vector<2xf32>
    %reduce_sum3A_1861 = vector.multi_reduction <add>, %convert_element_type3A_1859, %reduce_sum3A_1860 [1] : vector<2x2048xf32> to vector<2xf32>
    %broadcast_in_dim3A_1862 = vector.shape_cast %reduce_sum3A_1861 : vector<2xf32> to vector<2x1xf32>
    %ge3A_1863 = arith.cmpf oge, %broadcast_in_dim3A_1862, %min3A_1690 : vector<2x1xf32>
    %select_n3A_1864 = arith.select %ge3A_1863, %or3A_1852, %select_n3A_1847 : vector<2x1xi1>, vector<2x1xi32>
    %shift_left3A_1865 = arith.constant 1 : i32
    %shift_left3A_1866 = arith.constant 22 : i32
    %shift_left3A_1867 = arith.shli %shift_left3A_1865, %shift_left3A_1866 : i32
    %or3A_1868 = vector.broadcast %shift_left3A_1867 : i32 to vector<2x1xi32>
    %or3A_1869 = arith.ori %select_n3A_1864, %or3A_1868 : vector<2x1xi32>
    %xor3A_1870 = arith.constant -2147483648 : i32
    %xor3A_1871 = vector.broadcast %xor3A_1870 : i32 to vector<2x1xi32>
    %xor3A_1872 = arith.xori %or3A_1869, %xor3A_1871 : vector<2x1xi32>
    %ge3A_1873 = vector.broadcast %xor3A_1872 : vector<2x1xi32> to vector<2x2048xi32>
    %ge3A_1874 = arith.cmpi sge, %select_n3A_1709, %ge3A_1873 : vector<2x2048xi32>
    %convert_element_type3A_1875 = arith.extui %ge3A_1874 : vector<2x2048xi1> to vector<2x2048xi32>
    %convert_element_type3A_1876 = arith.sitofp %convert_element_type3A_1875 : vector<2x2048xi32> to vector<2x2048xf32>
    %reduce_sum3A_1877 = arith.constant dense<0.000000e+00> : vector<2xf32>
    %reduce_sum3A_1878 = vector.multi_reduction <add>, %convert_element_type3A_1876, %reduce_sum3A_1877 [1] : vector<2x2048xf32> to vector<2xf32>
    %broadcast_in_dim3A_1879 = vector.shape_cast %reduce_sum3A_1878 : vector<2xf32> to vector<2x1xf32>
    %ge3A_1880 = arith.cmpf oge, %broadcast_in_dim3A_1879, %min3A_1690 : vector<2x1xf32>
    %select_n3A_1881 = arith.select %ge3A_1880, %or3A_1869, %select_n3A_1864 : vector<2x1xi1>, vector<2x1xi32>
    %shift_left3A_1882 = arith.constant 1 : i32
    %shift_left3A_1883 = arith.constant 21 : i32
    %shift_left3A_1884 = arith.shli %shift_left3A_1882, %shift_left3A_1883 : i32
    %or3A_1885 = vector.broadcast %shift_left3A_1884 : i32 to vector<2x1xi32>
    %or3A_1886 = arith.ori %select_n3A_1881, %or3A_1885 : vector<2x1xi32>
    %xor3A_1887 = arith.constant -2147483648 : i32
    %xor3A_1888 = vector.broadcast %xor3A_1887 : i32 to vector<2x1xi32>
    %xor3A_1889 = arith.xori %or3A_1886, %xor3A_1888 : vector<2x1xi32>
    %ge3A_1890 = vector.broadcast %xor3A_1889 : vector<2x1xi32> to vector<2x2048xi32>
    %ge3A_1891 = arith.cmpi sge, %select_n3A_1709, %ge3A_1890 : vector<2x2048xi32>
    %convert_element_type3A_1892 = arith.extui %ge3A_1891 : vector<2x2048xi1> to vector<2x2048xi32>
    %convert_element_type3A_1893 = arith.sitofp %convert_element_type3A_1892 : vector<2x2048xi32> to vector<2x2048xf32>
    %reduce_sum3A_1894 = arith.constant dense<0.000000e+00> : vector<2xf32>
    %reduce_sum3A_1895 = vector.multi_reduction <add>, %convert_element_type3A_1893, %reduce_sum3A_1894 [1] : vector<2x2048xf32> to vector<2xf32>
    %broadcast_in_dim3A_1896 = vector.shape_cast %reduce_sum3A_1895 : vector<2xf32> to vector<2x1xf32>
    %ge3A_1897 = arith.cmpf oge, %broadcast_in_dim3A_1896, %min3A_1690 : vector<2x1xf32>
    %select_n3A_1898 = arith.select %ge3A_1897, %or3A_1886, %select_n3A_1881 : vector<2x1xi1>, vector<2x1xi32>
    %shift_left3A_1899 = arith.constant 1 : i32
    %shift_left3A_1900 = arith.constant 20 : i32
    %shift_left3A_1901 = arith.shli %shift_left3A_1899, %shift_left3A_1900 : i32
    %or3A_1902 = vector.broadcast %shift_left3A_1901 : i32 to vector<2x1xi32>
    %or3A_1903 = arith.ori %select_n3A_1898, %or3A_1902 : vector<2x1xi32>
    %xor3A_1904 = arith.constant -2147483648 : i32
    %xor3A_1905 = vector.broadcast %xor3A_1904 : i32 to vector<2x1xi32>
    %xor3A_1906 = arith.xori %or3A_1903, %xor3A_1905 : vector<2x1xi32>
    %ge3A_1907 = vector.broadcast %xor3A_1906 : vector<2x1xi32> to vector<2x2048xi32>
    %ge3A_1908 = arith.cmpi sge, %select_n3A_1709, %ge3A_1907 : vector<2x2048xi32>
    %convert_element_type3A_1909 = arith.extui %ge3A_1908 : vector<2x2048xi1> to vector<2x2048xi32>
    %convert_element_type3A_1910 = arith.sitofp %convert_element_type3A_1909 : vector<2x2048xi32> to vector<2x2048xf32>
    %reduce_sum3A_1911 = arith.constant dense<0.000000e+00> : vector<2xf32>
    %reduce_sum3A_1912 = vector.multi_reduction <add>, %convert_element_type3A_1910, %reduce_sum3A_1911 [1] : vector<2x2048xf32> to vector<2xf32>
    %broadcast_in_dim3A_1913 = vector.shape_cast %reduce_sum3A_1912 : vector<2xf32> to vector<2x1xf32>
    %ge3A_1914 = arith.cmpf oge, %broadcast_in_dim3A_1913, %min3A_1690 : vector<2x1xf32>
    %select_n3A_1915 = arith.select %ge3A_1914, %or3A_1903, %select_n3A_1898 : vector<2x1xi1>, vector<2x1xi32>
    %shift_left3A_1916 = arith.constant 1 : i32
    %shift_left3A_1917 = arith.constant 19 : i32
    %shift_left3A_1918 = arith.shli %shift_left3A_1916, %shift_left3A_1917 : i32
    %or3A_1919 = vector.broadcast %shift_left3A_1918 : i32 to vector<2x1xi32>
    %or3A_1920 = arith.ori %select_n3A_1915, %or3A_1919 : vector<2x1xi32>
    %xor3A_1921 = arith.constant -2147483648 : i32
    %xor3A_1922 = vector.broadcast %xor3A_1921 : i32 to vector<2x1xi32>
    %xor3A_1923 = arith.xori %or3A_1920, %xor3A_1922 : vector<2x1xi32>
    %ge3A_1924 = vector.broadcast %xor3A_1923 : vector<2x1xi32> to vector<2x2048xi32>
    %ge3A_1925 = arith.cmpi sge, %select_n3A_1709, %ge3A_1924 : vector<2x2048xi32>
    %convert_element_type3A_1926 = arith.extui %ge3A_1925 : vector<2x2048xi1> to vector<2x2048xi32>
    %convert_element_type3A_1927 = arith.sitofp %convert_element_type3A_1926 : vector<2x2048xi32> to vector<2x2048xf32>
    %reduce_sum3A_1928 = arith.constant dense<0.000000e+00> : vector<2xf32>
    %reduce_sum3A_1929 = vector.multi_reduction <add>, %convert_element_type3A_1927, %reduce_sum3A_1928 [1] : vector<2x2048xf32> to vector<2xf32>
    %broadcast_in_dim3A_1930 = vector.shape_cast %reduce_sum3A_1929 : vector<2xf32> to vector<2x1xf32>
    %ge3A_1931 = arith.cmpf oge, %broadcast_in_dim3A_1930, %min3A_1690 : vector<2x1xf32>
    %select_n3A_1932 = arith.select %ge3A_1931, %or3A_1920, %select_n3A_1915 : vector<2x1xi1>, vector<2x1xi32>
    %shift_left3A_1933 = arith.constant 1 : i32
    %shift_left3A_1934 = arith.constant 18 : i32
    %shift_left3A_1935 = arith.shli %shift_left3A_1933, %shift_left3A_1934 : i32
    %or3A_1936 = vector.broadcast %shift_left3A_1935 : i32 to vector<2x1xi32>
    %or3A_1937 = arith.ori %select_n3A_1932, %or3A_1936 : vector<2x1xi32>
    %xor3A_1938 = arith.constant -2147483648 : i32
    %xor3A_1939 = vector.broadcast %xor3A_1938 : i32 to vector<2x1xi32>
    %xor3A_1940 = arith.xori %or3A_1937, %xor3A_1939 : vector<2x1xi32>
    %ge3A_1941 = vector.broadcast %xor3A_1940 : vector<2x1xi32> to vector<2x2048xi32>
    %ge3A_1942 = arith.cmpi sge, %select_n3A_1709, %ge3A_1941 : vector<2x2048xi32>
    %convert_element_type3A_1943 = arith.extui %ge3A_1942 : vector<2x2048xi1> to vector<2x2048xi32>
    %convert_element_type3A_1944 = arith.sitofp %convert_element_type3A_1943 : vector<2x2048xi32> to vector<2x2048xf32>
    %reduce_sum3A_1945 = arith.constant dense<0.000000e+00> : vector<2xf32>
    %reduce_sum3A_1946 = vector.multi_reduction <add>, %convert_element_type3A_1944, %reduce_sum3A_1945 [1] : vector<2x2048xf32> to vector<2xf32>
    %broadcast_in_dim3A_1947 = vector.shape_cast %reduce_sum3A_1946 : vector<2xf32> to vector<2x1xf32>
    %ge3A_1948 = arith.cmpf oge, %broadcast_in_dim3A_1947, %min3A_1690 : vector<2x1xf32>
    %select_n3A_1949 = arith.select %ge3A_1948, %or3A_1937, %select_n3A_1932 : vector<2x1xi1>, vector<2x1xi32>
    %shift_left3A_1950 = arith.constant 1 : i32
    %shift_left3A_1951 = arith.constant 17 : i32
    %shift_left3A_1952 = arith.shli %shift_left3A_1950, %shift_left3A_1951 : i32
    %or3A_1953 = vector.broadcast %shift_left3A_1952 : i32 to vector<2x1xi32>
    %or3A_1954 = arith.ori %select_n3A_1949, %or3A_1953 : vector<2x1xi32>
    %xor3A_1955 = arith.constant -2147483648 : i32
    %xor3A_1956 = vector.broadcast %xor3A_1955 : i32 to vector<2x1xi32>
    %xor3A_1957 = arith.xori %or3A_1954, %xor3A_1956 : vector<2x1xi32>
    %ge3A_1958 = vector.broadcast %xor3A_1957 : vector<2x1xi32> to vector<2x2048xi32>
    %ge3A_1959 = arith.cmpi sge, %select_n3A_1709, %ge3A_1958 : vector<2x2048xi32>
    %convert_element_type3A_1960 = arith.extui %ge3A_1959 : vector<2x2048xi1> to vector<2x2048xi32>
    %convert_element_type3A_1961 = arith.sitofp %convert_element_type3A_1960 : vector<2x2048xi32> to vector<2x2048xf32>
    %reduce_sum3A_1962 = arith.constant dense<0.000000e+00> : vector<2xf32>
    %reduce_sum3A_1963 = vector.multi_reduction <add>, %convert_element_type3A_1961, %reduce_sum3A_1962 [1] : vector<2x2048xf32> to vector<2xf32>
    %broadcast_in_dim3A_1964 = vector.shape_cast %reduce_sum3A_1963 : vector<2xf32> to vector<2x1xf32>
    %ge3A_1965 = arith.cmpf oge, %broadcast_in_dim3A_1964, %min3A_1690 : vector<2x1xf32>
    %select_n3A_1966 = arith.select %ge3A_1965, %or3A_1954, %select_n3A_1949 : vector<2x1xi1>, vector<2x1xi32>
    %shift_left3A_1967 = arith.constant 1 : i32
    %shift_left3A_1968 = arith.constant 16 : i32
    %shift_left3A_1969 = arith.shli %shift_left3A_1967, %shift_left3A_1968 : i32
    %or3A_1970 = vector.broadcast %shift_left3A_1969 : i32 to vector<2x1xi32>
    %or3A_1971 = arith.ori %select_n3A_1966, %or3A_1970 : vector<2x1xi32>
    %xor3A_1972 = arith.constant -2147483648 : i32
    %xor3A_1973 = vector.broadcast %xor3A_1972 : i32 to vector<2x1xi32>
    %xor3A_1974 = arith.xori %or3A_1971, %xor3A_1973 : vector<2x1xi32>
    %ge3A_1975 = vector.broadcast %xor3A_1974 : vector<2x1xi32> to vector<2x2048xi32>
    %ge3A_1976 = arith.cmpi sge, %select_n3A_1709, %ge3A_1975 : vector<2x2048xi32>
    %convert_element_type3A_1977 = arith.extui %ge3A_1976 : vector<2x2048xi1> to vector<2x2048xi32>
    %convert_element_type3A_1978 = arith.sitofp %convert_element_type3A_1977 : vector<2x2048xi32> to vector<2x2048xf32>
    %reduce_sum3A_1979 = arith.constant dense<0.000000e+00> : vector<2xf32>
    %reduce_sum3A_1980 = vector.multi_reduction <add>, %convert_element_type3A_1978, %reduce_sum3A_1979 [1] : vector<2x2048xf32> to vector<2xf32>
    %broadcast_in_dim3A_1981 = vector.shape_cast %reduce_sum3A_1980 : vector<2xf32> to vector<2x1xf32>
    %ge3A_1982 = arith.cmpf oge, %broadcast_in_dim3A_1981, %min3A_1690 : vector<2x1xf32>
    %select_n3A_1983 = arith.select %ge3A_1982, %or3A_1971, %select_n3A_1966 : vector<2x1xi1>, vector<2x1xi32>
    %shift_left3A_1984 = arith.constant 1 : i32
    %shift_left3A_1985 = arith.constant 15 : i32
    %shift_left3A_1986 = arith.shli %shift_left3A_1984, %shift_left3A_1985 : i32
    %or3A_1987 = vector.broadcast %shift_left3A_1986 : i32 to vector<2x1xi32>
    %or3A_1988 = arith.ori %select_n3A_1983, %or3A_1987 : vector<2x1xi32>
    %xor3A_1989 = arith.constant -2147483648 : i32
    %xor3A_1990 = vector.broadcast %xor3A_1989 : i32 to vector<2x1xi32>
    %xor3A_1991 = arith.xori %or3A_1988, %xor3A_1990 : vector<2x1xi32>
    %ge3A_1992 = vector.broadcast %xor3A_1991 : vector<2x1xi32> to vector<2x2048xi32>
    %ge3A_1993 = arith.cmpi sge, %select_n3A_1709, %ge3A_1992 : vector<2x2048xi32>
    %convert_element_type3A_1994 = arith.extui %ge3A_1993 : vector<2x2048xi1> to vector<2x2048xi32>
    %convert_element_type3A_1995 = arith.sitofp %convert_element_type3A_1994 : vector<2x2048xi32> to vector<2x2048xf32>
    %reduce_sum3A_1996 = arith.constant dense<0.000000e+00> : vector<2xf32>
    %reduce_sum3A_1997 = vector.multi_reduction <add>, %convert_element_type3A_1995, %reduce_sum3A_1996 [1] : vector<2x2048xf32> to vector<2xf32>
    %broadcast_in_dim3A_1998 = vector.shape_cast %reduce_sum3A_1997 : vector<2xf32> to vector<2x1xf32>
    %ge3A_1999 = arith.cmpf oge, %broadcast_in_dim3A_1998, %min3A_1690 : vector<2x1xf32>
    %select_n3A_2000 = arith.select %ge3A_1999, %or3A_1988, %select_n3A_1983 : vector<2x1xi1>, vector<2x1xi32>
    %shift_left3A_2001 = arith.constant 1 : i32
    %shift_left3A_2002 = arith.constant 14 : i32
    %shift_left3A_2003 = arith.shli %shift_left3A_2001, %shift_left3A_2002 : i32
    %or3A_2004 = vector.broadcast %shift_left3A_2003 : i32 to vector<2x1xi32>
    %or3A_2005 = arith.ori %select_n3A_2000, %or3A_2004 : vector<2x1xi32>
    %xor3A_2006 = arith.constant -2147483648 : i32
    %xor3A_2007 = vector.broadcast %xor3A_2006 : i32 to vector<2x1xi32>
    %xor3A_2008 = arith.xori %or3A_2005, %xor3A_2007 : vector<2x1xi32>
    %ge3A_2009 = vector.broadcast %xor3A_2008 : vector<2x1xi32> to vector<2x2048xi32>
    %ge3A_2010 = arith.cmpi sge, %select_n3A_1709, %ge3A_2009 : vector<2x2048xi32>
    %convert_element_type3A_2011 = arith.extui %ge3A_2010 : vector<2x2048xi1> to vector<2x2048xi32>
    %convert_element_type3A_2012 = arith.sitofp %convert_element_type3A_2011 : vector<2x2048xi32> to vector<2x2048xf32>
    %reduce_sum3A_2013 = arith.constant dense<0.000000e+00> : vector<2xf32>
    %reduce_sum3A_2014 = vector.multi_reduction <add>, %convert_element_type3A_2012, %reduce_sum3A_2013 [1] : vector<2x2048xf32> to vector<2xf32>
    %broadcast_in_dim3A_2015 = vector.shape_cast %reduce_sum3A_2014 : vector<2xf32> to vector<2x1xf32>
    %ge3A_2016 = arith.cmpf oge, %broadcast_in_dim3A_2015, %min3A_1690 : vector<2x1xf32>
    %select_n3A_2017 = arith.select %ge3A_2016, %or3A_2005, %select_n3A_2000 : vector<2x1xi1>, vector<2x1xi32>
    %shift_left3A_2018 = arith.constant 1 : i32
    %shift_left3A_2019 = arith.constant 13 : i32
    %shift_left3A_2020 = arith.shli %shift_left3A_2018, %shift_left3A_2019 : i32
    %or3A_2021 = vector.broadcast %shift_left3A_2020 : i32 to vector<2x1xi32>
    %or3A_2022 = arith.ori %select_n3A_2017, %or3A_2021 : vector<2x1xi32>
    %xor3A_2023 = arith.constant -2147483648 : i32
    %xor3A_2024 = vector.broadcast %xor3A_2023 : i32 to vector<2x1xi32>
    %xor3A_2025 = arith.xori %or3A_2022, %xor3A_2024 : vector<2x1xi32>
    %ge3A_2026 = vector.broadcast %xor3A_2025 : vector<2x1xi32> to vector<2x2048xi32>
    %ge3A_2027 = arith.cmpi sge, %select_n3A_1709, %ge3A_2026 : vector<2x2048xi32>
    %convert_element_type3A_2028 = arith.extui %ge3A_2027 : vector<2x2048xi1> to vector<2x2048xi32>
    %convert_element_type3A_2029 = arith.sitofp %convert_element_type3A_2028 : vector<2x2048xi32> to vector<2x2048xf32>
    %reduce_sum3A_2030 = arith.constant dense<0.000000e+00> : vector<2xf32>
    %reduce_sum3A_2031 = vector.multi_reduction <add>, %convert_element_type3A_2029, %reduce_sum3A_2030 [1] : vector<2x2048xf32> to vector<2xf32>
    %broadcast_in_dim3A_2032 = vector.shape_cast %reduce_sum3A_2031 : vector<2xf32> to vector<2x1xf32>
    %ge3A_2033 = arith.cmpf oge, %broadcast_in_dim3A_2032, %min3A_1690 : vector<2x1xf32>
    %select_n3A_2034 = arith.select %ge3A_2033, %or3A_2022, %select_n3A_2017 : vector<2x1xi1>, vector<2x1xi32>
    %shift_left3A_2035 = arith.constant 1 : i32
    %shift_left3A_2036 = arith.constant 12 : i32
    %shift_left3A_2037 = arith.shli %shift_left3A_2035, %shift_left3A_2036 : i32
    %or3A_2038 = vector.broadcast %shift_left3A_2037 : i32 to vector<2x1xi32>
    %or3A_2039 = arith.ori %select_n3A_2034, %or3A_2038 : vector<2x1xi32>
    %xor3A_2040 = arith.constant -2147483648 : i32
    %xor3A_2041 = vector.broadcast %xor3A_2040 : i32 to vector<2x1xi32>
    %xor3A_2042 = arith.xori %or3A_2039, %xor3A_2041 : vector<2x1xi32>
    %ge3A_2043 = vector.broadcast %xor3A_2042 : vector<2x1xi32> to vector<2x2048xi32>
    %ge3A_2044 = arith.cmpi sge, %select_n3A_1709, %ge3A_2043 : vector<2x2048xi32>
    %convert_element_type3A_2045 = arith.extui %ge3A_2044 : vector<2x2048xi1> to vector<2x2048xi32>
    %convert_element_type3A_2046 = arith.sitofp %convert_element_type3A_2045 : vector<2x2048xi32> to vector<2x2048xf32>
    %reduce_sum3A_2047 = arith.constant dense<0.000000e+00> : vector<2xf32>
    %reduce_sum3A_2048 = vector.multi_reduction <add>, %convert_element_type3A_2046, %reduce_sum3A_2047 [1] : vector<2x2048xf32> to vector<2xf32>
    %broadcast_in_dim3A_2049 = vector.shape_cast %reduce_sum3A_2048 : vector<2xf32> to vector<2x1xf32>
    %ge3A_2050 = arith.cmpf oge, %broadcast_in_dim3A_2049, %min3A_1690 : vector<2x1xf32>
    %select_n3A_2051 = arith.select %ge3A_2050, %or3A_2039, %select_n3A_2034 : vector<2x1xi1>, vector<2x1xi32>
    %shift_left3A_2052 = arith.constant 1 : i32
    %shift_left3A_2053 = arith.constant 11 : i32
    %shift_left3A_2054 = arith.shli %shift_left3A_2052, %shift_left3A_2053 : i32
    %or3A_2055 = vector.broadcast %shift_left3A_2054 : i32 to vector<2x1xi32>
    %or3A_2056 = arith.ori %select_n3A_2051, %or3A_2055 : vector<2x1xi32>
    %xor3A_2057 = arith.constant -2147483648 : i32
    %xor3A_2058 = vector.broadcast %xor3A_2057 : i32 to vector<2x1xi32>
    %xor3A_2059 = arith.xori %or3A_2056, %xor3A_2058 : vector<2x1xi32>
    %ge3A_2060 = vector.broadcast %xor3A_2059 : vector<2x1xi32> to vector<2x2048xi32>
    %ge3A_2061 = arith.cmpi sge, %select_n3A_1709, %ge3A_2060 : vector<2x2048xi32>
    %convert_element_type3A_2062 = arith.extui %ge3A_2061 : vector<2x2048xi1> to vector<2x2048xi32>
    %convert_element_type3A_2063 = arith.sitofp %convert_element_type3A_2062 : vector<2x2048xi32> to vector<2x2048xf32>
    %reduce_sum3A_2064 = arith.constant dense<0.000000e+00> : vector<2xf32>
    %reduce_sum3A_2065 = vector.multi_reduction <add>, %convert_element_type3A_2063, %reduce_sum3A_2064 [1] : vector<2x2048xf32> to vector<2xf32>
    %broadcast_in_dim3A_2066 = vector.shape_cast %reduce_sum3A_2065 : vector<2xf32> to vector<2x1xf32>
    %ge3A_2067 = arith.cmpf oge, %broadcast_in_dim3A_2066, %min3A_1690 : vector<2x1xf32>
    %select_n3A_2068 = arith.select %ge3A_2067, %or3A_2056, %select_n3A_2051 : vector<2x1xi1>, vector<2x1xi32>
    %shift_left3A_2069 = arith.constant 1 : i32
    %shift_left3A_2070 = arith.constant 10 : i32
    %shift_left3A_2071 = arith.shli %shift_left3A_2069, %shift_left3A_2070 : i32
    %or3A_2072 = vector.broadcast %shift_left3A_2071 : i32 to vector<2x1xi32>
    %or3A_2073 = arith.ori %select_n3A_2068, %or3A_2072 : vector<2x1xi32>
    %xor3A_2074 = arith.constant -2147483648 : i32
    %xor3A_2075 = vector.broadcast %xor3A_2074 : i32 to vector<2x1xi32>
    %xor3A_2076 = arith.xori %or3A_2073, %xor3A_2075 : vector<2x1xi32>
    %ge3A_2077 = vector.broadcast %xor3A_2076 : vector<2x1xi32> to vector<2x2048xi32>
    %ge3A_2078 = arith.cmpi sge, %select_n3A_1709, %ge3A_2077 : vector<2x2048xi32>
    %convert_element_type3A_2079 = arith.extui %ge3A_2078 : vector<2x2048xi1> to vector<2x2048xi32>
    %convert_element_type3A_2080 = arith.sitofp %convert_element_type3A_2079 : vector<2x2048xi32> to vector<2x2048xf32>
    %reduce_sum3A_2081 = arith.constant dense<0.000000e+00> : vector<2xf32>
    %reduce_sum3A_2082 = vector.multi_reduction <add>, %convert_element_type3A_2080, %reduce_sum3A_2081 [1] : vector<2x2048xf32> to vector<2xf32>
    %broadcast_in_dim3A_2083 = vector.shape_cast %reduce_sum3A_2082 : vector<2xf32> to vector<2x1xf32>
    %ge3A_2084 = arith.cmpf oge, %broadcast_in_dim3A_2083, %min3A_1690 : vector<2x1xf32>
    %select_n3A_2085 = arith.select %ge3A_2084, %or3A_2073, %select_n3A_2068 : vector<2x1xi1>, vector<2x1xi32>
    %shift_left3A_2086 = arith.constant 1 : i32
    %shift_left3A_2087 = arith.constant 9 : i32
    %shift_left3A_2088 = arith.shli %shift_left3A_2086, %shift_left3A_2087 : i32
    %or3A_2089 = vector.broadcast %shift_left3A_2088 : i32 to vector<2x1xi32>
    %or3A_2090 = arith.ori %select_n3A_2085, %or3A_2089 : vector<2x1xi32>
    %xor3A_2091 = arith.constant -2147483648 : i32
    %xor3A_2092 = vector.broadcast %xor3A_2091 : i32 to vector<2x1xi32>
    %xor3A_2093 = arith.xori %or3A_2090, %xor3A_2092 : vector<2x1xi32>
    %ge3A_2094 = vector.broadcast %xor3A_2093 : vector<2x1xi32> to vector<2x2048xi32>
    %ge3A_2095 = arith.cmpi sge, %select_n3A_1709, %ge3A_2094 : vector<2x2048xi32>
    %convert_element_type3A_2096 = arith.extui %ge3A_2095 : vector<2x2048xi1> to vector<2x2048xi32>
    %convert_element_type3A_2097 = arith.sitofp %convert_element_type3A_2096 : vector<2x2048xi32> to vector<2x2048xf32>
    %reduce_sum3A_2098 = arith.constant dense<0.000000e+00> : vector<2xf32>
    %reduce_sum3A_2099 = vector.multi_reduction <add>, %convert_element_type3A_2097, %reduce_sum3A_2098 [1] : vector<2x2048xf32> to vector<2xf32>
    %broadcast_in_dim3A_2100 = vector.shape_cast %reduce_sum3A_2099 : vector<2xf32> to vector<2x1xf32>
    %ge3A_2101 = arith.cmpf oge, %broadcast_in_dim3A_2100, %min3A_1690 : vector<2x1xf32>
    %select_n3A_2102 = arith.select %ge3A_2101, %or3A_2090, %select_n3A_2085 : vector<2x1xi1>, vector<2x1xi32>
    %shift_left3A_2103 = arith.constant 1 : i32
    %shift_left3A_2104 = arith.constant 8 : i32
    %shift_left3A_2105 = arith.shli %shift_left3A_2103, %shift_left3A_2104 : i32
    %or3A_2106 = vector.broadcast %shift_left3A_2105 : i32 to vector<2x1xi32>
    %or3A_2107 = arith.ori %select_n3A_2102, %or3A_2106 : vector<2x1xi32>
    %xor3A_2108 = arith.constant -2147483648 : i32
    %xor3A_2109 = vector.broadcast %xor3A_2108 : i32 to vector<2x1xi32>
    %xor3A_2110 = arith.xori %or3A_2107, %xor3A_2109 : vector<2x1xi32>
    %ge3A_2111 = vector.broadcast %xor3A_2110 : vector<2x1xi32> to vector<2x2048xi32>
    %ge3A_2112 = arith.cmpi sge, %select_n3A_1709, %ge3A_2111 : vector<2x2048xi32>
    %convert_element_type3A_2113 = arith.extui %ge3A_2112 : vector<2x2048xi1> to vector<2x2048xi32>
    %convert_element_type3A_2114 = arith.sitofp %convert_element_type3A_2113 : vector<2x2048xi32> to vector<2x2048xf32>
    %reduce_sum3A_2115 = arith.constant dense<0.000000e+00> : vector<2xf32>
    %reduce_sum3A_2116 = vector.multi_reduction <add>, %convert_element_type3A_2114, %reduce_sum3A_2115 [1] : vector<2x2048xf32> to vector<2xf32>
    %broadcast_in_dim3A_2117 = vector.shape_cast %reduce_sum3A_2116 : vector<2xf32> to vector<2x1xf32>
    %ge3A_2118 = arith.cmpf oge, %broadcast_in_dim3A_2117, %min3A_1690 : vector<2x1xf32>
    %select_n3A_2119 = arith.select %ge3A_2118, %or3A_2107, %select_n3A_2102 : vector<2x1xi1>, vector<2x1xi32>
    %shift_left3A_2120 = arith.constant 1 : i32
    %shift_left3A_2121 = arith.constant 7 : i32
    %shift_left3A_2122 = arith.shli %shift_left3A_2120, %shift_left3A_2121 : i32
    %or3A_2123 = vector.broadcast %shift_left3A_2122 : i32 to vector<2x1xi32>
    %or3A_2124 = arith.ori %select_n3A_2119, %or3A_2123 : vector<2x1xi32>
    %xor3A_2125 = arith.constant -2147483648 : i32
    %xor3A_2126 = vector.broadcast %xor3A_2125 : i32 to vector<2x1xi32>
    %xor3A_2127 = arith.xori %or3A_2124, %xor3A_2126 : vector<2x1xi32>
    %ge3A_2128 = vector.broadcast %xor3A_2127 : vector<2x1xi32> to vector<2x2048xi32>
    %ge3A_2129 = arith.cmpi sge, %select_n3A_1709, %ge3A_2128 : vector<2x2048xi32>
    %convert_element_type3A_2130 = arith.extui %ge3A_2129 : vector<2x2048xi1> to vector<2x2048xi32>
    %convert_element_type3A_2131 = arith.sitofp %convert_element_type3A_2130 : vector<2x2048xi32> to vector<2x2048xf32>
    %reduce_sum3A_2132 = arith.constant dense<0.000000e+00> : vector<2xf32>
    %reduce_sum3A_2133 = vector.multi_reduction <add>, %convert_element_type3A_2131, %reduce_sum3A_2132 [1] : vector<2x2048xf32> to vector<2xf32>
    %broadcast_in_dim3A_2134 = vector.shape_cast %reduce_sum3A_2133 : vector<2xf32> to vector<2x1xf32>
    %ge3A_2135 = arith.cmpf oge, %broadcast_in_dim3A_2134, %min3A_1690 : vector<2x1xf32>
    %select_n3A_2136 = arith.select %ge3A_2135, %or3A_2124, %select_n3A_2119 : vector<2x1xi1>, vector<2x1xi32>
    %shift_left3A_2137 = arith.constant 1 : i32
    %shift_left3A_2138 = arith.constant 6 : i32
    %shift_left3A_2139 = arith.shli %shift_left3A_2137, %shift_left3A_2138 : i32
    %or3A_2140 = vector.broadcast %shift_left3A_2139 : i32 to vector<2x1xi32>
    %or3A_2141 = arith.ori %select_n3A_2136, %or3A_2140 : vector<2x1xi32>
    %xor3A_2142 = arith.constant -2147483648 : i32
    %xor3A_2143 = vector.broadcast %xor3A_2142 : i32 to vector<2x1xi32>
    %xor3A_2144 = arith.xori %or3A_2141, %xor3A_2143 : vector<2x1xi32>
    %ge3A_2145 = vector.broadcast %xor3A_2144 : vector<2x1xi32> to vector<2x2048xi32>
    %ge3A_2146 = arith.cmpi sge, %select_n3A_1709, %ge3A_2145 : vector<2x2048xi32>
    %convert_element_type3A_2147 = arith.extui %ge3A_2146 : vector<2x2048xi1> to vector<2x2048xi32>
    %convert_element_type3A_2148 = arith.sitofp %convert_element_type3A_2147 : vector<2x2048xi32> to vector<2x2048xf32>
    %reduce_sum3A_2149 = arith.constant dense<0.000000e+00> : vector<2xf32>
    %reduce_sum3A_2150 = vector.multi_reduction <add>, %convert_element_type3A_2148, %reduce_sum3A_2149 [1] : vector<2x2048xf32> to vector<2xf32>
    %broadcast_in_dim3A_2151 = vector.shape_cast %reduce_sum3A_2150 : vector<2xf32> to vector<2x1xf32>
    %ge3A_2152 = arith.cmpf oge, %broadcast_in_dim3A_2151, %min3A_1690 : vector<2x1xf32>
    %select_n3A_2153 = arith.select %ge3A_2152, %or3A_2141, %select_n3A_2136 : vector<2x1xi1>, vector<2x1xi32>
    %shift_left3A_2154 = arith.constant 1 : i32
    %shift_left3A_2155 = arith.constant 5 : i32
    %shift_left3A_2156 = arith.shli %shift_left3A_2154, %shift_left3A_2155 : i32
    %or3A_2157 = vector.broadcast %shift_left3A_2156 : i32 to vector<2x1xi32>
    %or3A_2158 = arith.ori %select_n3A_2153, %or3A_2157 : vector<2x1xi32>
    %xor3A_2159 = arith.constant -2147483648 : i32
    %xor3A_2160 = vector.broadcast %xor3A_2159 : i32 to vector<2x1xi32>
    %xor3A_2161 = arith.xori %or3A_2158, %xor3A_2160 : vector<2x1xi32>
    %ge3A_2162 = vector.broadcast %xor3A_2161 : vector<2x1xi32> to vector<2x2048xi32>
    %ge3A_2163 = arith.cmpi sge, %select_n3A_1709, %ge3A_2162 : vector<2x2048xi32>
    %convert_element_type3A_2164 = arith.extui %ge3A_2163 : vector<2x2048xi1> to vector<2x2048xi32>
    %convert_element_type3A_2165 = arith.sitofp %convert_element_type3A_2164 : vector<2x2048xi32> to vector<2x2048xf32>
    %reduce_sum3A_2166 = arith.constant dense<0.000000e+00> : vector<2xf32>
    %reduce_sum3A_2167 = vector.multi_reduction <add>, %convert_element_type3A_2165, %reduce_sum3A_2166 [1] : vector<2x2048xf32> to vector<2xf32>
    %broadcast_in_dim3A_2168 = vector.shape_cast %reduce_sum3A_2167 : vector<2xf32> to vector<2x1xf32>
    %ge3A_2169 = arith.cmpf oge, %broadcast_in_dim3A_2168, %min3A_1690 : vector<2x1xf32>
    %select_n3A_2170 = arith.select %ge3A_2169, %or3A_2158, %select_n3A_2153 : vector<2x1xi1>, vector<2x1xi32>
    %shift_left3A_2171 = arith.constant 1 : i32
    %shift_left3A_2172 = arith.constant 4 : i32
    %shift_left3A_2173 = arith.shli %shift_left3A_2171, %shift_left3A_2172 : i32
    %or3A_2174 = vector.broadcast %shift_left3A_2173 : i32 to vector<2x1xi32>
    %or3A_2175 = arith.ori %select_n3A_2170, %or3A_2174 : vector<2x1xi32>
    %xor3A_2176 = arith.constant -2147483648 : i32
    %xor3A_2177 = vector.broadcast %xor3A_2176 : i32 to vector<2x1xi32>
    %xor3A_2178 = arith.xori %or3A_2175, %xor3A_2177 : vector<2x1xi32>
    %ge3A_2179 = vector.broadcast %xor3A_2178 : vector<2x1xi32> to vector<2x2048xi32>
    %ge3A_2180 = arith.cmpi sge, %select_n3A_1709, %ge3A_2179 : vector<2x2048xi32>
    %convert_element_type3A_2181 = arith.extui %ge3A_2180 : vector<2x2048xi1> to vector<2x2048xi32>
    %convert_element_type3A_2182 = arith.sitofp %convert_element_type3A_2181 : vector<2x2048xi32> to vector<2x2048xf32>
    %reduce_sum3A_2183 = arith.constant dense<0.000000e+00> : vector<2xf32>
    %reduce_sum3A_2184 = vector.multi_reduction <add>, %convert_element_type3A_2182, %reduce_sum3A_2183 [1] : vector<2x2048xf32> to vector<2xf32>
    %broadcast_in_dim3A_2185 = vector.shape_cast %reduce_sum3A_2184 : vector<2xf32> to vector<2x1xf32>
    %ge3A_2186 = arith.cmpf oge, %broadcast_in_dim3A_2185, %min3A_1690 : vector<2x1xf32>
    %select_n3A_2187 = arith.select %ge3A_2186, %or3A_2175, %select_n3A_2170 : vector<2x1xi1>, vector<2x1xi32>
    %shift_left3A_2188 = arith.constant 1 : i32
    %shift_left3A_2189 = arith.constant 3 : i32
    %shift_left3A_2190 = arith.shli %shift_left3A_2188, %shift_left3A_2189 : i32
    %or3A_2191 = vector.broadcast %shift_left3A_2190 : i32 to vector<2x1xi32>
    %or3A_2192 = arith.ori %select_n3A_2187, %or3A_2191 : vector<2x1xi32>
    %xor3A_2193 = arith.constant -2147483648 : i32
    %xor3A_2194 = vector.broadcast %xor3A_2193 : i32 to vector<2x1xi32>
    %xor3A_2195 = arith.xori %or3A_2192, %xor3A_2194 : vector<2x1xi32>
    %ge3A_2196 = vector.broadcast %xor3A_2195 : vector<2x1xi32> to vector<2x2048xi32>
    %ge3A_2197 = arith.cmpi sge, %select_n3A_1709, %ge3A_2196 : vector<2x2048xi32>
    %convert_element_type3A_2198 = arith.extui %ge3A_2197 : vector<2x2048xi1> to vector<2x2048xi32>
    %convert_element_type3A_2199 = arith.sitofp %convert_element_type3A_2198 : vector<2x2048xi32> to vector<2x2048xf32>
    %reduce_sum3A_2200 = arith.constant dense<0.000000e+00> : vector<2xf32>
    %reduce_sum3A_2201 = vector.multi_reduction <add>, %convert_element_type3A_2199, %reduce_sum3A_2200 [1] : vector<2x2048xf32> to vector<2xf32>
    %broadcast_in_dim3A_2202 = vector.shape_cast %reduce_sum3A_2201 : vector<2xf32> to vector<2x1xf32>
    %ge3A_2203 = arith.cmpf oge, %broadcast_in_dim3A_2202, %min3A_1690 : vector<2x1xf32>
    %select_n3A_2204 = arith.select %ge3A_2203, %or3A_2192, %select_n3A_2187 : vector<2x1xi1>, vector<2x1xi32>
    %shift_left3A_2205 = arith.constant 1 : i32
    %shift_left3A_2206 = arith.constant 2 : i32
    %shift_left3A_2207 = arith.shli %shift_left3A_2205, %shift_left3A_2206 : i32
    %or3A_2208 = vector.broadcast %shift_left3A_2207 : i32 to vector<2x1xi32>
    %or3A_2209 = arith.ori %select_n3A_2204, %or3A_2208 : vector<2x1xi32>
    %xor3A_2210 = arith.constant -2147483648 : i32
    %xor3A_2211 = vector.broadcast %xor3A_2210 : i32 to vector<2x1xi32>
    %xor3A_2212 = arith.xori %or3A_2209, %xor3A_2211 : vector<2x1xi32>
    %ge3A_2213 = vector.broadcast %xor3A_2212 : vector<2x1xi32> to vector<2x2048xi32>
    %ge3A_2214 = arith.cmpi sge, %select_n3A_1709, %ge3A_2213 : vector<2x2048xi32>
    %convert_element_type3A_2215 = arith.extui %ge3A_2214 : vector<2x2048xi1> to vector<2x2048xi32>
    %convert_element_type3A_2216 = arith.sitofp %convert_element_type3A_2215 : vector<2x2048xi32> to vector<2x2048xf32>
    %reduce_sum3A_2217 = arith.constant dense<0.000000e+00> : vector<2xf32>
    %reduce_sum3A_2218 = vector.multi_reduction <add>, %convert_element_type3A_2216, %reduce_sum3A_2217 [1] : vector<2x2048xf32> to vector<2xf32>
    %broadcast_in_dim3A_2219 = vector.shape_cast %reduce_sum3A_2218 : vector<2xf32> to vector<2x1xf32>
    %ge3A_2220 = arith.cmpf oge, %broadcast_in_dim3A_2219, %min3A_1690 : vector<2x1xf32>
    %select_n3A_2221 = arith.select %ge3A_2220, %or3A_2209, %select_n3A_2204 : vector<2x1xi1>, vector<2x1xi32>
    %shift_left3A_2222 = arith.constant 1 : i32
    %shift_left3A_2223 = arith.constant 1 : i32
    %shift_left3A_2224 = arith.shli %shift_left3A_2222, %shift_left3A_2223 : i32
    %or3A_2225 = vector.broadcast %shift_left3A_2224 : i32 to vector<2x1xi32>
    %or3A_2226 = arith.ori %select_n3A_2221, %or3A_2225 : vector<2x1xi32>
    %xor3A_2227 = arith.constant -2147483648 : i32
    %xor3A_2228 = vector.broadcast %xor3A_2227 : i32 to vector<2x1xi32>
    %xor3A_2229 = arith.xori %or3A_2226, %xor3A_2228 : vector<2x1xi32>
    %ge3A_2230 = vector.broadcast %xor3A_2229 : vector<2x1xi32> to vector<2x2048xi32>
    %ge3A_2231 = arith.cmpi sge, %select_n3A_1709, %ge3A_2230 : vector<2x2048xi32>
    %convert_element_type3A_2232 = arith.extui %ge3A_2231 : vector<2x2048xi1> to vector<2x2048xi32>
    %convert_element_type3A_2233 = arith.sitofp %convert_element_type3A_2232 : vector<2x2048xi32> to vector<2x2048xf32>
    %reduce_sum3A_2234 = arith.constant dense<0.000000e+00> : vector<2xf32>
    %reduce_sum3A_2235 = vector.multi_reduction <add>, %convert_element_type3A_2233, %reduce_sum3A_2234 [1] : vector<2x2048xf32> to vector<2xf32>
    %broadcast_in_dim3A_2236 = vector.shape_cast %reduce_sum3A_2235 : vector<2xf32> to vector<2x1xf32>
    %ge3A_2237 = arith.cmpf oge, %broadcast_in_dim3A_2236, %min3A_1690 : vector<2x1xf32>
    %select_n3A_2238 = arith.select %ge3A_2237, %or3A_2226, %select_n3A_2221 : vector<2x1xi1>, vector<2x1xi32>
    %shift_left3A_2239 = arith.constant 1 : i32
    %shift_left3A_2240 = arith.constant 0 : i32
    %shift_left3A_2241 = arith.shli %shift_left3A_2239, %shift_left3A_2240 : i32
    %or3A_2242 = vector.broadcast %shift_left3A_2241 : i32 to vector<2x1xi32>
    %or3A_2243 = arith.ori %select_n3A_2238, %or3A_2242 : vector<2x1xi32>
    %xor3A_2244 = arith.constant -2147483648 : i32
    %xor3A_2245 = vector.broadcast %xor3A_2244 : i32 to vector<2x1xi32>
    %xor3A_2246 = arith.xori %or3A_2243, %xor3A_2245 : vector<2x1xi32>
    %ge3A_2247 = vector.broadcast %xor3A_2246 : vector<2x1xi32> to vector<2x2048xi32>
    %ge3A_2248 = arith.cmpi sge, %select_n3A_1709, %ge3A_2247 : vector<2x2048xi32>
    %convert_element_type3A_2249 = arith.extui %ge3A_2248 : vector<2x2048xi1> to vector<2x2048xi32>
    %convert_element_type3A_2250 = arith.sitofp %convert_element_type3A_2249 : vector<2x2048xi32> to vector<2x2048xf32>
    %reduce_sum3A_2251 = arith.constant dense<0.000000e+00> : vector<2xf32>
    %reduce_sum3A_2252 = vector.multi_reduction <add>, %convert_element_type3A_2250, %reduce_sum3A_2251 [1] : vector<2x2048xf32> to vector<2xf32>
    %broadcast_in_dim3A_2253 = vector.shape_cast %reduce_sum3A_2252 : vector<2xf32> to vector<2x1xf32>
    %ge3A_2254 = arith.cmpf oge, %broadcast_in_dim3A_2253, %min3A_1690 : vector<2x1xf32>
    %select_n3A_2255 = arith.select %ge3A_2254, %or3A_2243, %select_n3A_2238 : vector<2x1xi1>, vector<2x1xi32>
    %xor3A_2256 = arith.constant -2147483648 : i32
    %xor3A_2257 = vector.broadcast %xor3A_2256 : i32 to vector<2x1xi32>
    %xor3A_2258 = arith.xori %select_n3A_2255, %xor3A_2257 : vector<2x1xi32>
    %gt3A_2259 = vector.broadcast %xor3A_2258 : vector<2x1xi32> to vector<2x2048xi32>
    %gt3A_2260 = arith.cmpi sgt, %select_n3A_1709, %gt3A_2259 : vector<2x2048xi32>
    %convert_element_type3A_2261 = arith.extui %gt3A_2260 : vector<2x2048xi1> to vector<2x2048xi32>
    %convert_element_type3A_2262 = arith.sitofp %convert_element_type3A_2261 : vector<2x2048xi32> to vector<2x2048xf32>
    %reduce_sum3A_2263 = arith.constant dense<0.000000e+00> : vector<2xf32>
    %reduce_sum3A_2264 = vector.multi_reduction <add>, %convert_element_type3A_2262, %reduce_sum3A_2263 [1] : vector<2x2048xf32> to vector<2xf32>
    %broadcast_in_dim3A_2265 = vector.shape_cast %reduce_sum3A_2264 : vector<2xf32> to vector<2x1xf32>
    %eq3A_2266 = vector.broadcast %xor3A_2258 : vector<2x1xi32> to vector<2x2048xi32>
    %eq3A_2267 = arith.cmpi eq, %select_n3A_1709, %eq3A_2266 : vector<2x2048xi32>
    %sub3A_2268 = arith.subf %min3A_1690, %broadcast_in_dim3A_2265 : vector<2x1xf32>
    %broadcast_in_dim3A_2269 = arith.constant 0 : i32
    %broadcast_in_dim3A_2270 = vector.broadcast %broadcast_in_dim3A_2269 : i32 to vector<2x1xi32>
    %shift_left3A_2271 = arith.constant 1 : i32
    %shift_left3A_2272 = arith.constant 10 : i32
    %shift_left3A_2273 = arith.shli %shift_left3A_2271, %shift_left3A_2272 : i32
    %or3A_2274 = vector.broadcast %shift_left3A_2273 : i32 to vector<2x1xi32>
    %or3A_2275 = arith.ori %broadcast_in_dim3A_2270, %or3A_2274 : vector<2x1xi32>
    %lt3A_2276 = vector.broadcast %or3A_2275 : vector<2x1xi32> to vector<2x2048xi32>
    %lt3A_2277 = arith.cmpi slt, %iota3A, %lt3A_2276 : vector<2x2048xi32>
    %and3A_2278 = arith.andi %eq3A_2267, %lt3A_2277 : vector<2x2048xi1>
    %convert_element_type3A_2279 = arith.extui %and3A_2278 : vector<2x2048xi1> to vector<2x2048xi32>
    %convert_element_type3A_2280 = arith.sitofp %convert_element_type3A_2279 : vector<2x2048xi32> to vector<2x2048xf32>
    %reduce_sum3A_2281 = arith.constant dense<0.000000e+00> : vector<2xf32>
    %reduce_sum3A_2282 = vector.multi_reduction <add>, %convert_element_type3A_2280, %reduce_sum3A_2281 [1] : vector<2x2048xf32> to vector<2xf32>
    %broadcast_in_dim3A_2283 = vector.shape_cast %reduce_sum3A_2282 : vector<2xf32> to vector<2x1xf32>
    %lt3A_2284 = arith.cmpf olt, %broadcast_in_dim3A_2283, %sub3A_2268 : vector<2x1xf32>
    %select_n3A_2285 = arith.select %lt3A_2284, %or3A_2275, %broadcast_in_dim3A_2270 : vector<2x1xi1>, vector<2x1xi32>
    %shift_left3A_2286 = arith.constant 1 : i32
    %shift_left3A_2287 = arith.constant 9 : i32
    %shift_left3A_2288 = arith.shli %shift_left3A_2286, %shift_left3A_2287 : i32
    %or3A_2289 = vector.broadcast %shift_left3A_2288 : i32 to vector<2x1xi32>
    %or3A_2290 = arith.ori %select_n3A_2285, %or3A_2289 : vector<2x1xi32>
    %lt3A_2291 = vector.broadcast %or3A_2290 : vector<2x1xi32> to vector<2x2048xi32>
    %lt3A_2292 = arith.cmpi slt, %iota3A, %lt3A_2291 : vector<2x2048xi32>
    %and3A_2293 = arith.andi %eq3A_2267, %lt3A_2292 : vector<2x2048xi1>
    %convert_element_type3A_2294 = arith.extui %and3A_2293 : vector<2x2048xi1> to vector<2x2048xi32>
    %convert_element_type3A_2295 = arith.sitofp %convert_element_type3A_2294 : vector<2x2048xi32> to vector<2x2048xf32>
    %reduce_sum3A_2296 = arith.constant dense<0.000000e+00> : vector<2xf32>
    %reduce_sum3A_2297 = vector.multi_reduction <add>, %convert_element_type3A_2295, %reduce_sum3A_2296 [1] : vector<2x2048xf32> to vector<2xf32>
    %broadcast_in_dim3A_2298 = vector.shape_cast %reduce_sum3A_2297 : vector<2xf32> to vector<2x1xf32>
    %lt3A_2299 = arith.cmpf olt, %broadcast_in_dim3A_2298, %sub3A_2268 : vector<2x1xf32>
    %select_n3A_2300 = arith.select %lt3A_2299, %or3A_2290, %select_n3A_2285 : vector<2x1xi1>, vector<2x1xi32>
    %shift_left3A_2301 = arith.constant 1 : i32
    %shift_left3A_2302 = arith.constant 8 : i32
    %shift_left3A_2303 = arith.shli %shift_left3A_2301, %shift_left3A_2302 : i32
    %or3A_2304 = vector.broadcast %shift_left3A_2303 : i32 to vector<2x1xi32>
    %or3A_2305 = arith.ori %select_n3A_2300, %or3A_2304 : vector<2x1xi32>
    %lt3A_2306 = vector.broadcast %or3A_2305 : vector<2x1xi32> to vector<2x2048xi32>
    %lt3A_2307 = arith.cmpi slt, %iota3A, %lt3A_2306 : vector<2x2048xi32>
    %and3A_2308 = arith.andi %eq3A_2267, %lt3A_2307 : vector<2x2048xi1>
    %convert_element_type3A_2309 = arith.extui %and3A_2308 : vector<2x2048xi1> to vector<2x2048xi32>
    %convert_element_type3A_2310 = arith.sitofp %convert_element_type3A_2309 : vector<2x2048xi32> to vector<2x2048xf32>
    %reduce_sum3A_2311 = arith.constant dense<0.000000e+00> : vector<2xf32>
    %reduce_sum3A_2312 = vector.multi_reduction <add>, %convert_element_type3A_2310, %reduce_sum3A_2311 [1] : vector<2x2048xf32> to vector<2xf32>
    %broadcast_in_dim3A_2313 = vector.shape_cast %reduce_sum3A_2312 : vector<2xf32> to vector<2x1xf32>
    %lt3A_2314 = arith.cmpf olt, %broadcast_in_dim3A_2313, %sub3A_2268 : vector<2x1xf32>
    %select_n3A_2315 = arith.select %lt3A_2314, %or3A_2305, %select_n3A_2300 : vector<2x1xi1>, vector<2x1xi32>
    %shift_left3A_2316 = arith.constant 1 : i32
    %shift_left3A_2317 = arith.constant 7 : i32
    %shift_left3A_2318 = arith.shli %shift_left3A_2316, %shift_left3A_2317 : i32
    %or3A_2319 = vector.broadcast %shift_left3A_2318 : i32 to vector<2x1xi32>
    %or3A_2320 = arith.ori %select_n3A_2315, %or3A_2319 : vector<2x1xi32>
    %lt3A_2321 = vector.broadcast %or3A_2320 : vector<2x1xi32> to vector<2x2048xi32>
    %lt3A_2322 = arith.cmpi slt, %iota3A, %lt3A_2321 : vector<2x2048xi32>
    %and3A_2323 = arith.andi %eq3A_2267, %lt3A_2322 : vector<2x2048xi1>
    %convert_element_type3A_2324 = arith.extui %and3A_2323 : vector<2x2048xi1> to vector<2x2048xi32>
    %convert_element_type3A_2325 = arith.sitofp %convert_element_type3A_2324 : vector<2x2048xi32> to vector<2x2048xf32>
    %reduce_sum3A_2326 = arith.constant dense<0.000000e+00> : vector<2xf32>
    %reduce_sum3A_2327 = vector.multi_reduction <add>, %convert_element_type3A_2325, %reduce_sum3A_2326 [1] : vector<2x2048xf32> to vector<2xf32>
    %broadcast_in_dim3A_2328 = vector.shape_cast %reduce_sum3A_2327 : vector<2xf32> to vector<2x1xf32>
    %lt3A_2329 = arith.cmpf olt, %broadcast_in_dim3A_2328, %sub3A_2268 : vector<2x1xf32>
    %select_n3A_2330 = arith.select %lt3A_2329, %or3A_2320, %select_n3A_2315 : vector<2x1xi1>, vector<2x1xi32>
    %shift_left3A_2331 = arith.constant 1 : i32
    %shift_left3A_2332 = arith.constant 6 : i32
    %shift_left3A_2333 = arith.shli %shift_left3A_2331, %shift_left3A_2332 : i32
    %or3A_2334 = vector.broadcast %shift_left3A_2333 : i32 to vector<2x1xi32>
    %or3A_2335 = arith.ori %select_n3A_2330, %or3A_2334 : vector<2x1xi32>
    %lt3A_2336 = vector.broadcast %or3A_2335 : vector<2x1xi32> to vector<2x2048xi32>
    %lt3A_2337 = arith.cmpi slt, %iota3A, %lt3A_2336 : vector<2x2048xi32>
    %and3A_2338 = arith.andi %eq3A_2267, %lt3A_2337 : vector<2x2048xi1>
    %convert_element_type3A_2339 = arith.extui %and3A_2338 : vector<2x2048xi1> to vector<2x2048xi32>
    %convert_element_type3A_2340 = arith.sitofp %convert_element_type3A_2339 : vector<2x2048xi32> to vector<2x2048xf32>
    %reduce_sum3A_2341 = arith.constant dense<0.000000e+00> : vector<2xf32>
    %reduce_sum3A_2342 = vector.multi_reduction <add>, %convert_element_type3A_2340, %reduce_sum3A_2341 [1] : vector<2x2048xf32> to vector<2xf32>
    %broadcast_in_dim3A_2343 = vector.shape_cast %reduce_sum3A_2342 : vector<2xf32> to vector<2x1xf32>
    %lt3A_2344 = arith.cmpf olt, %broadcast_in_dim3A_2343, %sub3A_2268 : vector<2x1xf32>
    %select_n3A_2345 = arith.select %lt3A_2344, %or3A_2335, %select_n3A_2330 : vector<2x1xi1>, vector<2x1xi32>
    %shift_left3A_2346 = arith.constant 1 : i32
    %shift_left3A_2347 = arith.constant 5 : i32
    %shift_left3A_2348 = arith.shli %shift_left3A_2346, %shift_left3A_2347 : i32
    %or3A_2349 = vector.broadcast %shift_left3A_2348 : i32 to vector<2x1xi32>
    %or3A_2350 = arith.ori %select_n3A_2345, %or3A_2349 : vector<2x1xi32>
    %lt3A_2351 = vector.broadcast %or3A_2350 : vector<2x1xi32> to vector<2x2048xi32>
    %lt3A_2352 = arith.cmpi slt, %iota3A, %lt3A_2351 : vector<2x2048xi32>
    %and3A_2353 = arith.andi %eq3A_2267, %lt3A_2352 : vector<2x2048xi1>
    %convert_element_type3A_2354 = arith.extui %and3A_2353 : vector<2x2048xi1> to vector<2x2048xi32>
    %convert_element_type3A_2355 = arith.sitofp %convert_element_type3A_2354 : vector<2x2048xi32> to vector<2x2048xf32>
    %reduce_sum3A_2356 = arith.constant dense<0.000000e+00> : vector<2xf32>
    %reduce_sum3A_2357 = vector.multi_reduction <add>, %convert_element_type3A_2355, %reduce_sum3A_2356 [1] : vector<2x2048xf32> to vector<2xf32>
    %broadcast_in_dim3A_2358 = vector.shape_cast %reduce_sum3A_2357 : vector<2xf32> to vector<2x1xf32>
    %lt3A_2359 = arith.cmpf olt, %broadcast_in_dim3A_2358, %sub3A_2268 : vector<2x1xf32>
    %select_n3A_2360 = arith.select %lt3A_2359, %or3A_2350, %select_n3A_2345 : vector<2x1xi1>, vector<2x1xi32>
    %shift_left3A_2361 = arith.constant 1 : i32
    %shift_left3A_2362 = arith.constant 4 : i32
    %shift_left3A_2363 = arith.shli %shift_left3A_2361, %shift_left3A_2362 : i32
    %or3A_2364 = vector.broadcast %shift_left3A_2363 : i32 to vector<2x1xi32>
    %or3A_2365 = arith.ori %select_n3A_2360, %or3A_2364 : vector<2x1xi32>
    %lt3A_2366 = vector.broadcast %or3A_2365 : vector<2x1xi32> to vector<2x2048xi32>
    %lt3A_2367 = arith.cmpi slt, %iota3A, %lt3A_2366 : vector<2x2048xi32>
    %and3A_2368 = arith.andi %eq3A_2267, %lt3A_2367 : vector<2x2048xi1>
    %convert_element_type3A_2369 = arith.extui %and3A_2368 : vector<2x2048xi1> to vector<2x2048xi32>
    %convert_element_type3A_2370 = arith.sitofp %convert_element_type3A_2369 : vector<2x2048xi32> to vector<2x2048xf32>
    %reduce_sum3A_2371 = arith.constant dense<0.000000e+00> : vector<2xf32>
    %reduce_sum3A_2372 = vector.multi_reduction <add>, %convert_element_type3A_2370, %reduce_sum3A_2371 [1] : vector<2x2048xf32> to vector<2xf32>
    %broadcast_in_dim3A_2373 = vector.shape_cast %reduce_sum3A_2372 : vector<2xf32> to vector<2x1xf32>
    %lt3A_2374 = arith.cmpf olt, %broadcast_in_dim3A_2373, %sub3A_2268 : vector<2x1xf32>
    %select_n3A_2375 = arith.select %lt3A_2374, %or3A_2365, %select_n3A_2360 : vector<2x1xi1>, vector<2x1xi32>
    %shift_left3A_2376 = arith.constant 1 : i32
    %shift_left3A_2377 = arith.constant 3 : i32
    %shift_left3A_2378 = arith.shli %shift_left3A_2376, %shift_left3A_2377 : i32
    %or3A_2379 = vector.broadcast %shift_left3A_2378 : i32 to vector<2x1xi32>
    %or3A_2380 = arith.ori %select_n3A_2375, %or3A_2379 : vector<2x1xi32>
    %lt3A_2381 = vector.broadcast %or3A_2380 : vector<2x1xi32> to vector<2x2048xi32>
    %lt3A_2382 = arith.cmpi slt, %iota3A, %lt3A_2381 : vector<2x2048xi32>
    %and3A_2383 = arith.andi %eq3A_2267, %lt3A_2382 : vector<2x2048xi1>
    %convert_element_type3A_2384 = arith.extui %and3A_2383 : vector<2x2048xi1> to vector<2x2048xi32>
    %convert_element_type3A_2385 = arith.sitofp %convert_element_type3A_2384 : vector<2x2048xi32> to vector<2x2048xf32>
    %reduce_sum3A_2386 = arith.constant dense<0.000000e+00> : vector<2xf32>
    %reduce_sum3A_2387 = vector.multi_reduction <add>, %convert_element_type3A_2385, %reduce_sum3A_2386 [1] : vector<2x2048xf32> to vector<2xf32>
    %broadcast_in_dim3A_2388 = vector.shape_cast %reduce_sum3A_2387 : vector<2xf32> to vector<2x1xf32>
    %lt3A_2389 = arith.cmpf olt, %broadcast_in_dim3A_2388, %sub3A_2268 : vector<2x1xf32>
    %select_n3A_2390 = arith.select %lt3A_2389, %or3A_2380, %select_n3A_2375 : vector<2x1xi1>, vector<2x1xi32>
    %shift_left3A_2391 = arith.constant 1 : i32
    %shift_left3A_2392 = arith.constant 2 : i32
    %shift_left3A_2393 = arith.shli %shift_left3A_2391, %shift_left3A_2392 : i32
    %or3A_2394 = vector.broadcast %shift_left3A_2393 : i32 to vector<2x1xi32>
    %or3A_2395 = arith.ori %select_n3A_2390, %or3A_2394 : vector<2x1xi32>
    %lt3A_2396 = vector.broadcast %or3A_2395 : vector<2x1xi32> to vector<2x2048xi32>
    %lt3A_2397 = arith.cmpi slt, %iota3A, %lt3A_2396 : vector<2x2048xi32>
    %and3A_2398 = arith.andi %eq3A_2267, %lt3A_2397 : vector<2x2048xi1>
    %convert_element_type3A_2399 = arith.extui %and3A_2398 : vector<2x2048xi1> to vector<2x2048xi32>
    %convert_element_type3A_2400 = arith.sitofp %convert_element_type3A_2399 : vector<2x2048xi32> to vector<2x2048xf32>
    %reduce_sum3A_2401 = arith.constant dense<0.000000e+00> : vector<2xf32>
    %reduce_sum3A_2402 = vector.multi_reduction <add>, %convert_element_type3A_2400, %reduce_sum3A_2401 [1] : vector<2x2048xf32> to vector<2xf32>
    %broadcast_in_dim3A_2403 = vector.shape_cast %reduce_sum3A_2402 : vector<2xf32> to vector<2x1xf32>
    %lt3A_2404 = arith.cmpf olt, %broadcast_in_dim3A_2403, %sub3A_2268 : vector<2x1xf32>
    %select_n3A_2405 = arith.select %lt3A_2404, %or3A_2395, %select_n3A_2390 : vector<2x1xi1>, vector<2x1xi32>
    %shift_left3A_2406 = arith.constant 1 : i32
    %shift_left3A_2407 = arith.constant 1 : i32
    %shift_left3A_2408 = arith.shli %shift_left3A_2406, %shift_left3A_2407 : i32
    %or3A_2409 = vector.broadcast %shift_left3A_2408 : i32 to vector<2x1xi32>
    %or3A_2410 = arith.ori %select_n3A_2405, %or3A_2409 : vector<2x1xi32>
    %lt3A_2411 = vector.broadcast %or3A_2410 : vector<2x1xi32> to vector<2x2048xi32>
    %lt3A_2412 = arith.cmpi slt, %iota3A, %lt3A_2411 : vector<2x2048xi32>
    %and3A_2413 = arith.andi %eq3A_2267, %lt3A_2412 : vector<2x2048xi1>
    %convert_element_type3A_2414 = arith.extui %and3A_2413 : vector<2x2048xi1> to vector<2x2048xi32>
    %convert_element_type3A_2415 = arith.sitofp %convert_element_type3A_2414 : vector<2x2048xi32> to vector<2x2048xf32>
    %reduce_sum3A_2416 = arith.constant dense<0.000000e+00> : vector<2xf32>
    %reduce_sum3A_2417 = vector.multi_reduction <add>, %convert_element_type3A_2415, %reduce_sum3A_2416 [1] : vector<2x2048xf32> to vector<2xf32>
    %broadcast_in_dim3A_2418 = vector.shape_cast %reduce_sum3A_2417 : vector<2xf32> to vector<2x1xf32>
    %lt3A_2419 = arith.cmpf olt, %broadcast_in_dim3A_2418, %sub3A_2268 : vector<2x1xf32>
    %select_n3A_2420 = arith.select %lt3A_2419, %or3A_2410, %select_n3A_2405 : vector<2x1xi1>, vector<2x1xi32>
    %shift_left3A_2421 = arith.constant 1 : i32
    %shift_left3A_2422 = arith.constant 0 : i32
    %shift_left3A_2423 = arith.shli %shift_left3A_2421, %shift_left3A_2422 : i32
    %or3A_2424 = vector.broadcast %shift_left3A_2423 : i32 to vector<2x1xi32>
    %or3A_2425 = arith.ori %select_n3A_2420, %or3A_2424 : vector<2x1xi32>
    %lt3A_2426 = vector.broadcast %or3A_2425 : vector<2x1xi32> to vector<2x2048xi32>
    %lt3A_2427 = arith.cmpi slt, %iota3A, %lt3A_2426 : vector<2x2048xi32>
    %and3A_2428 = arith.andi %eq3A_2267, %lt3A_2427 : vector<2x2048xi1>
    %convert_element_type3A_2429 = arith.extui %and3A_2428 : vector<2x2048xi1> to vector<2x2048xi32>
    %convert_element_type3A_2430 = arith.sitofp %convert_element_type3A_2429 : vector<2x2048xi32> to vector<2x2048xf32>
    %reduce_sum3A_2431 = arith.constant dense<0.000000e+00> : vector<2xf32>
    %reduce_sum3A_2432 = vector.multi_reduction <add>, %convert_element_type3A_2430, %reduce_sum3A_2431 [1] : vector<2x2048xf32> to vector<2xf32>
    %broadcast_in_dim3A_2433 = vector.shape_cast %reduce_sum3A_2432 : vector<2xf32> to vector<2x1xf32>
    %lt3A_2434 = arith.cmpf olt, %broadcast_in_dim3A_2433, %sub3A_2268 : vector<2x1xf32>
    %select_n3A_2435 = arith.select %lt3A_2434, %or3A_2425, %select_n3A_2420 : vector<2x1xi1>, vector<2x1xi32>
    %le3A_2436 = vector.broadcast %select_n3A_2435 : vector<2x1xi32> to vector<2x2048xi32>
    %le3A_2437 = arith.cmpi sle, %iota3A, %le3A_2436 : vector<2x2048xi32>
    %and3A_2438 = arith.andi %eq3A_2267, %le3A_2437 : vector<2x2048xi1>
    %or3A_2439 = arith.ori %gt3A_2260, %and3A_2438 : vector<2x2048xi1>
    %or3A_2440 = arith.ori %and3A_1666, %or3A_2439 : vector<2x2048xi1>
    %convert_element_type3A_2441 = arith.extui %or3A_2440 : vector<2x2048xi1> to vector<2x2048xi32>
    %convert_element_type3A_2442 = arith.sitofp %convert_element_type3A_2441 : vector<2x2048xi32> to vector<2x2048xf32>
    %mul3A_2443 = arith.mulf %convert_element_type3A_2442, %sub3A_1654 : vector<2x2048xf32>
    %reduce_sum3A_2444 = vector.shape_cast %mul3A_2443 : vector<2x2048xf32> to vector<1x2x2048xf32>
    %reduce_sum3A_2445 = arith.constant dense<0.000000e+00> : vector<1xf32>
    %reduce_sum3A_2446 = vector.multi_reduction <add>, %reduce_sum3A_2444, %reduce_sum3A_2445 [1, 2] : vector<1x2x2048xf32> to vector<1xf32>
    %reduce_sum3A_2447 = vector.shape_cast %reduce_sum3A_2446 : vector<1xf32> to vector<1x1x1xf32>
    %reduce_sum3A_2448 = vector.extract %reduce_sum3A_2447[0, 0, 0] : f32 from vector<1x1x1xf32>
    %add3A_2449 = arith.addf %add3A_1628, %reduce_sum3A_2448 : f32
    %reduce_sum3A_2450 = vector.shape_cast %convert_element_type3A_2442 : vector<2x2048xf32> to vector<1x2x2048xf32>
    %reduce_sum3A_2451 = arith.constant dense<0.000000e+00> : vector<1xf32>
    %reduce_sum3A_2452 = vector.multi_reduction <add>, %reduce_sum3A_2450, %reduce_sum3A_2451 [1, 2] : vector<1x2x2048xf32> to vector<1xf32>
    %reduce_sum3A_2453 = vector.shape_cast %reduce_sum3A_2452 : vector<1xf32> to vector<1x1x1xf32>
    %reduce_sum3A_2454 = vector.extract %reduce_sum3A_2453[0, 0, 0] : f32 from vector<1x1x1xf32>
    %add3A_2455 = arith.addf %add3A_1634, %reduce_sum3A_2454 : f32
    %eq3A_2456 = arith.constant 0.000000e+00 : f32
    %eq3A_2457 = arith.cmpf oeq, %add3A_2455, %eq3A_2456 : f32
    %max3A_2458 = arith.constant 1.000000e+00 : f32
    %max3A_2459 = arith.maximumf %add3A_2455, %max3A_2458 : f32
    %div3A = arith.divf %add3A_2449, %max3A_2459 : f32
    %jit3A_2460 = arith.constant 0.000000e+00 : f32
    %select_n3A_2461 = arith.select %eq3A_2457, %jit3A_2460, %div3A : f32
    %broadcast_in_dim3A_2462 = vector.broadcast %select_n3A_2461 : f32 to vector<1x1xf32>
    %swap3A = arith.constant 0 : index
    %swap3A_2463 = arith.constant 0 : index
    %swap3A_2464 = vector.load %arg5[%swap3A, %swap3A_2463] : memref<1x1xf32, #tpu.memory_space<vmem>>, vector<1x1xf32>
    tpu.vector_store %arg5[%swap3A, %swap3A_2463], %broadcast_in_dim3A_2462 {strides = array<i32>} : memref<1x1xf32, #tpu.memory_space<vmem>>, vector<1x1xf32>,
    return
  }
}

</mosaic_0001>

<sc_bundles>
// kernel: kernel.5.cloned.1.call-start
scs
__scs_entry_jumppad:
0x0: {  	(pc) =	sbr.rel $0x88, $3  }
0x1: {  	(tag) =	ssettag $0x0;
	lr =	simm.s32 $0x1  }
0x2: {  	[smem:$0x3F9D] =	sst lr;
	_ =	strace $0xD0000000  }
0x3: {  	_ = 	snop  }
0x4: {  	_ = 	snop  }
0x5: {  	_ = 	snop  }
0x6: {  	_ = 	snop  }
0x7: {  	_ = 	snop  }
__scs_overlays_trampoline_lowered:
0x8: {  	[smem:$0x3FAC] =	sst s0  }
0x9: {  	[smem:$0x3FAD] =	sst s1  }
0xa: {  	[smem:$0x3FAE] =	sst s2  }
0xb: {  	[smem:$0x3FAF] =	sst s3  }
0xc: {  	[smem:$0x3FB0] =	sst s4  }
0xd: {  	[smem:$0x3FB1] =	sst s5  }
0xe: {  	[smem:$0x3FB2] =	sst s6  }
0xf: {  	[smem:$0x3FB3] =	sst s7  }
0x10: {  	[smem:$0x3FB4] =	sst s8  }
0x11: {  	[smem:$0x3FB5] =	sst s9;
	s0 =	simm.s32 @!p0 $0x0  }
0x12: {  	s1 =	sld [smem:$0x3F9B];
	s0 =	simm.s32 @p0 $0x1  }
0x13: {  	[smem:$0x3FB6] =	sst s0;
	s0 =	simm.s32 @!p1 $0x0  }
0x14: {  	s2 =	sld [smem:$0x3F9A];
	s0 =	simm.s32 @p1 $0x1  }
0x15: {  	[smem:$0x3FB7] =	sst s0;
	s0 =	simm.s32 @!p2 $0x0  }
0x16: {  	s3 =	sld [smem:$0x3FDB];
	s0 =	simm.s32 @p2 $0x1  }
0x17: {  	s4 =	simm.s32 $0x1BF5;
	[smem:$0x3FB9] =	sst s0  }
0x18: {  	s0 =	sld [smem:$0x3F9C];
	_ =	swait.ge [sflag:s4], $0x0  }
0x19: {  	s7 =	sld [smem:$0x3F9D]  }
0x1a: {  	s8 =	sadd.s32 $0xFFFFE003, lr  }
0x1b: {  	s9 =	sadd.s32 $0xFFFFFEF7, lr;
	s5 =	simm.s32 $0xFFFFFFFF;
	p2 =	slt.u32 s8, $0xFFFFF086  }
0x1c: {  	p1 =	slt.u32 s9, $0xF7A;
	s5 =	simm.s32 @!p2 $0x0  }
0x1d: {  	s5 =	simm.s32 @p1 $0x1;
	p0 =	seq.s32 s7, s2  }
0x1e: {  	s7 =	smul.u32 @!p0 $0xF7A, s2;
	p2 =	seq.s32 @!p0 s5, $0x0  }
0x1f: {  	s9 =	smul.u32 $0xF7A, s1;
	s8 =	simm.s32 @!p0 $0x1BF5;
	p2 =	por !p2, p0  }
0x20: {  	[sflag:s8] =	ssyncset.s32 @!p0 $0xFFFFF086;
	s6 =	sadd.s32 @!p0 s3, s7;
	s7 =	simm.s32 @!p0 $0x108  }
0x21: {  	s3 =	sadd.s32 s3, s9;
	s6 =	sadd.s32 @!p0 $0x88, s6;
	s7 =	simm.s32 @p2 $0x1082  }
0x22: {  	[simem:s7], [sflag:s8] =	dma.local @!p0 [hbm:s6], $0xF7A  }
0x23: {  	s9 =	sor.u32 $0xD0000000, s2;
	s6 =	simm.s32 $0x108;
	_ =	swait.ge @!p0 [sflag:s8], $0x0  }
0x24: {  	s3 =	sadd.s32 $0x88, s3;
	s6 =	simm.s32 @!p1 $0x1082;
	[sflag:s4] =	ssyncset.s32 $0xFFFFF086  }
0x25: {  	[simem:s6], [sflag:s4] =	dma.local [hbm:s3], $0xF7A  }
0x26: {  	[smem:$0x3F9D] =	sst s1;
	(tag) =	ssettag s2;
	_ =	strace s9  }
0x27: {  	s1 =	sld [smem:$0x3FAD]  }
0x28: {  	s2 =	sld [smem:$0x3FAE]  }
0x29: {  	s4 =	sld [smem:$0x3FB0]  }
0x2a: {  	p0 =	seq.s32 s5, $0x0;
	s5 =	sld [smem:$0x3FB1]  }
0x2b: {  	s6 =	sld [smem:$0x3FB2]  }
0x2c: {  	s7 =	sld [smem:$0x3FB3]  }
0x2d: {  	s3 =	simm.s32 $0x108;
	s8 =	sld [smem:$0x3FB4]  }
0x2e: {  	s3 =	simm.s32 @!p0 $0x1082;
	s9 =	sld [smem:$0x3FB5]  }
0x2f: {  	lr =	sadd.s32 s0, s3;
	s0 =	sld [smem:$0x3FAC]  }
0x30: {  	s3 =	sld [smem:$0x3FAF]  }
0x31: {  	[smem:$0x3FB8] =	sst s10  }
0x32: {  	s10 =	sld [smem:$0x3FB6];
	_ =	sdelay $0x3  }
0x33: {  	p0 =	seq.s32 s10, $0x1;
	s10 =	sld [smem:$0x3FB8];
	_ =	sdelay $0x3  }
0x34: {  	[smem:$0x3FB8] =	sst s10  }
0x35: {  	s10 =	sld [smem:$0x3FB7];
	_ =	sdelay $0x3  }
0x36: {  	p1 =	seq.s32 s10, $0x1;
	s10 =	sld [smem:$0x3FB8];
	_ =	sdelay $0x3  }
0x37: {  	[smem:$0x3FB8] =	sst s10  }
0x38: {  	s10 =	sld [smem:$0x3FB9]  }
0x39: {  	_ = 	snop;
	(pc) =	sbr.ind lr, $3  }
0x3a: {  	_ = 	snop  }
0x3b: {  	_ = 	snop  }
0x3c: {  	p2 =	seq.s32 s10, $0x1;
	s10 =	sld [smem:$0x3FB8]  }
0x3d: {  	_ =	shalt  }
0x3e: {  	_ =	shalt  }
0x3f: {  	_ =	shalt  }
0x40: {  	_ =	shalt  }
0x41: {  	_ =	shalt  }
0x42: {  	_ =	shalt  }
0x43: {  	_ =	shalt  }
0x44: {  	_ =	shalt  }
0x45: {  	_ =	shalt  }
0x46: {  	_ =	shalt  }
0x47: {  	_ =	shalt  }
0x48: {  	_ =	shalt  }
0x49: {  	_ =	shalt  }
0x4a: {  	_ =	shalt  }
0x4b: {  	_ =	shalt  }
0x4c: {  	_ =	shalt  }
0x4d: {  	_ =	shalt  }
0x4e: {  	_ =	shalt  }
0x4f: {  	_ =	shalt  }
0x50: {  	_ =	shalt  }
0x51: {  	_ =	shalt  }
0x52: {  	_ =	shalt  }
0x53: {  	_ =	shalt  }
0x54: {  	_ =	shalt  }
0x55: {  	_ =	shalt  }
0x56: {  	_ =	shalt  }
0x57: {  	_ =	shalt  }
0x58: {  	_ =	shalt  }
0x59: {  	_ =	shalt  }
0x5a: {  	_ =	shalt  }
0x5b: {  	_ =	shalt  }
0x5c: {  	_ =	shalt  }
0x5d: {  	_ =	shalt  }
0x5e: {  	_ =	shalt  }
0x5f: {  	_ =	shalt  }
0x60: {  	_ =	shalt  }
0x61: {  	_ =	shalt  }
0x62: {  	_ =	shalt  }
0x63: {  	_ =	shalt  }
0x64: {  	_ =	shalt  }
0x65: {  	_ =	shalt  }
0x66: {  	_ =	shalt  }
0x67: {  	_ =	shalt  }
0x68: {  	_ =	shalt  }
0x69: {  	_ =	shalt  }
0x6a: {  	_ =	shalt  }
0x6b: {  	_ =	shalt  }
0x6c: {  	_ =	shalt  }
0x6d: {  	_ =	shalt  }
0x6e: {  	_ =	shalt  }
0x6f: {  	_ =	shalt  }
0x70: {  	_ =	shalt  }
0x71: {  	_ =	shalt  }
0x72: {  	_ =	shalt  }
0x73: {  	_ =	shalt  }
0x74: {  	_ =	shalt  }
0x75: {  	_ =	shalt  }
0x76: {  	_ =	shalt  }
0x77: {  	_ =	shalt  }
0x78: {  	_ =	shalt  }
0x79: {  	_ =	shalt  }
0x7a: {  	_ =	shalt  }
0x7b: {  	_ =	shalt  }
0x7c: {  	_ =	shalt  }
0x7d: {  	_ =	shalt  }
0x7e: {  	_ =	shalt  }
0x7f: {  	_ =	shalt  }
0x80: {  	_ =	shalt  }
0x81: {  	_ =	shalt  }
0x82: {  	_ =	shalt  }
0x83: {  	_ =	shalt  }
0x84: {  	_ =	shalt  }
0x85: {  	_ =	shalt  }
0x86: {  	_ =	shalt  }
0x87: {  	_ =	shalt  }
.Lfunc_end0:
.L_simem_size_0:
called_computation.3_lowered:
.L_overlay_start_0:
0x88: {  	s2 =	sld [smem:$0x3FD9]  }
0x89: {  	s3 =	sld [smem:$0x3FFE];
	_ =	sdelay $0x1  }
0x8a: {  	s1 =	srdreg.scid  }
0x8b: {  	s0 =	sand.u32 $0x1, s1  }
0x8c: {  	s16 =	sshll.u32 s0, $0xA;
	s2 =	sadd.s32 s3, s2  }
0x8d: {  	s2 =	sadd.s32 s2, s16  }
0x8e: {  	[smem:$0x3FC4] =	sst s2  }
0x8f: {  	_ = 	snop  }
0x90: {  	(tm) =	ssettm $0x1  }
0x91: {  	s17 =	sld [smem:$0x3FFB];
	_ =	sdelay $0x3  }
0x92: {  	_ =	strace s17  }
0x93: {  	s2 =	sld [smem:$0x3FFC];
	_ =	sdelay $0x3  }
0x94: {  	_ =	strace s2  }
0x95: {  	s2 =	sld [smem:$0x3FFD];
	_ =	sdelay $0x3  }
0x96: {  	_ =	strace s2  }
0x97: {  	_ =	strace $0x8FFFFFFF  }
0x98: {  	s18 =	sld [smem:$0x3FDB];
	_ =	sdelay $0x1  }
0x99: {  	s19 =	simm.s32 $_scs_section_size  }
0x9a: {  	s4 =	simm.s32 $_size__tile_overlayer_lowered;
	s5 =	simm.s32 $_tile_overlayer_lowered  }
0x9b: {  	s22 =	simm.s32 $0x1BFF;
	s21 =	sshll.u32 s5, $0x1;
	s2 =	sadd.s32 s19, s18  }
0x9c: {  	s6 =	simm.s32 $0x0;
	s20 =	sshll.u32 s4, $0x1;
	s4 =	sadd.s32 s21, s2  }
0x9d: {  	[timem:s6], [sflag:s22] =	dma.local [hbm:s4], s20  }
0x9e: {  	_ =	swait.ge [sflag:s22], s20  }
0x9f: {  	s3 =	ssub.s32 $0x0, s20;
	[sflag:s22] =	ssyncset.done $0x0  }
0xa0: {  	[sflag:s22] =	ssyncadd.s32 s3;
	_ =	sdelay $0x1  }
0xa1: {  	s23 =	simm.s32 $0x1B8B  }
0xa2: {  	_ =	swait.ge [sflag:s23], $0x1  }
0xa3: {  	[sflag:s23] =	ssyncset.done $0x0  }
0xa4: {  	s25 =	simm.s32 $0x1B8E;
	s24 =	sld [smem:$0x3FFE];
	[sflag:s23] =	ssyncadd.s32 $0xFFFFFFFF  }
0xa5: {  	s26 =	simm.s32 $execute0_lowered;
	[smem:$0x3FD2] =	sst s25  }
0xa6: {  	s4 =	sshll.u32 s26, $0x1;
	_ =	strace $0x8000004F;
	[dreg:$0x1] =	wrdreg $0xFFFFFFFF  }
0xa7: {  	s28 =	simm.s32 $_size_execute0_lowered;
	s2 =	sadd.s32 s2, s4;
	[dreg:$0x0] =	wrdreg $0x0  }
0xa8: {  	s4 =	sshll.u32 s28, $0x1;
	[dreg:$0x2] =	wrdreg s2  }
0xa9: {  	[dreg:$0x3] =	wrdreg s4  }
0xaa: {  	[dreg:$0x4] =	wrdreg $0xC0  }
0xab: {  	_ =	task [dreg:s6], $0x5FFFF  }
0xac: {  	[dreg:$0x1] =	wrdreg $0xFFFFFFFF  }
0xad: {  	[dreg:$0x0] =	wrdreg $0x60  }
0xae: {  	[dreg:$0x2] =	wrdreg s24  }
0xaf: {  	[dreg:$0x3] =	wrdreg $0x9  }
0xb0: {  	_ =	task.clear_ibuf [dreg:s6], $0x4FFFF;
	_ =	strace $0x9000004F  }
0xb1: {  	s29 =	simm.s32 $0x9;
	_ =	strace $0x80000051  }
0xb2: {  	_ =	swait.ge [sflag:s29], $0x1  }
0xb3: {  	[sflag:s29] =	ssyncadd.s32 $0xFFFFFFFF  }
0xb4: {  	_ =	strace $0x90000051  }
0xb5: {  	_ =	sfence  }
0xb6: {  	s30 =	sld [smem:$0x0];
	_ =	sdelay $0x2  }
0xb7: {  	s31 =	sshll.u32 s1, $0xD;
	s1 =	sshrl.u32 s1, $0x2  }
0xb8: {  	s3 =	sand.u32 $0x4000, s31;
	s1 =	sadd.s32 s1, s30  }
0xb9: {  	s0 =	sor.u32 s3, s0;
	s1 =	sshll.u32 s1, $0x11  }
0xba: {  	s0 =	sor.u32 s1, s0  }
0xbb: {  	s0 =	sadd.s32 $0x8F2B, s0  }
0xbc: {  	[sflag:s0] =	ssyncadd.remote.s32 $0x1  }
0xbd: {  	_ =	sfence.sel $0xFFFF  }
0xbe: {  	[dreg:$0x0] =	wrdreg $0xFFFFFFFF;
	(pc) =	sbr.abs _section_cstart, $3  }
0xbf: {  	[dreg:$0x1] =	wrdreg $0xFFFFFFFF  }
0xc0: {  	_ =	task.clear_ibuf [dreg:s6], $0x2FFFF;
	_ =	strace $0x9FFFFFFF  }
0xc1: {  	(tm) =	ssettm $0x7FFFFFFF  }
tec
execute0_lowered:
.L_overlay_start_1:
0x0: {  	(tag) =	ssettag $0x1  }
0x1: {  	s1 =	srdreg.scid  }
0x2: {  	s0 =	stileid.u32;
	s11 =	sand.u32 $0x1, s1  }
0x3: {  	s28 =	sshll.u32 s0, $0x8;
	s2 =	sshll.u32 s11, $0x7  }
0x4: {  	s12 =	rddreg [dreg:$0x0];
	s5 =	sor.u32 s2, s28  }
0x5: {  	s1 =	rddreg [dreg:$0x1];
	s2 =	simm.s32 $0x0;
	s3 =	sshrl.u32 s5, $0x3  }
0x6: {  	[smem:$0x7FF] =	sst s2;
	s14 =	sadd.s32 s3, s12  }
0x7: {  	_ =	strace $0x80000050;
	s3 =	simm.s32 $0x2;
	s4 =	sadd.s32 $0x600A00, s14  }
0x8: {  	[tilespmem:s2], [sflag:$0x2] =	stream.linear.gather [hbm4b:s4+s2], $0x80, $0x38;
	[tilespmem:$0x180] =	vst v63  }
0x9: {  	_ =	swait.ge [sflag:s3], $0x80  }
0xa: {  	[sflag:s3] =	ssyncset.done $0x0  }
0xb: {  	[sflag:s3] =	ssyncadd.s32 $0xFFFFFF80  }
0xc: {  	v0 =	vlaneseq.u32;
	s6 =	sor.u32 $0x10, s5;
	v2 =	vld [tilespmem:$0x70]  }
0xd: {  	v7 =	vmul.u32 $0x1000, v0;
	v6 =	vmov s5;
	s29 =	sor.u32 $0x20, s5;
	s7 =	sor.u32 $0x70, s5;
	v0 =	vmov s6;
	v3 =	vld [tilespmem:$0x60]  }
0xe: {  	s30 =	sor.u32 $0x30, s5;
	s8 =	sor.u32 $0x60, s5;
	v4 =	vmov s29;
	v5 =	vshll.u32 v0, $0xC;
	v0 =	vmov s7;
	v12 =	vld [tilespmem:$0x20]  }
0xf: {  	s31 =	sor.u32 $0x50, s5;
	v9 =	vmov s30;
	v1 =	vmov s8;
	v0 =	vshll.u32 v0, $0xC;
	v8 =	vld [tilespmem:$0x50]  }
0x10: {  	v11 =	vmov s31;
	v1 =	vshll.u32 v1, $0xC;
	v0 =	vor.u32 v7, v0;
	v10 =	vld [tilespmem:$0x30]  }
0x11: {  	v4 =	vshll.u32 v4, $0xC;
	v1 =	vor.u32 v7, v1;
	v13 =	vld [tilespmem:$0x10];
	v14 =	vadd.s32 v0, v2  }
0x12: {  	v11 =	vshll.u32 v11, $0xC;
	v4 =	vor.u32 v7, v4;
	v60 =	vld [tilespmem:$0x40];
	v15 =	vadd.s32 v1, v3;
	[tilespmem:$0xF0] =	vst v14  }
0x13: {  	s5 =	sor.u32 $0x40, s5;
	v9 =	vshll.u32 v9, $0xC;
	v61 =	vld [tilespmem:$0x0];
	v2 =	vor.u32 v7, v11;
	v12 =	vadd.s32 v4, v12;
	[tilespmem:$0xE0] =	vst v15  }
0x14: {  	v62 =	vmov s5;
	v3 =	vor.u32 v7, v9;
	v8 =	vadd.s32 v2, v8;
	[tilespmem:$0xA0] =	vst v12  }
0x15: {  	v5 =	vor.u32 v7, v5;
	v10 =	vadd.s32 v3, v10;
	[tilespmem:$0xD0] =	vst v8;
	v8 =	vshll.u32 v62, $0xC  }
0x16: {  	v63 =	vshll.u32 v6, $0xC;
	[tilespmem:$0xB0] =	vst v10;
	v6 =	vor.u32 v7, v8;
	v8 =	vadd.s32 v5, v13  }
0x17: {  	v7 =	vor.u32 v7, v63;
	[tilespmem:$0x90] =	vst v8;
	v8 =	vadd.s32 v6, v60  }
0x18: {  	s6 =	sadd.s32 $0xA00, s12;
	v9 =	vadd.s32 v7, v61;
	[tilespmem:$0xC0] =	vst v8  }
0x19: {  	s8 =	simm.s32 $0x80;
	s5 =	simm.s32 $0x100;
	s7 =	simm.s32 $0x1;
	[tilespmem:$0x80] =	vst v9  }
0x1a: {  	[tilespmem:s5], [sflag:$0x1] =	stream.indirect.gather [hbm4b:s6+s8], $0x1, s8, s8, $0xb8;
	[tilespmem:$0x180] =	vst v63  }
0x1b: {  	_ =	swait.ge [sflag:s7], $0x80  }
0x1c: {  	[sflag:s7] =	ssyncset.done $0x0  }
0x1d: {  	s9 =	sadd.s32 $0x600C00, s14;
	[sflag:s7] =	ssyncadd.s32 $0xFFFFFF80  }
0x1e: {  	[hbm4b:s9+s2] =	stream.linear.scatter [tilespmem:s5], [sflag:$0x2], $0x80, $0x38;
	[tilespmem:$0x180] =	vst v63  }
0x1f: {  	s11 =	ssub.s32 $0x2, s11;
	_ =	swait.ge [sflag:s3], $0x80  }
0x20: {  	s13 =	sshrl.u32 s11, $0x1;
	[sflag:s3] =	ssyncset.done $0x0  }
0x21: {  	s10 =	sadd.s32 $0x200A00, s12;
	s13 =	ssub.s32 s11, s13;
	[sflag:s3] =	ssyncadd.s32 $0xFFFFFF80  }
0x22: {  	[tilespmem:s5], [sflag:$0x1] =	stream.indirect.gather [hbm4b:s10+s8], $0x1, s8, s8, $0xb8;
	[tilespmem:$0x180] =	vst v63  }
0x23: {  	s15 =	smax.u32 s13, $0x1;
	_ =	swait.ge [sflag:s7], $0x80  }
0x24: {  	p0 =	sne.s32 s15, $0x1;
	[sflag:s7] =	ssyncset.done $0x0  }
.Ltmp0:
0x25: {  	s11 =	sadd.s32 $0x600E00, s14;
	[sflag:s7] =	ssyncadd.s32 $0xFFFFFF80;
	(pc) =	sbr.rel @!p0 .LBB2_2-.Ltmp0, $4  }
0x26: {  	[hbm4b:s11+s2] =	stream.linear.scatter [tilespmem:s5], [sflag:$0x2], $0x80, $0x38;
	[tilespmem:$0x180] =	vst v63  }
0x27: {  	_ =	swait.ge [sflag:s3], $0x80  }
0x28: {  	s13 =	sadd.s32 $0x400A00, s12;
	[sflag:s3] =	ssyncset.done $0x0  }
0x29: {  	s12 =	sadd.s32 $0x601000, s14;
	s14 =	sadd.s32 $0xFFFFFFFF, s15;
	[sflag:s3] =	ssyncadd.s32 $0xFFFFFF80  }
.LBB2_1:
0x2a: {  	[tilespmem:s5], [sflag:$0x1] =	stream.indirect.gather [hbm4b:s13+s8], $0x1, s8, s8, $0xb8;
	[tilespmem:$0x180] =	vst v63  }
0x2b: {  	p0 =	sne.s32 s14, $0x1;
	s14 =	sadd.s32 $0xFFFFFFFF, s14;
	_ =	swait.ge [sflag:s7], $0x80  }
0x2c: {  	[sflag:s7] =	ssyncset.done $0x0  }
0x2d: {  	[sflag:s7] =	ssyncadd.s32 $0xFFFFFF80  }
0x2e: {  	[hbm4b:s12+s2] =	stream.linear.scatter [tilespmem:s5], [sflag:$0x2], $0x80, $0x38;
	[tilespmem:$0x180] =	vst v63  }
0x2f: {  	_ =	swait.ge [sflag:s3], $0x80  }
0x30: {  	[sflag:s3] =	ssyncset.done $0x0  }
0x31: {  	[sflag:s3] =	ssyncadd.s32 $0xFFFFFF80  }
0x32: {  	[tilespmem:s2], [sflag:$0x2] =	stream.linear.gather [hbm4b:s4+s2], $0x80, $0x38;
	[tilespmem:$0x180] =	vst v63  }
0x33: {  	_ =	swait.ge [sflag:s3], $0x80  }
0x34: {  	[sflag:s3] =	ssyncset.done $0x0  }
0x35: {  	[sflag:s3] =	ssyncadd.s32 $0xFFFFFF80  }
0x36: {  	v8 =	vld [tilespmem:$0x70]  }
0x37: {  	v9 =	vld [tilespmem:$0x60]  }
0x38: {  	v10 =	vld [tilespmem:$0x50]  }
0x39: {  	v11 =	vld [tilespmem:$0x30]  }
0x3a: {  	v12 =	vld [tilespmem:$0x20]  }
0x3b: {  	v13 =	vld [tilespmem:$0x10];
	v8 =	vadd.s32 v0, v8  }
0x3c: {  	v14 =	vld [tilespmem:$0x40];
	v9 =	vadd.s32 v1, v9;
	[tilespmem:$0xF0] =	vst v8  }
0x3d: {  	v8 =	vld [tilespmem:$0x0];
	v10 =	vadd.s32 v2, v10;
	[tilespmem:$0xE0] =	vst v9  }
0x3e: {  	v9 =	vadd.s32 v3, v11;
	[tilespmem:$0xD0] =	vst v10  }
0x3f: {  	v10 =	vadd.s32 v4, v12;
	[tilespmem:$0xB0] =	vst v9  }
0x40: {  	v9 =	vadd.s32 v5, v13;
	[tilespmem:$0xA0] =	vst v10  }
0x41: {  	[tilespmem:$0x90] =	vst v9;
	v9 =	vadd.s32 v6, v14  }
0x42: {  	v8 =	vadd.s32 v7, v8;
	[tilespmem:$0xC0] =	vst v9  }
0x43: {  	[tilespmem:$0x80] =	vst v8  }
0x44: {  	[tilespmem:s5], [sflag:$0x1] =	stream.indirect.gather [hbm4b:s6+s8], $0x1, s8, s8, $0xb8;
	[tilespmem:$0x180] =	vst v63  }
0x45: {  	_ =	swait.ge [sflag:s7], $0x80  }
0x46: {  	[sflag:s7] =	ssyncset.done $0x0  }
0x47: {  	[sflag:s7] =	ssyncadd.s32 $0xFFFFFF80  }
0x48: {  	[hbm4b:s9+s2] =	stream.linear.scatter [tilespmem:s5], [sflag:$0x2], $0x80, $0x38;
	[tilespmem:$0x180] =	vst v63  }
0x49: {  	_ =	swait.ge [sflag:s3], $0x80  }
0x4a: {  	[sflag:s3] =	ssyncset.done $0x0  }
0x4b: {  	[sflag:s3] =	ssyncadd.s32 $0xFFFFFF80  }
0x4c: {  	[tilespmem:s5], [sflag:$0x1] =	stream.indirect.gather [hbm4b:s10+s8], $0x1, s8, s8, $0xb8;
	[tilespmem:$0x180] =	vst v63  }
0x4d: {  	_ =	swait.ge [sflag:s7], $0x80  }
0x4e: {  	[sflag:s7] =	ssyncset.done $0x0  }
.Ltmp1:
0x4f: {  	[sflag:s7] =	ssyncadd.s32 $0xFFFFFF80;
	(pc) =	sbr.rel @p0 .LBB2_1-.Ltmp1, $4  }
0x50: {  	[hbm4b:s11+s2] =	stream.linear.scatter [tilespmem:s5], [sflag:$0x2], $0x80, $0x38;
	[tilespmem:$0x180] =	vst v63  }
0x51: {  	_ =	swait.ge [sflag:s3], $0x80  }
0x52: {  	[sflag:s3] =	ssyncset.done $0x0  }
0x53: {  	[sflag:s3] =	ssyncadd.s32 $0xFFFFFF80  }
.LBB2_2:
0x54: {  	[tilespmem:s5], [sflag:$0x1] =	stream.indirect.gather [hbm4b:s13+s8], $0x1, s8, s8, $0xb8;
	[tilespmem:$0x180] =	vst v63  }
0x55: {  	_ =	swait.ge [sflag:s7], $0x80  }
0x56: {  	[sflag:s7] =	ssyncset.done $0x0  }
0x57: {  	[sflag:s7] =	ssyncadd.s32 $0xFFFFFF80  }
0x58: {  	[hbm4b:s12+s2] =	stream.linear.scatter [tilespmem:s5], [sflag:$0x2], $0x80, $0x38;
	[tilespmem:$0x180] =	vst v63  }
0x59: {  	_ =	swait.ge [sflag:s3], $0x80  }
0x5a: {  	[sflag:s3] =	ssyncset.done $0x0  }
0x5b: {  	[sflag:s3] =	ssyncadd.s32 $0xFFFFFF80  }
0x5c: {  	_ =	sfence.sel $0x180000  }
0x5d: {  	[bflag:$0x0] =	sbarrier.arrive $0xFFFF  }
0x5e: {  	p0 =	sne.s32 s0, $0x0;
	_ =	strace $0x90000050  }
0x5f: {  	s0 =	sadd.s32 @!p0 $0x100000, s1;
	[bflag:$0x2] =	sbarrier.arrive $0xFFFF  }
0x60: {  	[sflag:s0] =	ssyncadd.tile.s32 @!p0 $0x1;
	_ =	shalt  }
.Lfunc_end2:
_tile_overlayer_lowered:
.L_overlay_start_2:
0x61: {  	(tag) =	ssettag $0x2  }
0x62: {  	s0 =	rddreg [dreg:$0x0];
	s2 =	stileid.u32  }
0x63: {  	s1 =	rddreg [dreg:$0x1];
	p0 =	sne.s32 s2, $0x0  }
0x64: {  	s3 =	rddreg [dreg:$0x2];
	[bflag:$0x3] =	sbarrier.arrive $0xFFFF;
	s2 =	simm.s32 @!p0 $0x1C02  }
0x65: {  	[timem:s3], [sflag:s2] =	dma.local @!p0 [hbm:s0], s1  }
0x66: {  	s0 =	simm.s32 @!p0 $0x2  }
0x67: {  	_ =	swait.ge @!p0 [sflag:s0], s1  }
0x68: {  	s1 =	ssub.s32 @!p0 $0x0, s1;
	[sflag:s0] =	ssyncset.done @!p0 $0x0  }
0x69: {  	[sflag:s0] =	ssyncadd.s32 @!p0 s1  }
0x6a: {  	[bflag:$0x3] =	sbarrier.arrive $0xFFFF  }
0x6b: {  	_ =	shalt  }

// kernel: sparse-core-data-format-call.1.cloned.1.call-start
scs
called_computation.1_lowered:
.L_overlay_start_0:
0x0: {  	s2 =	sld [smem:$0x3FD9]  }
0x1: {  	s3 =	sld [smem:$0x3FFE];
	_ =	sdelay $0x1  }
0x2: {  	s1 =	srdreg.scid  }
0x3: {  	s0 =	sand.u32 $0x1, s1  }
0x4: {  	s18 =	sshll.u32 s0, $0xA;
	s2 =	sadd.s32 s3, s2  }
0x5: {  	s2 =	sadd.s32 s2, s18  }
0x6: {  	[smem:$0x3FC4] =	sst s2  }
0x7: {  	_ = 	snop  }
0x8: {  	s19 =	sld [smem:$0x3FC8];
	(tm) =	ssettm $0x1  }
0x9: {  	s20 =	sld [smem:$0x3FFB];
	_ =	sdelay $0x3  }
0xa: {  	_ =	strace s20  }
0xb: {  	s2 =	sld [smem:$0x3FFC];
	_ =	sdelay $0x3  }
0xc: {  	_ =	strace s2  }
0xd: {  	s2 =	sld [smem:$0x3FFD];
	_ =	sdelay $0x3  }
0xe: {  	_ =	strace s2  }
0xf: {  	_ =	strace $0x8FFFFFFF  }
0x10: {  	s21 =	sld [smem:$0x3FDB];
	_ =	sdelay $0x1  }
0x11: {  	s4 =	simm.s32 $_scs_section_size  }
0x12: {  	s5 =	simm.s32 $_size__tile_overlayer_lowered;
	s6 =	simm.s32 $_tile_overlayer_lowered  }
0x13: {  	s7 =	simm.s32 $0x1BFF;
	s22 =	sshll.u32 s6, $0x1;
	s4 =	sadd.s32 s4, s21  }
0x14: {  	s23 =	simm.s32 $0x0;
	s5 =	sshll.u32 s5, $0x1;
	s6 =	sadd.s32 s22, s4  }
0x15: {  	[timem:s23], [sflag:s7] =	dma.local [hbm:s6], s5  }
0x16: {  	_ =	swait.ge [sflag:s7], s5  }
0x17: {  	s5 =	ssub.s32 $0x0, s5;
	[sflag:s7] =	ssyncset.done $0x0  }
0x18: {  	[sflag:s7] =	ssyncadd.s32 s5;
	_ =	sdelay $0x1  }
0x19: {  	s24 =	simm.s32 $0x1B8B  }
0x1a: {  	_ =	swait.ge [sflag:s24], $0x1  }
0x1b: {  	[sflag:s24] =	ssyncset.done $0x0  }
0x1c: {  	[sflag:s24] =	ssyncadd.s32 $0xFFFFFFFF  }
0x1d: {  	s5 =	sld [smem:$0x0]  }
0x1e: {  	s6 =	sand.u32 $0xFFFFFFFE, s1  }
0x1f: {  	p0 =	sne.s32 s1, s6  }
0x20: {  	s6 =	sshll.u32 @p0 s6, $0xE  }
0x21: {  	s6 =	sadd.s32 @p0 $0x11B8D, s6;
	s7 =	sshll.u32 @p0 s5, $0x11  }
0x22: {  	s6 =	sor.u32 @p0 s7, s6  }
0x23: {  	[sflag:s6] =	ssyncadd.remote.s32 @p0 $0x1;
	_ =	sdelay $0x1  }
0x24: {  	s6 =	simm.s32 @p0 $0x1B8D  }
0x25: {  	_ =	swait.eq @p0 [sflag:s6], $0x1  }
0x26: {  	[sflag:s6] =	ssyncadd.s32 @p0 $0xFFFFFFFF  }
0x27: {  	s7 =	sshll.u32 @!p0 s1, $0xE  }
0x28: {  	s7 =	sor.u32 @!p0 $0x4000, s7;
	s6 =	simm.s32 @!p0 $0x1B8D  }
0x29: {  	s5 =	sshll.u32 @!p0 s5, $0x11;
	s7 =	sadd.s32 @!p0 $0x11B8D, s7;
	_ =	swait.eq @!p0 [sflag:s6], $0x1  }
0x2a: {  	s5 =	sor.u32 @!p0 s5, s7;
	[sflag:s6] =	ssyncadd.s32 @!p0 $0xFFFFFFFF  }
0x2b: {  	s26 =	simm.s32 $0x1B8E;
	s25 =	sld [smem:$0x3FFE];
	[sflag:s5] =	ssyncadd.remote.s32 @!p0 $0x1  }
0x2c: {  	s27 =	simm.s32 $execute0_lowered;
	[smem:$0x3FD2] =	sst s26  }
0x2d: {  	s6 =	sshll.u32 s27, $0x1;
	_ =	strace $0x80000049;
	[dreg:$0x1] =	wrdreg $0xFFFFFFFF  }
0x2e: {  	s28 =	simm.s32 $_size_execute0_lowered;
	s4 =	sadd.s32 s4, s6;
	[dreg:$0x0] =	wrdreg $0x0  }
0x2f: {  	s6 =	sshll.u32 s28, $0x1;
	[dreg:$0x2] =	wrdreg s4  }
0x30: {  	[dreg:$0x3] =	wrdreg s6  }
0x31: {  	[dreg:$0x4] =	wrdreg $0xC0  }
0x32: {  	_ =	task [dreg:s23], $0x5FFFF  }
0x33: {  	[dreg:$0x1] =	wrdreg $0xFFFFFFFF  }
0x34: {  	[dreg:$0x0] =	wrdreg $0x60  }
0x35: {  	[dreg:$0x2] =	wrdreg s19  }
0x36: {  	[dreg:$0x3] =	wrdreg s25  }
0x37: {  	[dreg:$0x4] =	wrdreg $0xA  }
0x38: {  	_ =	task.clear_ibuf [dreg:s23], $0x5FFFF;
	_ =	strace $0x90000049  }
0x39: {  	s29 =	simm.s32 $0xA;
	_ =	strace $0x8000004B  }
0x3a: {  	_ =	swait.ge [sflag:s29], $0x1  }
0x3b: {  	[sflag:s29] =	ssyncadd.s32 $0xFFFFFFFF  }
0x3c: {  	_ =	strace $0x9000004B  }
0x3d: {  	_ =	sfence  }
0x3e: {  	s30 =	sld [smem:$0x0];
	_ =	sdelay $0x2  }
0x3f: {  	s31 =	sshll.u32 s1, $0xD;
	s1 =	sshrl.u32 s1, $0x2  }
0x40: {  	s4 =	sand.u32 $0x4000, s31;
	s1 =	sadd.s32 s1, s30  }
0x41: {  	s0 =	sor.u32 s4, s0;
	s1 =	sshll.u32 s1, $0x11  }
0x42: {  	s0 =	sor.u32 s1, s0  }
0x43: {  	s0 =	sadd.s32 $0x8F2B, s0  }
0x44: {  	[sflag:s0] =	ssyncadd.remote.s32 $0x1  }
0x45: {  	_ =	sfence.sel $0xFFFF  }
0x46: {  	[dreg:$0x0] =	wrdreg $0xFFFFFFFF;
	(pc) =	sbr.abs _section_cstart, $3  }
0x47: {  	[dreg:$0x1] =	wrdreg $0xFFFFFFFF  }
0x48: {  	_ =	task.clear_ibuf [dreg:s23], $0x2FFFF;
	_ =	strace $0x9FFFFFFF  }
0x49: {  	(tm) =	ssettm $0x7FFFFFFF  }
tec
execute0_lowered:
.L_overlay_start_1:
0x0: {  	(tag) =	ssettag $0x1  }
0x1: {  	s2 =	rddreg [dreg:$0x0]  }
0x2: {  	s1 =	rddreg [dreg:$0x1]  }
0x3: {  	s0 =	rddreg [dreg:$0x2];
	_ =	strace $0x8000004A;
	s4 =	srdreg.scid  }
0x4: {  	s6 =	simm.s32 $0x2;
	s11 =	simm.s32 $0x0;
	p0 =	por $0x0, $0x0  }
.Ltmp0:
0x5: {  	s7 =	simm.s32 $0x1000;
	s12 =	simm.s32 $0x0;
	(pc) =	sbr.rel .LBB1_1-.Ltmp0, $4  }
0x6: {  	s9 =	simm.s32 $0x0;
	s3 =	sadd.s32 $0x200A00, s1;
	s5 =	sshll.u32 s4, $0x4  }
0x7: {  	s1 =	stileid.u32;
	s4 =	simm.s32 $0x1;
	s5 =	sand.u32 $0x10, s5  }
0x8: {  	s8 =	simm.s32 $0x0;
	[sflag:s4] =	ssyncpa.u1 $0x0;
	s5 =	sor.u32 s1, s5  }
0x9: {  	[sflag:s6] =	ssyncpa.u1 $0x0;
	s6 =	simm.s32 $0x800;
	s10 =	smov.u32 s5  }
.LBB1_7:
0xa: {  	s13 =	sadd.s32 $0x10, s9  }
0xb: {  	s11 =	sadd.s32 $0x20, s10;
	s15 =	smov.u32 s10;
	p2 =	sgt.s32 s13, $0x1F  }
0xc: {  	p1 =	slt.u32 s8, $0x2;
	s15 =	smov.u32 @p2 s11  }
0xd: {  	s8 =	sadd.s32 $0x1, s8;
	s13 =	simm.s32 @p2 $0x0;
	p2 =	sgt.s32 s15, $0x1FF  }
0xe: {  	s15 =	smov.u32 @p2 s5;
	p2 =	sne.s32 s8, $0x22  }
.Ltmp1:
0xf: {  	_ = 	snop;
	(pc) =	sbr.rel @!p2 .LBB1_8-.Ltmp1, $4  }
0x10: {  	s14 =	simm.s32 @!p1 $0x2  }
0x11: {  	s12 =	smov.u32 s10;
	_ =	swait.ge @!p1 [sflag:s14], $0x4000  }
0x12: {  	p0 =	por !p0, !p0;
	s11 =	smov.u32 s9;
	[sflag:s14] =	ssyncset.done @!p1 $0x0  }
0x13: {  	s9 =	smov.u32 s13;
	[sflag:s14] =	ssyncadd.s32 @!p1 $0xFFFFC000;
	s10 =	smov.u32 s15  }
.LBB1_1:
0x14: {  	p1 =	sgt.u32 s8, $0x1F  }
0x15: {  	s13 =	sxor.u32 @!p1 $0xFFFFFFFF, s8;
	s14 =	sshll.u32 @!p1 s10, $0xC  }
0x16: {  	s15 =	sshll.u32 @!p1 s9, $0x7;
	s13 =	sshll.u32 @!p1 s13, $0xE;
	s14 =	sadd.s32 @!p1 s2, s14  }
0x17: {  	s13 =	sand.u32 @!p1 $0x4000, s13;
	s14 =	sadd.s32 @!p1 s15, s14;
	s15 =	simm.s32 @!p1 $0x0  }
0x18: {  	[tilespmem:s13], [sflag:$0x1] =	stream.linear.gather @!p1 [hbm4b:s14+s15], $0x4000, $0x38;
	[tilespmem:$0x10000] =	vst v63  }
0x19: {  	p1 =	seq.s32 s8, $0x0  }
0x1a: {  	p2 =	seq.s32 @!p1 s8, $0x21  }
0x1b: {  	p1 =	por p1, p2  }
.Ltmp2:
0x1c: {  	_ = 	snop;
	(pc) =	sbr.rel @p1 .LBB1_7-.Ltmp2, $1  }
0x1d: {  	_ =	sdelay $0x3  }
0x1e: {  	s13 =	simm.s32 $0x1;
	_ =	swait.ge [sflag:s4], $0x4000;
	s16 =	sshll.u32 s8, $0xE  }
0x1f: {  	s13 =	simm.s32 @!p0 $0x0;
	[sflag:s4] =	ssyncset.done $0x0;
	s31 =	sand.u32 $0x4000, s16  }
0x20: {  	s16 =	simm.s32 $0x0;
	s14 =	sshll.u32 s13, $0xE;
	[sflag:s4] =	ssyncadd.s32 $0xFFFFC000  }
0x21: {  	s13 =	sor.u32 $0x8040, s14;
	s15 =	sor.u32 $0x40, s14;
	s14 =	sor.u32 $0x8000, s31  }
.LBB1_3:
0x22: {  	v0 =	vmov s15;
	_ =	sdelay $0x3  }
0x23: {  	s18 =	simm.s32 $0x0  }
0x24: {  	v6 =	vld.idx.msk [tilespmem:v0+s18+$0x30 ss:$0x1], $0xffff  }
0x25: {  	v7 =	vld.idx.msk [tilespmem:v0+s18+$0xFFFFFFC0 ss:$0x1], $0xffff  }
0x26: {  	v5 =	vld.idx.msk [tilespmem:v0+s18+$0xFFFFFFD0 ss:$0x1], $0xffff  }
0x27: {  	v4 =	vld.idx.msk [tilespmem:v0+s18+$0xFFFFFFE0 ss:$0x1], $0xffff  }
0x28: {  	v3 =	vld.idx.msk [tilespmem:v0+s18+$0xFFFFFFF0 ss:$0x1], $0xffff  }
0x29: {  	v1 =	vld.idx.msk [tilespmem:v0+s18+$0x0 ss:$0x1], $0xffff  }
0x2a: {  	v2 =	vld.idx.msk [tilespmem:v0+s18+$0x10 ss:$0x1], $0xffff;
	[tilespmem:s13+$0x30] =	vst v6  }
0x2b: {  	s17 =	simm.s32 $0x80;
	s19 =	simm.s32 $0x400;
	[tilespmem:s13+$0xFFFFFFC0] =	vst v7;
	v6 =	vld.idx.msk [tilespmem:v0+s18+$0x20 ss:$0x1], $0xffff;
	s18 =	smov.u32 s13  }
.LBB1_4:
0x2c: {  	p1 =	sne.s32 s19, $0xE00;
	v7 =	vld.idx.msk [tilespmem:v0+s17+$0x30 ss:$0x1], $0xffff;
	[tilespmem:s18+$0xFFFFFFD0] =	vst v5  }
0x2d: {  	v8 =	vld.idx.msk [tilespmem:v0+s17+$0xFFFFFFC0 ss:$0x1], $0xffff;
	[tilespmem:s18+$0xFFFFFFE0] =	vst v4  }
0x2e: {  	v5 =	vld.idx.msk [tilespmem:v0+s17+$0xFFFFFFD0 ss:$0x1], $0xffff;
	[tilespmem:s18+$0xFFFFFFF0] =	vst v3  }
.Ltmp3:
0x2f: {  	v4 =	vld.idx.msk [tilespmem:v0+s17+$0xFFFFFFE0 ss:$0x1], $0xffff;
	[tilespmem:s18+$0x0] =	vst v1;
	(pc) =	sbr.rel @p1 .LBB1_4-.Ltmp3, $4  }
0x30: {  	v3 =	vld.idx.msk [tilespmem:v0+s17+$0xFFFFFFF0 ss:$0x1], $0xffff;
	[tilespmem:s18+$0x10] =	vst v2  }
0x31: {  	v1 =	vld.idx.msk [tilespmem:v0+s17+$0x0 ss:$0x1], $0xffff;
	[tilespmem:s18+$0x20] =	vst v6;
	s18 =	sadd.s32 $0x800, s18  }
0x32: {  	v2 =	vld.idx.msk [tilespmem:v0+s17+$0x10 ss:$0x1], $0xffff;
	[tilespmem:s18+$0x30] =	vst v7  }
0x33: {  	[tilespmem:s18+$0xFFFFFFC0] =	vst v8;
	v6 =	vld.idx.msk [tilespmem:v0+s17+$0x20 ss:$0x1], $0xffff;
	s17 =	sshra.s32 s19, $0x2;
	s19 =	sadd.s32 $0x200, s19  }
0x34: {  	_ =	sdelay $0x2  }
0x35: {  	[tilespmem:s18+$0xFFFFFFD0] =	vst v5  }
0x36: {  	v56 =	vld.idx.msk [tilespmem:v0+s17+$0x30 ss:$0x1], $0xffff;
	[tilespmem:s18+$0xFFFFFFE0] =	vst v4  }
0x37: {  	v57 =	vld.idx.msk [tilespmem:v0+s17+$0xFFFFFFC0 ss:$0x1], $0xffff;
	[tilespmem:s18+$0xFFFFFFF0] =	vst v3  }
0x38: {  	v58 =	vld.idx.msk [tilespmem:v0+s17+$0xFFFFFFD0 ss:$0x1], $0xffff;
	[tilespmem:s18+$0x0] =	vst v1  }
0x39: {  	v59 =	vld.idx.msk [tilespmem:v0+s17+$0xFFFFFFE0 ss:$0x1], $0xffff;
	[tilespmem:s18+$0x10] =	vst v2  }
0x3a: {  	v60 =	vld.idx.msk [tilespmem:v0+s17+$0xFFFFFFF0 ss:$0x1], $0xffff;
	s31 =	sadd.s32 $0x800, s18;
	[tilespmem:s18+$0x20] =	vst v6  }
0x3b: {  	v61 =	vld.idx.msk [tilespmem:v0+s17+$0x0 ss:$0x1], $0xffff;
	[tilespmem:s31+$0x30] =	vst v56  }
0x3c: {  	v62 =	vld.idx.msk [tilespmem:v0+s17+$0x10 ss:$0x1], $0xffff;
	s16 =	sadd.s32 $0x1, s16;
	[tilespmem:s31+$0xFFFFFFC0] =	vst v57  }
0x3d: {  	v63 =	vld.idx.msk [tilespmem:v0+s17+$0x20 ss:$0x1], $0xffff;
	p1 =	sne.s32 s16, $0x10;
	[tilespmem:s31+$0xFFFFFFD0] =	vst v58  }
.Ltmp4:
0x3e: {  	[tilespmem:s31+$0xFFFFFFE0] =	vst v59;
	(pc) =	sbr.rel @p1 .LBB1_3-.Ltmp4, $4  }
0x3f: {  	[tilespmem:s31+$0xFFFFFFF0] =	vst v60  }
0x40: {  	[tilespmem:s31+$0x0] =	vst v61  }
0x41: {  	[tilespmem:s31+$0x10] =	vst v62  }
0x42: {  	s13 =	sadd.s32 $0x80, s13;
	s15 =	sadd.s32 $0x400, s15;
	[tilespmem:s31+$0x20] =	vst v63  }
.Ltmp5:
0x43: {  	(pc) =	sbr.rel .LBB1_7-.Ltmp5, $4  }
0x44: {  	s12 =	sshll.u32 s12, $0xC;
	s11 =	sshll.u32 s11, $0x4  }
0x45: {  	s11 =	sand.u32 $0x1F0, s11;
	s12 =	sadd.s32 s3, s12  }
0x46: {  	s11 =	sadd.s32 s11, s12  }
0x47: {  	[hbm4b:s11+s6] =	stream.strided.scatter [tilespmem:s14], [sflag:$0x2], $0x4000, s7, s6, $0x38;
	[tilespmem:$0x10000] =	vst v63  }
.LBB1_8:
0x48: {  	_ =	sfence.sel $0x180000  }
0x49: {  	s2 =	simm.s32 $0x1;
	[bflag:$0x0] =	sbarrier.arrive $0xFFFF  }
0x4a: {  	s31 =	simm.s32 $0x2;
	[sflag:s2] =	ssyncpa.u1 $0x1  }
0x4b: {  	[sflag:s31] =	ssyncpa.u1 $0x1  }
0x4c: {  	p0 =	sne.s32 s1, $0x0;
	_ =	strace $0x9000004A  }
0x4d: {  	s0 =	sadd.s32 @!p0 $0x100000, s0;
	[bflag:$0x2] =	sbarrier.arrive $0xFFFF  }
0x4e: {  	[sflag:s0] =	ssyncadd.tile.s32 @!p0 $0x1;
	_ =	shalt  }
.Lfunc_end1:
_tile_overlayer_lowered:
.L_overlay_start_2:
0x4f: {  	(tag) =	ssettag $0x2  }
0x50: {  	s0 =	rddreg [dreg:$0x0];
	s2 =	stileid.u32  }
0x51: {  	s1 =	rddreg [dreg:$0x1];
	p0 =	sne.s32 s2, $0x0  }
0x52: {  	s3 =	rddreg [dreg:$0x2];
	[bflag:$0x3] =	sbarrier.arrive $0xFFFF;
	s2 =	simm.s32 @!p0 $0x1C01  }
0x53: {  	[timem:s3], [sflag:s2] =	dma.local @!p0 [hbm:s0], s1  }
0x54: {  	s0 =	simm.s32 @!p0 $0x1  }
0x55: {  	_ =	swait.ge @!p0 [sflag:s0], s1  }
0x56: {  	s1 =	ssub.s32 @!p0 $0x0, s1;
	[sflag:s0] =	ssyncset.done @!p0 $0x0  }
0x57: {  	[sflag:s0] =	ssyncadd.s32 @!p0 s1  }
0x58: {  	[bflag:$0x3] =	sbarrier.arrive $0xFFFF  }
0x59: {  	_ =	shalt  }

// kernel: sparse-core-data-format-call.2.cloned.1.call-start
scs
called_computation.2_lowered:
.L_overlay_start_0:
0x0: {  	s2 =	sld [smem:$0x3FD9]  }
0x1: {  	s3 =	sld [smem:$0x3FFE];
	_ =	sdelay $0x1  }
0x2: {  	s1 =	srdreg.scid  }
0x3: {  	s0 =	sand.u32 $0x1, s1  }
0x4: {  	s18 =	sshll.u32 s0, $0xA;
	s2 =	sadd.s32 s3, s2  }
0x5: {  	s2 =	sadd.s32 s2, s18  }
0x6: {  	[smem:$0x3FC4] =	sst s2  }
0x7: {  	_ = 	snop  }
0x8: {  	s2 =	sld [smem:$0x3FC9];
	(tm) =	ssettm $0x1  }
0x9: {  	s19 =	sld [smem:$0x3FFB];
	_ =	sdelay $0x3  }
0xa: {  	_ =	strace s19  }
0xb: {  	s3 =	sld [smem:$0x3FFC];
	_ =	sdelay $0x3  }
0xc: {  	_ =	strace s3  }
0xd: {  	s3 =	sld [smem:$0x3FFD];
	_ =	sdelay $0x3  }
0xe: {  	_ =	strace s3  }
0xf: {  	_ =	strace $0x8FFFFFFF  }
0x10: {  	s20 =	sld [smem:$0x3FDB];
	_ =	sdelay $0x1  }
0x11: {  	s4 =	simm.s32 $_scs_section_size  }
0x12: {  	s5 =	simm.s32 $_size__tile_overlayer_lowered;
	s6 =	simm.s32 $_tile_overlayer_lowered  }
0x13: {  	s23 =	simm.s32 $0x1BFF;
	s22 =	sshll.u32 s6, $0x1;
	s3 =	sadd.s32 s4, s20  }
0x14: {  	s7 =	simm.s32 $0x0;
	s21 =	sshll.u32 s5, $0x1;
	s5 =	sadd.s32 s22, s3  }
0x15: {  	[timem:s7], [sflag:s23] =	dma.local [hbm:s5], s21  }
0x16: {  	_ =	swait.ge [sflag:s23], s21  }
0x17: {  	s4 =	ssub.s32 $0x0, s21;
	[sflag:s23] =	ssyncset.done $0x0  }
0x18: {  	[sflag:s23] =	ssyncadd.s32 s4;
	_ =	sdelay $0x1  }
0x19: {  	s24 =	simm.s32 $0x1B8B  }
0x1a: {  	_ =	swait.ge [sflag:s24], $0x1  }
0x1b: {  	[sflag:s24] =	ssyncset.done $0x0  }
0x1c: {  	s26 =	simm.s32 $0x1B8E;
	s25 =	sld [smem:$0x3FFE];
	[sflag:s24] =	ssyncadd.s32 $0xFFFFFFFF  }
0x1d: {  	s27 =	simm.s32 $execute0_lowered;
	[smem:$0x3FD2] =	sst s26  }
0x1e: {  	s5 =	sshll.u32 s27, $0x1;
	_ =	strace $0x80000046;
	[dreg:$0x1] =	wrdreg $0xFFFFFFFF  }
0x1f: {  	s28 =	simm.s32 $_size_execute0_lowered;
	s3 =	sadd.s32 s3, s5;
	[dreg:$0x0] =	wrdreg $0x0  }
0x20: {  	s5 =	sshll.u32 s28, $0x1;
	[dreg:$0x2] =	wrdreg s3  }
0x21: {  	[dreg:$0x3] =	wrdreg s5  }
0x22: {  	[dreg:$0x4] =	wrdreg $0xC0  }
0x23: {  	_ =	task [dreg:s7], $0x5FFFF  }
0x24: {  	[dreg:$0x1] =	wrdreg $0xFFFFFFFF  }
0x25: {  	[dreg:$0x0] =	wrdreg $0x60  }
0x26: {  	[dreg:$0x2] =	wrdreg s2  }
0x27: {  	[dreg:$0x3] =	wrdreg s25  }
0x28: {  	[dreg:$0x4] =	wrdreg $0xB  }
0x29: {  	_ =	task.clear_ibuf [dreg:s7], $0x5FFFF;
	_ =	strace $0x90000046  }
0x2a: {  	s29 =	simm.s32 $0xB;
	_ =	strace $0x80000048  }
0x2b: {  	_ =	swait.ge [sflag:s29], $0x1  }
0x2c: {  	[sflag:s29] =	ssyncadd.s32 $0xFFFFFFFF  }
0x2d: {  	_ =	strace $0x90000048  }
0x2e: {  	_ =	sfence  }
0x2f: {  	s30 =	sld [smem:$0x0];
	_ =	sdelay $0x2  }
0x30: {  	s31 =	sshll.u32 s1, $0xD;
	s1 =	sshrl.u32 s1, $0x2  }
0x31: {  	s3 =	sand.u32 $0x4000, s31;
	s1 =	sadd.s32 s1, s30  }
0x32: {  	s0 =	sor.u32 s3, s0;
	s1 =	sshll.u32 s1, $0x11  }
0x33: {  	s0 =	sor.u32 s1, s0  }
0x34: {  	s0 =	sadd.s32 $0x8F2B, s0  }
0x35: {  	[sflag:s0] =	ssyncadd.remote.s32 $0x1  }
0x36: {  	_ =	sfence.sel $0xFFFF  }
0x37: {  	[dreg:$0x0] =	wrdreg $0xFFFFFFFF;
	(pc) =	sbr.abs _section_cstart, $3  }
0x38: {  	[dreg:$0x1] =	wrdreg $0xFFFFFFFF  }
0x39: {  	_ =	task.clear_ibuf [dreg:s7], $0x2FFFF;
	_ =	strace $0x9FFFFFFF  }
0x3a: {  	(tm) =	ssettm $0x7FFFFFFF  }
0x3b: {  	_ =	shalt  }
tec
execute0_lowered:
.L_overlay_start_1:
0x0: {  	(tag) =	ssettag $0x1  }
0x1: {  	s2 =	rddreg [dreg:$0x0]  }
0x2: {  	s1 =	rddreg [dreg:$0x1]  }
0x3: {  	s0 =	rddreg [dreg:$0x2];
	_ =	strace $0x80000047;
	s4 =	srdreg.scid  }
0x4: {  	s6 =	simm.s32 $0x2;
	s11 =	simm.s32 $0x0;
	p0 =	por $0x0, $0x0  }
.Ltmp0:
0x5: {  	s7 =	simm.s32 $0x1000;
	s12 =	simm.s32 $0x0;
	(pc) =	sbr.rel .LBB1_1-.Ltmp0, $4  }
0x6: {  	s9 =	simm.s32 $0x0;
	s3 =	sadd.s32 $0xA00, s1;
	s5 =	sshll.u32 s4, $0x4  }
0x7: {  	s1 =	stileid.u32;
	s4 =	simm.s32 $0x1;
	s5 =	sand.u32 $0x10, s5  }
0x8: {  	s8 =	simm.s32 $0x0;
	[sflag:s4] =	ssyncpa.u1 $0x0;
	s5 =	sor.u32 s1, s5  }
0x9: {  	[sflag:s6] =	ssyncpa.u1 $0x0;
	s6 =	simm.s32 $0x800;
	s10 =	smov.u32 s5  }
.LBB1_7:
0xa: {  	s13 =	sadd.s32 $0x10, s9  }
0xb: {  	s11 =	sadd.s32 $0x20, s10;
	s15 =	smov.u32 s10;
	p2 =	sgt.s32 s13, $0x1F  }
0xc: {  	p1 =	slt.u32 s8, $0x2;
	s15 =	smov.u32 @p2 s11  }
0xd: {  	s8 =	sadd.s32 $0x1, s8;
	s13 =	simm.s32 @p2 $0x0;
	p2 =	sgt.s32 s15, $0x1FF  }
0xe: {  	s15 =	smov.u32 @p2 s5;
	p2 =	sne.s32 s8, $0x22  }
.Ltmp1:
0xf: {  	_ = 	snop;
	(pc) =	sbr.rel @!p2 .LBB1_8-.Ltmp1, $4  }
0x10: {  	s14 =	simm.s32 @!p1 $0x2  }
0x11: {  	s12 =	smov.u32 s10;
	_ =	swait.ge @!p1 [sflag:s14], $0x4000  }
0x12: {  	p0 =	por !p0, !p0;
	s11 =	smov.u32 s9;
	[sflag:s14] =	ssyncset.done @!p1 $0x0  }
0x13: {  	s9 =	smov.u32 s13;
	[sflag:s14] =	ssyncadd.s32 @!p1 $0xFFFFC000;
	s10 =	smov.u32 s15  }
.LBB1_1:
0x14: {  	p1 =	sgt.u32 s8, $0x1F  }
0x15: {  	s13 =	sxor.u32 @!p1 $0xFFFFFFFF, s8;
	s14 =	sshll.u32 @!p1 s10, $0xC  }
0x16: {  	s15 =	sshll.u32 @!p1 s9, $0x7;
	s13 =	sshll.u32 @!p1 s13, $0xE;
	s14 =	sadd.s32 @!p1 s2, s14  }
0x17: {  	s13 =	sand.u32 @!p1 $0x4000, s13;
	s14 =	sadd.s32 @!p1 s15, s14;
	s15 =	simm.s32 @!p1 $0x0  }
0x18: {  	[tilespmem:s13], [sflag:$0x1] =	stream.linear.gather @!p1 [hbm4b:s14+s15], $0x4000, $0x38;
	[tilespmem:$0x10000] =	vst v63  }
0x19: {  	p1 =	seq.s32 s8, $0x0  }
0x1a: {  	p2 =	seq.s32 @!p1 s8, $0x21  }
0x1b: {  	p1 =	por p1, p2  }
.Ltmp2:
0x1c: {  	_ = 	snop;
	(pc) =	sbr.rel @p1 .LBB1_7-.Ltmp2, $1  }
0x1d: {  	_ =	sdelay $0x3  }
0x1e: {  	s13 =	simm.s32 $0x1;
	_ =	swait.ge [sflag:s4], $0x4000;
	s16 =	sshll.u32 s8, $0xE  }
0x1f: {  	s13 =	simm.s32 @!p0 $0x0;
	[sflag:s4] =	ssyncset.done $0x0;
	s31 =	sand.u32 $0x4000, s16  }
0x20: {  	s16 =	simm.s32 $0x0;
	s14 =	sshll.u32 s13, $0xE;
	[sflag:s4] =	ssyncadd.s32 $0xFFFFC000  }
0x21: {  	s13 =	sor.u32 $0x8040, s14;
	s15 =	sor.u32 $0x40, s14;
	s14 =	sor.u32 $0x8000, s31  }
.LBB1_3:
0x22: {  	v0 =	vmov s15;
	_ =	sdelay $0x3  }
0x23: {  	s18 =	simm.s32 $0x0  }
0x24: {  	v6 =	vld.idx.msk [tilespmem:v0+s18+$0x30 ss:$0x1], $0xffff  }
0x25: {  	v7 =	vld.idx.msk [tilespmem:v0+s18+$0xFFFFFFC0 ss:$0x1], $0xffff  }
0x26: {  	v5 =	vld.idx.msk [tilespmem:v0+s18+$0xFFFFFFD0 ss:$0x1], $0xffff  }
0x27: {  	v4 =	vld.idx.msk [tilespmem:v0+s18+$0xFFFFFFE0 ss:$0x1], $0xffff  }
0x28: {  	v3 =	vld.idx.msk [tilespmem:v0+s18+$0xFFFFFFF0 ss:$0x1], $0xffff  }
0x29: {  	v1 =	vld.idx.msk [tilespmem:v0+s18+$0x0 ss:$0x1], $0xffff  }
0x2a: {  	v2 =	vld.idx.msk [tilespmem:v0+s18+$0x10 ss:$0x1], $0xffff;
	[tilespmem:s13+$0x30] =	vst v6  }
0x2b: {  	s17 =	simm.s32 $0x80;
	s19 =	simm.s32 $0x400;
	[tilespmem:s13+$0xFFFFFFC0] =	vst v7;
	v6 =	vld.idx.msk [tilespmem:v0+s18+$0x20 ss:$0x1], $0xffff;
	s18 =	smov.u32 s13  }
.LBB1_4:
0x2c: {  	p1 =	sne.s32 s19, $0xE00;
	v7 =	vld.idx.msk [tilespmem:v0+s17+$0x30 ss:$0x1], $0xffff;
	[tilespmem:s18+$0xFFFFFFD0] =	vst v5  }
0x2d: {  	v8 =	vld.idx.msk [tilespmem:v0+s17+$0xFFFFFFC0 ss:$0x1], $0xffff;
	[tilespmem:s18+$0xFFFFFFE0] =	vst v4  }
0x2e: {  	v5 =	vld.idx.msk [tilespmem:v0+s17+$0xFFFFFFD0 ss:$0x1], $0xffff;
	[tilespmem:s18+$0xFFFFFFF0] =	vst v3  }
.Ltmp3:
0x2f: {  	v4 =	vld.idx.msk [tilespmem:v0+s17+$0xFFFFFFE0 ss:$0x1], $0xffff;
	[tilespmem:s18+$0x0] =	vst v1;
	(pc) =	sbr.rel @p1 .LBB1_4-.Ltmp3, $4  }
0x30: {  	v3 =	vld.idx.msk [tilespmem:v0+s17+$0xFFFFFFF0 ss:$0x1], $0xffff;
	[tilespmem:s18+$0x10] =	vst v2  }
0x31: {  	v1 =	vld.idx.msk [tilespmem:v0+s17+$0x0 ss:$0x1], $0xffff;
	[tilespmem:s18+$0x20] =	vst v6;
	s18 =	sadd.s32 $0x800, s18  }
0x32: {  	v2 =	vld.idx.msk [tilespmem:v0+s17+$0x10 ss:$0x1], $0xffff;
	[tilespmem:s18+$0x30] =	vst v7  }
0x33: {  	[tilespmem:s18+$0xFFFFFFC0] =	vst v8;
	v6 =	vld.idx.msk [tilespmem:v0+s17+$0x20 ss:$0x1], $0xffff;
	s17 =	sshra.s32 s19, $0x2;
	s19 =	sadd.s32 $0x200, s19  }
0x34: {  	_ =	sdelay $0x2  }
0x35: {  	[tilespmem:s18+$0xFFFFFFD0] =	vst v5  }
0x36: {  	v56 =	vld.idx.msk [tilespmem:v0+s17+$0x30 ss:$0x1], $0xffff;
	[tilespmem:s18+$0xFFFFFFE0] =	vst v4  }
0x37: {  	v57 =	vld.idx.msk [tilespmem:v0+s17+$0xFFFFFFC0 ss:$0x1], $0xffff;
	[tilespmem:s18+$0xFFFFFFF0] =	vst v3  }
0x38: {  	v58 =	vld.idx.msk [tilespmem:v0+s17+$0xFFFFFFD0 ss:$0x1], $0xffff;
	[tilespmem:s18+$0x0] =	vst v1  }
0x39: {  	v59 =	vld.idx.msk [tilespmem:v0+s17+$0xFFFFFFE0 ss:$0x1], $0xffff;
	[tilespmem:s18+$0x10] =	vst v2  }
0x3a: {  	v60 =	vld.idx.msk [tilespmem:v0+s17+$0xFFFFFFF0 ss:$0x1], $0xffff;
	s31 =	sadd.s32 $0x800, s18;
	[tilespmem:s18+$0x20] =	vst v6  }
0x3b: {  	v61 =	vld.idx.msk [tilespmem:v0+s17+$0x0 ss:$0x1], $0xffff;
	[tilespmem:s31+$0x30] =	vst v56  }
0x3c: {  	v62 =	vld.idx.msk [tilespmem:v0+s17+$0x10 ss:$0x1], $0xffff;
	s16 =	sadd.s32 $0x1, s16;
	[tilespmem:s31+$0xFFFFFFC0] =	vst v57  }
0x3d: {  	v63 =	vld.idx.msk [tilespmem:v0+s17+$0x20 ss:$0x1], $0xffff;
	p1 =	sne.s32 s16, $0x10;
	[tilespmem:s31+$0xFFFFFFD0] =	vst v58  }
.Ltmp4:
0x3e: {  	[tilespmem:s31+$0xFFFFFFE0] =	vst v59;
	(pc) =	sbr.rel @p1 .LBB1_3-.Ltmp4, $4  }
0x3f: {  	[tilespmem:s31+$0xFFFFFFF0] =	vst v60  }
0x40: {  	[tilespmem:s31+$0x0] =	vst v61  }
0x41: {  	[tilespmem:s31+$0x10] =	vst v62  }
0x42: {  	s13 =	sadd.s32 $0x80, s13;
	s15 =	sadd.s32 $0x400, s15;
	[tilespmem:s31+$0x20] =	vst v63  }
.Ltmp5:
0x43: {  	(pc) =	sbr.rel .LBB1_7-.Ltmp5, $4  }
0x44: {  	s12 =	sshll.u32 s12, $0xC;
	s11 =	sshll.u32 s11, $0x4  }
0x45: {  	s11 =	sand.u32 $0x1F0, s11;
	s12 =	sadd.s32 s3, s12  }
0x46: {  	s11 =	sadd.s32 s11, s12  }
0x47: {  	[hbm4b:s11+s6] =	stream.strided.scatter [tilespmem:s14], [sflag:$0x2], $0x4000, s7, s6, $0x38;
	[tilespmem:$0x10000] =	vst v63  }
.LBB1_8:
0x48: {  	_ =	sfence.sel $0x180000  }
0x49: {  	s2 =	simm.s32 $0x1;
	[bflag:$0x0] =	sbarrier.arrive $0xFFFF  }
0x4a: {  	s31 =	simm.s32 $0x2;
	[sflag:s2] =	ssyncpa.u1 $0x1  }
0x4b: {  	[sflag:s31] =	ssyncpa.u1 $0x1  }
0x4c: {  	p0 =	sne.s32 s1, $0x0;
	_ =	strace $0x90000047  }
0x4d: {  	s0 =	sadd.s32 @!p0 $0x100000, s0;
	[bflag:$0x2] =	sbarrier.arrive $0xFFFF  }
0x4e: {  	[sflag:s0] =	ssyncadd.tile.s32 @!p0 $0x1;
	_ =	shalt  }
.Lfunc_end1:
_tile_overlayer_lowered:
.L_overlay_start_2:
0x4f: {  	(tag) =	ssettag $0x2  }
0x50: {  	s0 =	rddreg [dreg:$0x0];
	s2 =	stileid.u32  }
0x51: {  	s1 =	rddreg [dreg:$0x1];
	p0 =	sne.s32 s2, $0x0  }
0x52: {  	s3 =	rddreg [dreg:$0x2];
	[bflag:$0x3] =	sbarrier.arrive $0xFFFF;
	s2 =	simm.s32 @!p0 $0x1C01  }
0x53: {  	[timem:s3], [sflag:s2] =	dma.local @!p0 [hbm:s0], s1  }
0x54: {  	s0 =	simm.s32 @!p0 $0x1  }
0x55: {  	_ =	swait.ge @!p0 [sflag:s0], s1  }
0x56: {  	s1 =	ssub.s32 @!p0 $0x0, s1;
	[sflag:s0] =	ssyncset.done @!p0 $0x0  }
0x57: {  	[sflag:s0] =	ssyncadd.s32 @!p0 s1  }
0x58: {  	[bflag:$0x3] =	sbarrier.arrive $0xFFFF  }
0x59: {  	_ =	shalt  }

// kernel: sparse-core-data-format-call.cloned.1.call-start
scs
called_computation_lowered:
.L_overlay_start_0:
0x0: {  	s2 =	sld [smem:$0x3FD9]  }
0x1: {  	s3 =	sld [smem:$0x3FFE];
	_ =	sdelay $0x1  }
0x2: {  	s1 =	srdreg.scid  }
0x3: {  	s0 =	sand.u32 $0x1, s1  }
0x4: {  	s18 =	sshll.u32 s0, $0xA;
	s2 =	sadd.s32 s3, s2  }
0x5: {  	s2 =	sadd.s32 s2, s18  }
0x6: {  	[smem:$0x3FC4] =	sst s2  }
0x7: {  	_ = 	snop  }
0x8: {  	s19 =	sld [smem:$0x3FC7];
	(tm) =	ssettm $0x1  }
0x9: {  	s20 =	sld [smem:$0x3FFB];
	_ =	sdelay $0x3  }
0xa: {  	_ =	strace s20  }
0xb: {  	s2 =	sld [smem:$0x3FFC];
	_ =	sdelay $0x3  }
0xc: {  	_ =	strace s2  }
0xd: {  	s2 =	sld [smem:$0x3FFD];
	_ =	sdelay $0x3  }
0xe: {  	_ =	strace s2  }
0xf: {  	_ =	strace $0x8FFFFFFF  }
0x10: {  	s21 =	sld [smem:$0x3FDB];
	_ =	sdelay $0x1  }
0x11: {  	s4 =	simm.s32 $_scs_section_size  }
0x12: {  	s5 =	simm.s32 $_size__tile_overlayer_lowered;
	s6 =	simm.s32 $_tile_overlayer_lowered  }
0x13: {  	s7 =	simm.s32 $0x1BFF;
	s22 =	sshll.u32 s6, $0x1;
	s4 =	sadd.s32 s4, s21  }
0x14: {  	s23 =	simm.s32 $0x0;
	s5 =	sshll.u32 s5, $0x1;
	s6 =	sadd.s32 s22, s4  }
0x15: {  	[timem:s23], [sflag:s7] =	dma.local [hbm:s6], s5  }
0x16: {  	_ =	swait.ge [sflag:s7], s5  }
0x17: {  	s5 =	ssub.s32 $0x0, s5;
	[sflag:s7] =	ssyncset.done $0x0  }
0x18: {  	[sflag:s7] =	ssyncadd.s32 s5;
	_ =	sdelay $0x1  }
0x19: {  	s24 =	simm.s32 $0x1B8B  }
0x1a: {  	_ =	swait.ge [sflag:s24], $0x1  }
0x1b: {  	[sflag:s24] =	ssyncset.done $0x0  }
0x1c: {  	[sflag:s24] =	ssyncadd.s32 $0xFFFFFFFF  }
0x1d: {  	s5 =	sld [smem:$0x0]  }
0x1e: {  	s6 =	sand.u32 $0xFFFFFFFE, s1  }
0x1f: {  	p0 =	sne.s32 s1, s6  }
0x20: {  	s6 =	sshll.u32 @p0 s6, $0xE  }
0x21: {  	s6 =	sadd.s32 @p0 $0x11B8D, s6;
	s7 =	sshll.u32 @p0 s5, $0x11  }
0x22: {  	s6 =	sor.u32 @p0 s7, s6  }
0x23: {  	[sflag:s6] =	ssyncadd.remote.s32 @p0 $0x1;
	_ =	sdelay $0x1  }
0x24: {  	s6 =	simm.s32 @p0 $0x1B8D  }
0x25: {  	_ =	swait.eq @p0 [sflag:s6], $0x1  }
0x26: {  	[sflag:s6] =	ssyncadd.s32 @p0 $0xFFFFFFFF  }
0x27: {  	s7 =	sshll.u32 @!p0 s1, $0xE  }
0x28: {  	s7 =	sor.u32 @!p0 $0x4000, s7;
	s6 =	simm.s32 @!p0 $0x1B8D  }
0x29: {  	s5 =	sshll.u32 @!p0 s5, $0x11;
	s7 =	sadd.s32 @!p0 $0x11B8D, s7;
	_ =	swait.eq @!p0 [sflag:s6], $0x1  }
0x2a: {  	s5 =	sor.u32 @!p0 s5, s7;
	[sflag:s6] =	ssyncadd.s32 @!p0 $0xFFFFFFFF  }
0x2b: {  	s26 =	simm.s32 $0x1B8E;
	s25 =	sld [smem:$0x3FFE];
	[sflag:s5] =	ssyncadd.remote.s32 @!p0 $0x1  }
0x2c: {  	s27 =	simm.s32 $execute0_lowered;
	[smem:$0x3FD2] =	sst s26  }
0x2d: {  	s6 =	sshll.u32 s27, $0x1;
	_ =	strace $0x8000004C;
	[dreg:$0x1] =	wrdreg $0xFFFFFFFF  }
0x2e: {  	s28 =	simm.s32 $_size_execute0_lowered;
	s4 =	sadd.s32 s4, s6;
	[dreg:$0x0] =	wrdreg $0x0  }
0x2f: {  	s6 =	sshll.u32 s28, $0x1;
	[dreg:$0x2] =	wrdreg s4  }
0x30: {  	[dreg:$0x3] =	wrdreg s6  }
0x31: {  	[dreg:$0x4] =	wrdreg $0xC0  }
0x32: {  	_ =	task [dreg:s23], $0x5FFFF  }
0x33: {  	[dreg:$0x1] =	wrdreg $0xFFFFFFFF  }
0x34: {  	[dreg:$0x0] =	wrdreg $0x60  }
0x35: {  	[dreg:$0x2] =	wrdreg s19  }
0x36: {  	[dreg:$0x3] =	wrdreg s25  }
0x37: {  	[dreg:$0x4] =	wrdreg $0x9  }
0x38: {  	_ =	task.clear_ibuf [dreg:s23], $0x5FFFF;
	_ =	strace $0x9000004C  }
0x39: {  	s29 =	simm.s32 $0x9;
	_ =	strace $0x8000004E  }
0x3a: {  	_ =	swait.ge [sflag:s29], $0x1  }
0x3b: {  	[sflag:s29] =	ssyncadd.s32 $0xFFFFFFFF  }
0x3c: {  	_ =	strace $0x9000004E  }
0x3d: {  	_ =	sfence  }
0x3e: {  	s30 =	sld [smem:$0x0];
	_ =	sdelay $0x2  }
0x3f: {  	s31 =	sshll.u32 s1, $0xD;
	s1 =	sshrl.u32 s1, $0x2  }
0x40: {  	s4 =	sand.u32 $0x4000, s31;
	s1 =	sadd.s32 s1, s30  }
0x41: {  	s0 =	sor.u32 s4, s0;
	s1 =	sshll.u32 s1, $0x11  }
0x42: {  	s0 =	sor.u32 s1, s0  }
0x43: {  	s0 =	sadd.s32 $0x8F2B, s0  }
0x44: {  	[sflag:s0] =	ssyncadd.remote.s32 $0x1  }
0x45: {  	_ =	sfence.sel $0xFFFF  }
0x46: {  	[dreg:$0x0] =	wrdreg $0xFFFFFFFF;
	(pc) =	sbr.abs _section_cstart, $3  }
0x47: {  	[dreg:$0x1] =	wrdreg $0xFFFFFFFF  }
0x48: {  	_ =	task.clear_ibuf [dreg:s23], $0x2FFFF;
	_ =	strace $0x9FFFFFFF  }
0x49: {  	(tm) =	ssettm $0x7FFFFFFF  }
tec
execute0_lowered:
.L_overlay_start_1:
0x0: {  	(tag) =	ssettag $0x1  }
0x1: {  	s2 =	rddreg [dreg:$0x0]  }
0x2: {  	s1 =	rddreg [dreg:$0x1]  }
0x3: {  	s0 =	rddreg [dreg:$0x2];
	_ =	strace $0x8000004D;
	s4 =	srdreg.scid  }
0x4: {  	s6 =	simm.s32 $0x2;
	s11 =	simm.s32 $0x0;
	p0 =	por $0x0, $0x0  }
.Ltmp0:
0x5: {  	s7 =	simm.s32 $0x1000;
	s12 =	simm.s32 $0x0;
	(pc) =	sbr.rel .LBB1_1-.Ltmp0, $4  }
0x6: {  	s9 =	simm.s32 $0x0;
	s3 =	sadd.s32 $0x400A00, s1;
	s5 =	sshll.u32 s4, $0x4  }
0x7: {  	s1 =	stileid.u32;
	s4 =	simm.s32 $0x1;
	s5 =	sand.u32 $0x10, s5  }
0x8: {  	s8 =	simm.s32 $0x0;
	[sflag:s4] =	ssyncpa.u1 $0x0;
	s5 =	sor.u32 s1, s5  }
0x9: {  	[sflag:s6] =	ssyncpa.u1 $0x0;
	s6 =	simm.s32 $0x800;
	s10 =	smov.u32 s5  }
.LBB1_7:
0xa: {  	s13 =	sadd.s32 $0x10, s9  }
0xb: {  	s11 =	sadd.s32 $0x20, s10;
	s15 =	smov.u32 s10;
	p2 =	sgt.s32 s13, $0x1F  }
0xc: {  	p1 =	slt.u32 s8, $0x2;
	s15 =	smov.u32 @p2 s11  }
0xd: {  	s8 =	sadd.s32 $0x1, s8;
	s13 =	simm.s32 @p2 $0x0;
	p2 =	sgt.s32 s15, $0x1FF  }
0xe: {  	s15 =	smov.u32 @p2 s5;
	p2 =	sne.s32 s8, $0x22  }
.Ltmp1:
0xf: {  	_ = 	snop;
	(pc) =	sbr.rel @!p2 .LBB1_8-.Ltmp1, $4  }
0x10: {  	s14 =	simm.s32 @!p1 $0x2  }
0x11: {  	s12 =	smov.u32 s10;
	_ =	swait.ge @!p1 [sflag:s14], $0x4000  }
0x12: {  	p0 =	por !p0, !p0;
	s11 =	smov.u32 s9;
	[sflag:s14] =	ssyncset.done @!p1 $0x0  }
0x13: {  	s9 =	smov.u32 s13;
	[sflag:s14] =	ssyncadd.s32 @!p1 $0xFFFFC000;
	s10 =	smov.u32 s15  }
.LBB1_1:
0x14: {  	p1 =	sgt.u32 s8, $0x1F  }
0x15: {  	s13 =	sxor.u32 @!p1 $0xFFFFFFFF, s8;
	s14 =	sshll.u32 @!p1 s10, $0xC  }
0x16: {  	s15 =	sshll.u32 @!p1 s9, $0x7;
	s13 =	sshll.u32 @!p1 s13, $0xE;
	s14 =	sadd.s32 @!p1 s2, s14  }
0x17: {  	s13 =	sand.u32 @!p1 $0x4000, s13;
	s14 =	sadd.s32 @!p1 s15, s14;
	s15 =	simm.s32 @!p1 $0x0  }
0x18: {  	[tilespmem:s13], [sflag:$0x1] =	stream.linear.gather @!p1 [hbm4b:s14+s15], $0x4000, $0x38;
	[tilespmem:$0x10000] =	vst v63  }
0x19: {  	p1 =	seq.s32 s8, $0x0  }
0x1a: {  	p2 =	seq.s32 @!p1 s8, $0x21  }
0x1b: {  	p1 =	por p1, p2  }
.Ltmp2:
0x1c: {  	_ = 	snop;
	(pc) =	sbr.rel @p1 .LBB1_7-.Ltmp2, $1  }
0x1d: {  	_ =	sdelay $0x3  }
0x1e: {  	s13 =	simm.s32 $0x1;
	_ =	swait.ge [sflag:s4], $0x4000;
	s16 =	sshll.u32 s8, $0xE  }
0x1f: {  	s13 =	simm.s32 @!p0 $0x0;
	[sflag:s4] =	ssyncset.done $0x0;
	s31 =	sand.u32 $0x4000, s16  }
0x20: {  	s16 =	simm.s32 $0x0;
	s14 =	sshll.u32 s13, $0xE;
	[sflag:s4] =	ssyncadd.s32 $0xFFFFC000  }
0x21: {  	s13 =	sor.u32 $0x8040, s14;
	s15 =	sor.u32 $0x40, s14;
	s14 =	sor.u32 $0x8000, s31  }
.LBB1_3:
0x22: {  	v0 =	vmov s15;
	_ =	sdelay $0x3  }
0x23: {  	s18 =	simm.s32 $0x0  }
0x24: {  	v6 =	vld.idx.msk [tilespmem:v0+s18+$0x30 ss:$0x1], $0xffff  }
0x25: {  	v7 =	vld.idx.msk [tilespmem:v0+s18+$0xFFFFFFC0 ss:$0x1], $0xffff  }
0x26: {  	v5 =	vld.idx.msk [tilespmem:v0+s18+$0xFFFFFFD0 ss:$0x1], $0xffff  }
0x27: {  	v4 =	vld.idx.msk [tilespmem:v0+s18+$0xFFFFFFE0 ss:$0x1], $0xffff  }
0x28: {  	v3 =	vld.idx.msk [tilespmem:v0+s18+$0xFFFFFFF0 ss:$0x1], $0xffff  }
0x29: {  	v1 =	vld.idx.msk [tilespmem:v0+s18+$0x0 ss:$0x1], $0xffff  }
0x2a: {  	v2 =	vld.idx.msk [tilespmem:v0+s18+$0x10 ss:$0x1], $0xffff;
	[tilespmem:s13+$0x30] =	vst v6  }
0x2b: {  	s17 =	simm.s32 $0x80;
	s19 =	simm.s32 $0x400;
	[tilespmem:s13+$0xFFFFFFC0] =	vst v7;
	v6 =	vld.idx.msk [tilespmem:v0+s18+$0x20 ss:$0x1], $0xffff;
	s18 =	smov.u32 s13  }
.LBB1_4:
0x2c: {  	p1 =	sne.s32 s19, $0xE00;
	v7 =	vld.idx.msk [tilespmem:v0+s17+$0x30 ss:$0x1], $0xffff;
	[tilespmem:s18+$0xFFFFFFD0] =	vst v5  }
0x2d: {  	v8 =	vld.idx.msk [tilespmem:v0+s17+$0xFFFFFFC0 ss:$0x1], $0xffff;
	[tilespmem:s18+$0xFFFFFFE0] =	vst v4  }
0x2e: {  	v5 =	vld.idx.msk [tilespmem:v0+s17+$0xFFFFFFD0 ss:$0x1], $0xffff;
	[tilespmem:s18+$0xFFFFFFF0] =	vst v3  }
.Ltmp3:
0x2f: {  	v4 =	vld.idx.msk [tilespmem:v0+s17+$0xFFFFFFE0 ss:$0x1], $0xffff;
	[tilespmem:s18+$0x0] =	vst v1;
	(pc) =	sbr.rel @p1 .LBB1_4-.Ltmp3, $4  }
0x30: {  	v3 =	vld.idx.msk [tilespmem:v0+s17+$0xFFFFFFF0 ss:$0x1], $0xffff;
	[tilespmem:s18+$0x10] =	vst v2  }
0x31: {  	v1 =	vld.idx.msk [tilespmem:v0+s17+$0x0 ss:$0x1], $0xffff;
	[tilespmem:s18+$0x20] =	vst v6;
	s18 =	sadd.s32 $0x800, s18  }
0x32: {  	v2 =	vld.idx.msk [tilespmem:v0+s17+$0x10 ss:$0x1], $0xffff;
	[tilespmem:s18+$0x30] =	vst v7  }
0x33: {  	[tilespmem:s18+$0xFFFFFFC0] =	vst v8;
	v6 =	vld.idx.msk [tilespmem:v0+s17+$0x20 ss:$0x1], $0xffff;
	s17 =	sshra.s32 s19, $0x2;
	s19 =	sadd.s32 $0x200, s19  }
0x34: {  	_ =	sdelay $0x2  }
0x35: {  	[tilespmem:s18+$0xFFFFFFD0] =	vst v5  }
0x36: {  	v56 =	vld.idx.msk [tilespmem:v0+s17+$0x30 ss:$0x1], $0xffff;
	[tilespmem:s18+$0xFFFFFFE0] =	vst v4  }
0x37: {  	v57 =	vld.idx.msk [tilespmem:v0+s17+$0xFFFFFFC0 ss:$0x1], $0xffff;
	[tilespmem:s18+$0xFFFFFFF0] =	vst v3  }
0x38: {  	v58 =	vld.idx.msk [tilespmem:v0+s17+$0xFFFFFFD0 ss:$0x1], $0xffff;
	[tilespmem:s18+$0x0] =	vst v1  }
0x39: {  	v59 =	vld.idx.msk [tilespmem:v0+s17+$0xFFFFFFE0 ss:$0x1], $0xffff;
	[tilespmem:s18+$0x10] =	vst v2  }
0x3a: {  	v60 =	vld.idx.msk [tilespmem:v0+s17+$0xFFFFFFF0 ss:$0x1], $0xffff;
	s31 =	sadd.s32 $0x800, s18;
	[tilespmem:s18+$0x20] =	vst v6  }
0x3b: {  	v61 =	vld.idx.msk [tilespmem:v0+s17+$0x0 ss:$0x1], $0xffff;
	[tilespmem:s31+$0x30] =	vst v56  }
0x3c: {  	v62 =	vld.idx.msk [tilespmem:v0+s17+$0x10 ss:$0x1], $0xffff;
	s16 =	sadd.s32 $0x1, s16;
	[tilespmem:s31+$0xFFFFFFC0] =	vst v57  }
0x3d: {  	v63 =	vld.idx.msk [tilespmem:v0+s17+$0x20 ss:$0x1], $0xffff;
	p1 =	sne.s32 s16, $0x10;
	[tilespmem:s31+$0xFFFFFFD0] =	vst v58  }
.Ltmp4:
0x3e: {  	[tilespmem:s31+$0xFFFFFFE0] =	vst v59;
	(pc) =	sbr.rel @p1 .LBB1_3-.Ltmp4, $4  }
0x3f: {  	[tilespmem:s31+$0xFFFFFFF0] =	vst v60  }
0x40: {  	[tilespmem:s31+$0x0] =	vst v61  }
0x41: {  	[tilespmem:s31+$0x10] =	vst v62  }
0x42: {  	s13 =	sadd.s32 $0x80, s13;
	s15 =	sadd.s32 $0x400, s15;
	[tilespmem:s31+$0x20] =	vst v63  }
.Ltmp5:
0x43: {  	(pc) =	sbr.rel .LBB1_7-.Ltmp5, $4  }
0x44: {  	s12 =	sshll.u32 s12, $0xC;
	s11 =	sshll.u32 s11, $0x4  }
0x45: {  	s11 =	sand.u32 $0x1F0, s11;
	s12 =	sadd.s32 s3, s12  }
0x46: {  	s11 =	sadd.s32 s11, s12  }
0x47: {  	[hbm4b:s11+s6] =	stream.strided.scatter [tilespmem:s14], [sflag:$0x2], $0x4000, s7, s6, $0x38;
	[tilespmem:$0x10000] =	vst v63  }
.LBB1_8:
0x48: {  	_ =	sfence.sel $0x180000  }
0x49: {  	s2 =	simm.s32 $0x1;
	[bflag:$0x0] =	sbarrier.arrive $0xFFFF  }
0x4a: {  	s31 =	simm.s32 $0x2;
	[sflag:s2] =	ssyncpa.u1 $0x1  }
0x4b: {  	[sflag:s31] =	ssyncpa.u1 $0x1  }
0x4c: {  	p0 =	sne.s32 s1, $0x0;
	_ =	strace $0x9000004D  }
0x4d: {  	s0 =	sadd.s32 @!p0 $0x100000, s0;
	[bflag:$0x2] =	sbarrier.arrive $0xFFFF  }
0x4e: {  	[sflag:s0] =	ssyncadd.tile.s32 @!p0 $0x1;
	_ =	shalt  }
.Lfunc_end1:
_tile_overlayer_lowered:
.L_overlay_start_2:
0x4f: {  	(tag) =	ssettag $0x2  }
0x50: {  	s0 =	rddreg [dreg:$0x0];
	s2 =	stileid.u32  }
0x51: {  	s1 =	rddreg [dreg:$0x1];
	p0 =	sne.s32 s2, $0x0  }
0x52: {  	s3 =	rddreg [dreg:$0x2];
	[bflag:$0x3] =	sbarrier.arrive $0xFFFF;
	s2 =	simm.s32 @!p0 $0x1C01  }
0x53: {  	[timem:s3], [sflag:s2] =	dma.local @!p0 [hbm:s0], s1  }
0x54: {  	s0 =	simm.s32 @!p0 $0x1  }
0x55: {  	_ =	swait.ge @!p0 [sflag:s0], s1  }
0x56: {  	s1 =	ssub.s32 @!p0 $0x0, s1;
	[sflag:s0] =	ssyncset.done @!p0 $0x0  }
0x57: {  	[sflag:s0] =	ssyncadd.s32 @!p0 s1  }
0x58: {  	[bflag:$0x3] =	sbarrier.arrive $0xFFFF  }
0x59: {  	_ =	shalt  }

</sc_bundles>
